<compile_context>
chip_gen: v7x
topology: tpu7x:2x2x1
jax: 0.10.2.dev20260603
libtpu: 0.0.44.dev20260713+nightly
codegen_flags: <defaults>
</compile_context>

<pallas_src>
import functools

import jax
import jax.numpy as jnp
from jax import lax
from jax.experimental import pallas as pl
from jax.experimental.pallas import tpu as pltpu
from jax.experimental.pallas import tpu_sc as plsc

DELAY = 2048
NUM_ENVS = 16384

_NC = 1
_NS = 16
_NW = _NC * _NS
_BPW = NUM_ENVS // _NW
_L = 16
_CH = 128
_ND = _BPW // _CH


def _gather_body(i_hbm, buf_hbm, out_hbm, iv_v, *rest):
    idxc, (vals_v, sem) = rest[:_ND], rest[_ND:]
    wid = lax.axis_index("s") * _NC + lax.axis_index("c")
    base = wid * _BPW
    lane = lax.iota(jnp.int32, _L)

    pltpu.sync_copy(i_hbm.at[pl.ds(base, _BPW)], iv_v)

    cps = []
    for c in range(_ND):
        for k in range(_CH // _L):
            t = c * (_CH // _L) + k
            sl = pl.ds(t * _L, _L)
            iv16 = iv_v[sl]
            r16 = base + t * _L + lane
            w16 = (
                lax.shift_left(lax.shift_right_logical(r16, 3), 14)
                + lax.shift_left(lax.shift_right_logical(iv16, 7), 10)
                + lax.shift_left(r16 & 7, 7)
                + (iv16 & 127)
            )
            idxc[c][pl.ds(k * _L, _L)] = w16
        cps.append(
            pltpu.async_copy(
                buf_hbm.at[plsc.Indices(idxc[c])],
                vals_v.at[pl.ds(c * _CH, _CH)],
                sem,
            )
        )
    for cp in cps:
        cp.wait()

    pltpu.sync_copy(vals_v, out_hbm.at[pl.ds(base, _BPW)])


@functools.partial(
    pl.kernel,
    mesh=plsc.VectorSubcoreMesh(core_axis_name="c", subcore_axis_name="s", num_cores=1),
    out_type=jax.ShapeDtypeStruct((NUM_ENVS,), jnp.float32),
    scratch_types=[
        pltpu.VMEM((_BPW,), jnp.int32),
        *[pltpu.VMEM((_CH,), jnp.int32) for _ in range(_ND)],
        pltpu.VMEM((_BPW,), jnp.float32),
        pltpu.SemaphoreType.DMA,
    ],
)
def _sc_gather(i_hbm, buf_hbm, out_hbm, iv_v, *rest):
    _gather_body(i_hbm, buf_hbm, out_hbm, iv_v, *rest)


def kernel(x, buffor, i):
    del x
    flat = buffor.reshape(NUM_ENVS // 8, 8, DELAY // 128, 128)
    flat = flat.transpose(0, 2, 1, 3)
    flat = flat.reshape(NUM_ENVS * DELAY)
    return _sc_gather(i, flat)

# --- scband reference (transcript-rebuilt; emitter-appended) ---
"""Pipeline reference for scband-delay-buffor-fifo-58411555225723 (READ-ONLY COPY).

The authoritative reference and input builder live on the scoring server;
editing this copy changes nothing except your own understanding.
"""

import jax, jax.numpy as jnp
import numpy as np

DELAY = 2048
NUM_ENVS = 16384

def setup_inputs(seed: int = 0) -> dict:
    key = jax.random.key(seed)
    k1, k2, k3 = jax.random.split(key, 3)
    x = jax.random.normal(k1, (NUM_ENVS,), dtype=jnp.float32)
    # module state: delay-line buffer and per-env read/write pointer
    buffor = jax.random.normal(k2, (NUM_ENVS, DELAY), dtype=jnp.float32)
    i = jax.random.randint(k3, (NUM_ENVS,), 0, DELAY, dtype=jnp.int32)
    return {"x": x, "buffor": buffor, "i": i}

def reference(x, buffor, i):
    # torch: ans = buffor.gather(1, i.unsqueeze(1)).squeeze(1)
    ans = jnp.take_along_axis(buffor, i[:, None], axis=1).squeeze(1)
    # The in-place buffer write (buffor[:, i] = x) and pointer increment are
    # stateful side effects that do not contribute to the returned tensor;
    # forward returns only the gathered delayed samples.
    return ans

if __name__ == "__main__":
    import jax
    _d = setup_inputs()
    print(jax.jit(kernel)(*tuple(_d.values())))

</pallas_src>

<mosaic_0001>
#map = affine_map<(d0, d1) -> (0)>
module attributes {stable_mosaic.version = 14 : i64} {
  func.func @_sc_gather(%arg0: i32, %arg1: i32, %arg2: memref<16384xi32, #tpu.memory_space<hbm>>, %arg3: memref<33554432xf32, #tpu.memory_space<hbm>>, %arg4: memref<16384xf32, #tpu.memory_space<hbm>>, %arg5: memref<1024xi32, #tpu.memory_space<vmem>>, %arg6: memref<128xi32, #tpu.memory_space<vmem>>, %arg7: memref<128xi32, #tpu.memory_space<vmem>>, %arg8: memref<128xi32, #tpu.memory_space<vmem>>, %arg9: memref<128xi32, #tpu.memory_space<vmem>>, %arg10: memref<128xi32, #tpu.memory_space<vmem>>, %arg11: memref<128xi32, #tpu.memory_space<vmem>>, %arg12: memref<128xi32, #tpu.memory_space<vmem>>, %arg13: memref<128xi32, #tpu.memory_space<vmem>>, %arg14: memref<1024xf32, #tpu.memory_space<vmem>>, %arg15: memref<!tpu.dma_semaphore, #tpu.memory_space<semaphore_mem>>) attributes {dimension_semantics = [#tpu.dimension_semantics<core_parallel>, #tpu.dimension_semantics<subcore_parallel>], iteration_bounds = array<i64: 1, 16>, scalar_prefetch = 0 : i64, scratch_operands = 11 : i64, tpu.core_type = #tpu.core_type<sc_vector_subcore>, window_params = [{transform_indices = #map}, {transform_indices = #map}, {transform_indices = #map}]} {
    %mul3A = arith.constant 1 : i32
    %mul3A_0 = arith.muli %arg1, %mul3A : i32
    %add3A = arith.addi %mul3A_0, %arg0 : i32
    %mul3A_1 = arith.constant 1024 : i32
    %mul3A_2 = arith.muli %add3A, %mul3A_1 : i32
    %iota3A = tpu.iota {dimensions = array<i32: 0>} : vector<16xi32>
    "tpu.region"() ({
      %run_scoped3A = tpu.sem_alloc : memref<!tpu.dma_semaphore, #tpu.memory_space<semaphore_mem>>
      %dma_start3A_2300 = tpu.memref_slice %arg2[%mul3A_2] : memref<16384xi32, #tpu.memory_space<hbm>> -> memref<1024xi32, #tpu.memory_space<hbm>>
      %dma_start3A_2301 = tpu.memref_slice %arg2[%mul3A_2] : memref<16384xi32, #tpu.memory_space<hbm>> -> memref<1024xi32, #tpu.memory_space<hbm>>
      tpu.enqueue_dma source(%dma_start3A_2301 : memref<1024xi32, #tpu.memory_space<hbm>>) target(%arg5 : memref<1024xi32, #tpu.memory_space<vmem>>) target_semaphore(%run_scoped3A : memref<!tpu.dma_semaphore, #tpu.memory_space<semaphore_mem>>)
      %dma_wait3A_2302 = tpu.memref_slice %arg2[%mul3A_2] : memref<16384xi32, #tpu.memory_space<hbm>> -> memref<1024xi32, #tpu.memory_space<hbm>>
      %dma_wait3A_2303 = tpu.memref_slice %arg2[%mul3A_2] : memref<16384xi32, #tpu.memory_space<hbm>> -> memref<1024xi32, #tpu.memory_space<hbm>>
      tpu.wait_dma2 semaphore(%run_scoped3A : memref<!tpu.dma_semaphore, #tpu.memory_space<semaphore_mem>>) src(%dma_wait3A_2303 : memref<1024xi32, #tpu.memory_space<hbm>>) dst(%arg5 : memref<1024xi32, #tpu.memory_space<vmem>>)
      tpu.yield
    }) : () -> ()
    %get3A = arith.constant 0 : index
    %get3A_3 = tpu.vector_load %arg5[%get3A] {strides = array<i32>} : memref<1024xi32, #tpu.memory_space<vmem>>, vector<16xi32>,
    %get3A_4 = vector.shape_cast %get3A_3 : vector<16xi32> to vector<16xi32>
    %add3A_5 = arith.constant 0 : i32
    %add3A_6 = arith.addi %mul3A_2, %add3A_5 : i32
    %add3A_7 = vector.broadcast %add3A_6 : i32 to vector<16xi32>
    %add3A_8 = arith.addi %add3A_7, %iota3A : vector<16xi32>
    %shift_right_logical3A = arith.constant 3 : i32
    %shift_right_logical3A_9 = vector.broadcast %shift_right_logical3A : i32 to vector<16xi32>
    %shift_right_logical3A_10 = arith.shrui %add3A_8, %shift_right_logical3A_9 : vector<16xi32>
    %shift_left3A = arith.constant 14 : i32
    %shift_left3A_11 = vector.broadcast %shift_left3A : i32 to vector<16xi32>
    %shift_left3A_12 = arith.shli %shift_right_logical3A_10, %shift_left3A_11 : vector<16xi32>
    %shift_right_logical3A_13 = arith.constant 7 : i32
    %shift_right_logical3A_14 = vector.broadcast %shift_right_logical3A_13 : i32 to vector<16xi32>
    %shift_right_logical3A_15 = arith.shrui %get3A_4, %shift_right_logical3A_14 : vector<16xi32>
    %shift_left3A_16 = arith.constant 10 : i32
    %shift_left3A_17 = vector.broadcast %shift_left3A_16 : i32 to vector<16xi32>
    %shift_left3A_18 = arith.shli %shift_right_logical3A_15, %shift_left3A_17 : vector<16xi32>
    %add3A_19 = arith.addi %shift_left3A_12, %shift_left3A_18 : vector<16xi32>
    %and3A = arith.constant 7 : i32
    %and3A_20 = vector.broadcast %and3A : i32 to vector<16xi32>
    %and3A_21 = arith.andi %add3A_8, %and3A_20 : vector<16xi32>
    %shift_left3A_22 = arith.constant 7 : i32
    %shift_left3A_23 = vector.broadcast %shift_left3A_22 : i32 to vector<16xi32>
    %shift_left3A_24 = arith.shli %and3A_21, %shift_left3A_23 : vector<16xi32>
    %add3A_25 = arith.addi %add3A_19, %shift_left3A_24 : vector<16xi32>
    %and3A_26 = arith.constant 127 : i32
    %and3A_27 = vector.broadcast %and3A_26 : i32 to vector<16xi32>
    %and3A_28 = arith.andi %get3A_4, %and3A_27 : vector<16xi32>
    %add3A_29 = arith.addi %add3A_25, %and3A_28 : vector<16xi32>
    %swap3A = arith.constant 0 : index
    %swap3A_30 = tpu.vector_load %arg6[%swap3A] {strides = array<i32>} : memref<128xi32, #tpu.memory_space<vmem>>, vector<16xi32>,
    %swap3A_31 = vector.shape_cast %swap3A_30 : vector<16xi32> to vector<16xi32>
    %swap3A_32 = vector.shape_cast %add3A_29 : vector<16xi32> to vector<16xi32>
    tpu.vector_store %arg6[%swap3A], %swap3A_32 {strides = array<i32>} : memref<128xi32, #tpu.memory_space<vmem>>, vector<16xi32>,
    %get3A_33 = arith.constant 16 : index
    %get3A_34 = tpu.vector_load %arg5[%get3A_33] {strides = array<i32>} : memref<1024xi32, #tpu.memory_space<vmem>>, vector<16xi32>,
    %get3A_35 = vector.shape_cast %get3A_34 : vector<16xi32> to vector<16xi32>
    %add3A_36 = arith.constant 16 : i32
    %add3A_37 = arith.addi %mul3A_2, %add3A_36 : i32
    %add3A_38 = vector.broadcast %add3A_37 : i32 to vector<16xi32>
    %add3A_39 = arith.addi %add3A_38, %iota3A : vector<16xi32>
    %shift_right_logical3A_40 = arith.constant 3 : i32
    %shift_right_logical3A_41 = vector.broadcast %shift_right_logical3A_40 : i32 to vector<16xi32>
    %shift_right_logical3A_42 = arith.shrui %add3A_39, %shift_right_logical3A_41 : vector<16xi32>
    %shift_left3A_43 = arith.constant 14 : i32
    %shift_left3A_44 = vector.broadcast %shift_left3A_43 : i32 to vector<16xi32>
    %shift_left3A_45 = arith.shli %shift_right_logical3A_42, %shift_left3A_44 : vector<16xi32>
    %shift_right_logical3A_46 = arith.constant 7 : i32
    %shift_right_logical3A_47 = vector.broadcast %shift_right_logical3A_46 : i32 to vector<16xi32>
    %shift_right_logical3A_48 = arith.shrui %get3A_35, %shift_right_logical3A_47 : vector<16xi32>
    %shift_left3A_49 = arith.constant 10 : i32
    %shift_left3A_50 = vector.broadcast %shift_left3A_49 : i32 to vector<16xi32>
    %shift_left3A_51 = arith.shli %shift_right_logical3A_48, %shift_left3A_50 : vector<16xi32>
    %add3A_52 = arith.addi %shift_left3A_45, %shift_left3A_51 : vector<16xi32>
    %and3A_53 = arith.constant 7 : i32
    %and3A_54 = vector.broadcast %and3A_53 : i32 to vector<16xi32>
    %and3A_55 = arith.andi %add3A_39, %and3A_54 : vector<16xi32>
    %shift_left3A_56 = arith.constant 7 : i32
    %shift_left3A_57 = vector.broadcast %shift_left3A_56 : i32 to vector<16xi32>
    %shift_left3A_58 = arith.shli %and3A_55, %shift_left3A_57 : vector<16xi32>
    %add3A_59 = arith.addi %add3A_52, %shift_left3A_58 : vector<16xi32>
    %and3A_60 = arith.constant 127 : i32
    %and3A_61 = vector.broadcast %and3A_60 : i32 to vector<16xi32>
    %and3A_62 = arith.andi %get3A_35, %and3A_61 : vector<16xi32>
    %add3A_63 = arith.addi %add3A_59, %and3A_62 : vector<16xi32>
    %swap3A_64 = arith.constant 16 : index
    %swap3A_65 = tpu.vector_load %arg6[%swap3A_64] {strides = array<i32>} : memref<128xi32, #tpu.memory_space<vmem>>, vector<16xi32>,
    %swap3A_66 = vector.shape_cast %swap3A_65 : vector<16xi32> to vector<16xi32>
    %swap3A_67 = vector.shape_cast %add3A_63 : vector<16xi32> to vector<16xi32>
    tpu.vector_store %arg6[%swap3A_64], %swap3A_67 {strides = array<i32>} : memref<128xi32, #tpu.memory_space<vmem>>, vector<16xi32>,
    %get3A_68 = arith.constant 32 : index
    %get3A_69 = tpu.vector_load %arg5[%get3A_68] {strides = array<i32>} : memref<1024xi32, #tpu.memory_space<vmem>>, vector<16xi32>,
    %get3A_70 = vector.shape_cast %get3A_69 : vector<16xi32> to vector<16xi32>
    %add3A_71 = arith.constant 32 : i32
    %add3A_72 = arith.addi %mul3A_2, %add3A_71 : i32
    %add3A_73 = vector.broadcast %add3A_72 : i32 to vector<16xi32>
    %add3A_74 = arith.addi %add3A_73, %iota3A : vector<16xi32>
    %shift_right_logical3A_75 = arith.constant 3 : i32
    %shift_right_logical3A_76 = vector.broadcast %shift_right_logical3A_75 : i32 to vector<16xi32>
    %shift_right_logical3A_77 = arith.shrui %add3A_74, %shift_right_logical3A_76 : vector<16xi32>
    %shift_left3A_78 = arith.constant 14 : i32
    %shift_left3A_79 = vector.broadcast %shift_left3A_78 : i32 to vector<16xi32>
    %shift_left3A_80 = arith.shli %shift_right_logical3A_77, %shift_left3A_79 : vector<16xi32>
    %shift_right_logical3A_81 = arith.constant 7 : i32
    %shift_right_logical3A_82 = vector.broadcast %shift_right_logical3A_81 : i32 to vector<16xi32>
    %shift_right_logical3A_83 = arith.shrui %get3A_70, %shift_right_logical3A_82 : vector<16xi32>
    %shift_left3A_84 = arith.constant 10 : i32
    %shift_left3A_85 = vector.broadcast %shift_left3A_84 : i32 to vector<16xi32>
    %shift_left3A_86 = arith.shli %shift_right_logical3A_83, %shift_left3A_85 : vector<16xi32>
    %add3A_87 = arith.addi %shift_left3A_80, %shift_left3A_86 : vector<16xi32>
    %and3A_88 = arith.constant 7 : i32
    %and3A_89 = vector.broadcast %and3A_88 : i32 to vector<16xi32>
    %and3A_90 = arith.andi %add3A_74, %and3A_89 : vector<16xi32>
    %shift_left3A_91 = arith.constant 7 : i32
    %shift_left3A_92 = vector.broadcast %shift_left3A_91 : i32 to vector<16xi32>
    %shift_left3A_93 = arith.shli %and3A_90, %shift_left3A_92 : vector<16xi32>
    %add3A_94 = arith.addi %add3A_87, %shift_left3A_93 : vector<16xi32>
    %and3A_95 = arith.constant 127 : i32
    %and3A_96 = vector.broadcast %and3A_95 : i32 to vector<16xi32>
    %and3A_97 = arith.andi %get3A_70, %and3A_96 : vector<16xi32>
    %add3A_98 = arith.addi %add3A_94, %and3A_97 : vector<16xi32>
    %swap3A_99 = arith.constant 32 : index
    %swap3A_100 = tpu.vector_load %arg6[%swap3A_99] {strides = array<i32>} : memref<128xi32, #tpu.memory_space<vmem>>, vector<16xi32>,
    %swap3A_101 = vector.shape_cast %swap3A_100 : vector<16xi32> to vector<16xi32>
    %swap3A_102 = vector.shape_cast %add3A_98 : vector<16xi32> to vector<16xi32>
    tpu.vector_store %arg6[%swap3A_99], %swap3A_102 {strides = array<i32>} : memref<128xi32, #tpu.memory_space<vmem>>, vector<16xi32>,
    %get3A_103 = arith.constant 48 : index
    %get3A_104 = tpu.vector_load %arg5[%get3A_103] {strides = array<i32>} : memref<1024xi32, #tpu.memory_space<vmem>>, vector<16xi32>,
    %get3A_105 = vector.shape_cast %get3A_104 : vector<16xi32> to vector<16xi32>
    %add3A_106 = arith.constant 48 : i32
    %add3A_107 = arith.addi %mul3A_2, %add3A_106 : i32
    %add3A_108 = vector.broadcast %add3A_107 : i32 to vector<16xi32>
    %add3A_109 = arith.addi %add3A_108, %iota3A : vector<16xi32>
    %shift_right_logical3A_110 = arith.constant 3 : i32
    %shift_right_logical3A_111 = vector.broadcast %shift_right_logical3A_110 : i32 to vector<16xi32>
    %shift_right_logical3A_112 = arith.shrui %add3A_109, %shift_right_logical3A_111 : vector<16xi32>
    %shift_left3A_113 = arith.constant 14 : i32
    %shift_left3A_114 = vector.broadcast %shift_left3A_113 : i32 to vector<16xi32>
    %shift_left3A_115 = arith.shli %shift_right_logical3A_112, %shift_left3A_114 : vector<16xi32>
    %shift_right_logical3A_116 = arith.constant 7 : i32
    %shift_right_logical3A_117 = vector.broadcast %shift_right_logical3A_116 : i32 to vector<16xi32>
    %shift_right_logical3A_118 = arith.shrui %get3A_105, %shift_right_logical3A_117 : vector<16xi32>
    %shift_left3A_119 = arith.constant 10 : i32
    %shift_left3A_120 = vector.broadcast %shift_left3A_119 : i32 to vector<16xi32>
    %shift_left3A_121 = arith.shli %shift_right_logical3A_118, %shift_left3A_120 : vector<16xi32>
    %add3A_122 = arith.addi %shift_left3A_115, %shift_left3A_121 : vector<16xi32>
    %and3A_123 = arith.constant 7 : i32
    %and3A_124 = vector.broadcast %and3A_123 : i32 to vector<16xi32>
    %and3A_125 = arith.andi %add3A_109, %and3A_124 : vector<16xi32>
    %shift_left3A_126 = arith.constant 7 : i32
    %shift_left3A_127 = vector.broadcast %shift_left3A_126 : i32 to vector<16xi32>
    %shift_left3A_128 = arith.shli %and3A_125, %shift_left3A_127 : vector<16xi32>
    %add3A_129 = arith.addi %add3A_122, %shift_left3A_128 : vector<16xi32>
    %and3A_130 = arith.constant 127 : i32
    %and3A_131 = vector.broadcast %and3A_130 : i32 to vector<16xi32>
    %and3A_132 = arith.andi %get3A_105, %and3A_131 : vector<16xi32>
    %add3A_133 = arith.addi %add3A_129, %and3A_132 : vector<16xi32>
    %swap3A_134 = arith.constant 48 : index
    %swap3A_135 = tpu.vector_load %arg6[%swap3A_134] {strides = array<i32>} : memref<128xi32, #tpu.memory_space<vmem>>, vector<16xi32>,
    %swap3A_136 = vector.shape_cast %swap3A_135 : vector<16xi32> to vector<16xi32>
    %swap3A_137 = vector.shape_cast %add3A_133 : vector<16xi32> to vector<16xi32>
    tpu.vector_store %arg6[%swap3A_134], %swap3A_137 {strides = array<i32>} : memref<128xi32, #tpu.memory_space<vmem>>, vector<16xi32>,
    %get3A_138 = arith.constant 64 : index
    %get3A_139 = tpu.vector_load %arg5[%get3A_138] {strides = array<i32>} : memref<1024xi32, #tpu.memory_space<vmem>>, vector<16xi32>,
    %get3A_140 = vector.shape_cast %get3A_139 : vector<16xi32> to vector<16xi32>
    %add3A_141 = arith.constant 64 : i32
    %add3A_142 = arith.addi %mul3A_2, %add3A_141 : i32
    %add3A_143 = vector.broadcast %add3A_142 : i32 to vector<16xi32>
    %add3A_144 = arith.addi %add3A_143, %iota3A : vector<16xi32>
    %shift_right_logical3A_145 = arith.constant 3 : i32
    %shift_right_logical3A_146 = vector.broadcast %shift_right_logical3A_145 : i32 to vector<16xi32>
    %shift_right_logical3A_147 = arith.shrui %add3A_144, %shift_right_logical3A_146 : vector<16xi32>
    %shift_left3A_148 = arith.constant 14 : i32
    %shift_left3A_149 = vector.broadcast %shift_left3A_148 : i32 to vector<16xi32>
    %shift_left3A_150 = arith.shli %shift_right_logical3A_147, %shift_left3A_149 : vector<16xi32>
    %shift_right_logical3A_151 = arith.constant 7 : i32
    %shift_right_logical3A_152 = vector.broadcast %shift_right_logical3A_151 : i32 to vector<16xi32>
    %shift_right_logical3A_153 = arith.shrui %get3A_140, %shift_right_logical3A_152 : vector<16xi32>
    %shift_left3A_154 = arith.constant 10 : i32
    %shift_left3A_155 = vector.broadcast %shift_left3A_154 : i32 to vector<16xi32>
    %shift_left3A_156 = arith.shli %shift_right_logical3A_153, %shift_left3A_155 : vector<16xi32>
    %add3A_157 = arith.addi %shift_left3A_150, %shift_left3A_156 : vector<16xi32>
    %and3A_158 = arith.constant 7 : i32
    %and3A_159 = vector.broadcast %and3A_158 : i32 to vector<16xi32>
    %and3A_160 = arith.andi %add3A_144, %and3A_159 : vector<16xi32>
    %shift_left3A_161 = arith.constant 7 : i32
    %shift_left3A_162 = vector.broadcast %shift_left3A_161 : i32 to vector<16xi32>
    %shift_left3A_163 = arith.shli %and3A_160, %shift_left3A_162 : vector<16xi32>
    %add3A_164 = arith.addi %add3A_157, %shift_left3A_163 : vector<16xi32>
    %and3A_165 = arith.constant 127 : i32
    %and3A_166 = vector.broadcast %and3A_165 : i32 to vector<16xi32>
    %and3A_167 = arith.andi %get3A_140, %and3A_166 : vector<16xi32>
    %add3A_168 = arith.addi %add3A_164, %and3A_167 : vector<16xi32>
    %swap3A_169 = arith.constant 64 : index
    %swap3A_170 = tpu.vector_load %arg6[%swap3A_169] {strides = array<i32>} : memref<128xi32, #tpu.memory_space<vmem>>, vector<16xi32>,
    %swap3A_171 = vector.shape_cast %swap3A_170 : vector<16xi32> to vector<16xi32>
    %swap3A_172 = vector.shape_cast %add3A_168 : vector<16xi32> to vector<16xi32>
    tpu.vector_store %arg6[%swap3A_169], %swap3A_172 {strides = array<i32>} : memref<128xi32, #tpu.memory_space<vmem>>, vector<16xi32>,
    %get3A_173 = arith.constant 80 : index
    %get3A_174 = tpu.vector_load %arg5[%get3A_173] {strides = array<i32>} : memref<1024xi32, #tpu.memory_space<vmem>>, vector<16xi32>,
    %get3A_175 = vector.shape_cast %get3A_174 : vector<16xi32> to vector<16xi32>
    %add3A_176 = arith.constant 80 : i32
    %add3A_177 = arith.addi %mul3A_2, %add3A_176 : i32
    %add3A_178 = vector.broadcast %add3A_177 : i32 to vector<16xi32>
    %add3A_179 = arith.addi %add3A_178, %iota3A : vector<16xi32>
    %shift_right_logical3A_180 = arith.constant 3 : i32
    %shift_right_logical3A_181 = vector.broadcast %shift_right_logical3A_180 : i32 to vector<16xi32>
    %shift_right_logical3A_182 = arith.shrui %add3A_179, %shift_right_logical3A_181 : vector<16xi32>
    %shift_left3A_183 = arith.constant 14 : i32
    %shift_left3A_184 = vector.broadcast %shift_left3A_183 : i32 to vector<16xi32>
    %shift_left3A_185 = arith.shli %shift_right_logical3A_182, %shift_left3A_184 : vector<16xi32>
    %shift_right_logical3A_186 = arith.constant 7 : i32
    %shift_right_logical3A_187 = vector.broadcast %shift_right_logical3A_186 : i32 to vector<16xi32>
    %shift_right_logical3A_188 = arith.shrui %get3A_175, %shift_right_logical3A_187 : vector<16xi32>
    %shift_left3A_189 = arith.constant 10 : i32
    %shift_left3A_190 = vector.broadcast %shift_left3A_189 : i32 to vector<16xi32>
    %shift_left3A_191 = arith.shli %shift_right_logical3A_188, %shift_left3A_190 : vector<16xi32>
    %add3A_192 = arith.addi %shift_left3A_185, %shift_left3A_191 : vector<16xi32>
    %and3A_193 = arith.constant 7 : i32
    %and3A_194 = vector.broadcast %and3A_193 : i32 to vector<16xi32>
    %and3A_195 = arith.andi %add3A_179, %and3A_194 : vector<16xi32>
    %shift_left3A_196 = arith.constant 7 : i32
    %shift_left3A_197 = vector.broadcast %shift_left3A_196 : i32 to vector<16xi32>
    %shift_left3A_198 = arith.shli %and3A_195, %shift_left3A_197 : vector<16xi32>
    %add3A_199 = arith.addi %add3A_192, %shift_left3A_198 : vector<16xi32>
    %and3A_200 = arith.constant 127 : i32
    %and3A_201 = vector.broadcast %and3A_200 : i32 to vector<16xi32>
    %and3A_202 = arith.andi %get3A_175, %and3A_201 : vector<16xi32>
    %add3A_203 = arith.addi %add3A_199, %and3A_202 : vector<16xi32>
    %swap3A_204 = arith.constant 80 : index
    %swap3A_205 = tpu.vector_load %arg6[%swap3A_204] {strides = array<i32>} : memref<128xi32, #tpu.memory_space<vmem>>, vector<16xi32>,
    %swap3A_206 = vector.shape_cast %swap3A_205 : vector<16xi32> to vector<16xi32>
    %swap3A_207 = vector.shape_cast %add3A_203 : vector<16xi32> to vector<16xi32>
    tpu.vector_store %arg6[%swap3A_204], %swap3A_207 {strides = array<i32>} : memref<128xi32, #tpu.memory_space<vmem>>, vector<16xi32>,
    %get3A_208 = arith.constant 96 : index
    %get3A_209 = tpu.vector_load %arg5[%get3A_208] {strides = array<i32>} : memref<1024xi32, #tpu.memory_space<vmem>>, vector<16xi32>,
    %get3A_210 = vector.shape_cast %get3A_209 : vector<16xi32> to vector<16xi32>
    %add3A_211 = arith.constant 96 : i32
    %add3A_212 = arith.addi %mul3A_2, %add3A_211 : i32
    %add3A_213 = vector.broadcast %add3A_212 : i32 to vector<16xi32>
    %add3A_214 = arith.addi %add3A_213, %iota3A : vector<16xi32>
    %shift_right_logical3A_215 = arith.constant 3 : i32
    %shift_right_logical3A_216 = vector.broadcast %shift_right_logical3A_215 : i32 to vector<16xi32>
    %shift_right_logical3A_217 = arith.shrui %add3A_214, %shift_right_logical3A_216 : vector<16xi32>
    %shift_left3A_218 = arith.constant 14 : i32
    %shift_left3A_219 = vector.broadcast %shift_left3A_218 : i32 to vector<16xi32>
    %shift_left3A_220 = arith.shli %shift_right_logical3A_217, %shift_left3A_219 : vector<16xi32>
    %shift_right_logical3A_221 = arith.constant 7 : i32
    %shift_right_logical3A_222 = vector.broadcast %shift_right_logical3A_221 : i32 to vector<16xi32>
    %shift_right_logical3A_223 = arith.shrui %get3A_210, %shift_right_logical3A_222 : vector<16xi32>
    %shift_left3A_224 = arith.constant 10 : i32
    %shift_left3A_225 = vector.broadcast %shift_left3A_224 : i32 to vector<16xi32>
    %shift_left3A_226 = arith.shli %shift_right_logical3A_223, %shift_left3A_225 : vector<16xi32>
    %add3A_227 = arith.addi %shift_left3A_220, %shift_left3A_226 : vector<16xi32>
    %and3A_228 = arith.constant 7 : i32
    %and3A_229 = vector.broadcast %and3A_228 : i32 to vector<16xi32>
    %and3A_230 = arith.andi %add3A_214, %and3A_229 : vector<16xi32>
    %shift_left3A_231 = arith.constant 7 : i32
    %shift_left3A_232 = vector.broadcast %shift_left3A_231 : i32 to vector<16xi32>
    %shift_left3A_233 = arith.shli %and3A_230, %shift_left3A_232 : vector<16xi32>
    %add3A_234 = arith.addi %add3A_227, %shift_left3A_233 : vector<16xi32>
    %and3A_235 = arith.constant 127 : i32
    %and3A_236 = vector.broadcast %and3A_235 : i32 to vector<16xi32>
    %and3A_237 = arith.andi %get3A_210, %and3A_236 : vector<16xi32>
    %add3A_238 = arith.addi %add3A_234, %and3A_237 : vector<16xi32>
    %swap3A_239 = arith.constant 96 : index
    %swap3A_240 = tpu.vector_load %arg6[%swap3A_239] {strides = array<i32>} : memref<128xi32, #tpu.memory_space<vmem>>, vector<16xi32>,
    %swap3A_241 = vector.shape_cast %swap3A_240 : vector<16xi32> to vector<16xi32>
    %swap3A_242 = vector.shape_cast %add3A_238 : vector<16xi32> to vector<16xi32>
    tpu.vector_store %arg6[%swap3A_239], %swap3A_242 {strides = array<i32>} : memref<128xi32, #tpu.memory_space<vmem>>, vector<16xi32>,
    %get3A_243 = arith.constant 112 : index
    %get3A_244 = tpu.vector_load %arg5[%get3A_243] {strides = array<i32>} : memref<1024xi32, #tpu.memory_space<vmem>>, vector<16xi32>,
    %get3A_245 = vector.shape_cast %get3A_244 : vector<16xi32> to vector<16xi32>
    %add3A_246 = arith.constant 112 : i32
    %add3A_247 = arith.addi %mul3A_2, %add3A_246 : i32
    %add3A_248 = vector.broadcast %add3A_247 : i32 to vector<16xi32>
    %add3A_249 = arith.addi %add3A_248, %iota3A : vector<16xi32>
    %shift_right_logical3A_250 = arith.constant 3 : i32
    %shift_right_logical3A_251 = vector.broadcast %shift_right_logical3A_250 : i32 to vector<16xi32>
    %shift_right_logical3A_252 = arith.shrui %add3A_249, %shift_right_logical3A_251 : vector<16xi32>
    %shift_left3A_253 = arith.constant 14 : i32
    %shift_left3A_254 = vector.broadcast %shift_left3A_253 : i32 to vector<16xi32>
    %shift_left3A_255 = arith.shli %shift_right_logical3A_252, %shift_left3A_254 : vector<16xi32>
    %shift_right_logical3A_256 = arith.constant 7 : i32
    %shift_right_logical3A_257 = vector.broadcast %shift_right_logical3A_256 : i32 to vector<16xi32>
    %shift_right_logical3A_258 = arith.shrui %get3A_245, %shift_right_logical3A_257 : vector<16xi32>
    %shift_left3A_259 = arith.constant 10 : i32
    %shift_left3A_260 = vector.broadcast %shift_left3A_259 : i32 to vector<16xi32>
    %shift_left3A_261 = arith.shli %shift_right_logical3A_258, %shift_left3A_260 : vector<16xi32>
    %add3A_262 = arith.addi %shift_left3A_255, %shift_left3A_261 : vector<16xi32>
    %and3A_263 = arith.constant 7 : i32
    %and3A_264 = vector.broadcast %and3A_263 : i32 to vector<16xi32>
    %and3A_265 = arith.andi %add3A_249, %and3A_264 : vector<16xi32>
    %shift_left3A_266 = arith.constant 7 : i32
    %shift_left3A_267 = vector.broadcast %shift_left3A_266 : i32 to vector<16xi32>
    %shift_left3A_268 = arith.shli %and3A_265, %shift_left3A_267 : vector<16xi32>
    %add3A_269 = arith.addi %add3A_262, %shift_left3A_268 : vector<16xi32>
    %and3A_270 = arith.constant 127 : i32
    %and3A_271 = vector.broadcast %and3A_270 : i32 to vector<16xi32>
    %and3A_272 = arith.andi %get3A_245, %and3A_271 : vector<16xi32>
    %add3A_273 = arith.addi %add3A_269, %and3A_272 : vector<16xi32>
    %swap3A_274 = arith.constant 112 : index
    %swap3A_275 = tpu.vector_load %arg6[%swap3A_274] {strides = array<i32>} : memref<128xi32, #tpu.memory_space<vmem>>, vector<16xi32>,
    %swap3A_276 = vector.shape_cast %swap3A_275 : vector<16xi32> to vector<16xi32>
    %swap3A_277 = vector.shape_cast %add3A_273 : vector<16xi32> to vector<16xi32>
    tpu.vector_store %arg6[%swap3A_274], %swap3A_277 {strides = array<i32>} : memref<128xi32, #tpu.memory_space<vmem>>, vector<16xi32>,
    %dma_start3A = arith.constant 0 : i32
    %dma_start3A_278 = tpu.memref_slice %arg14[%dma_start3A] : memref<1024xf32, #tpu.memory_space<vmem>> -> memref<128xf32, #tpu.memory_space<vmem>>
    %dma_start3A_279 = arith.constant 0 : i32
    %dma_start3A_280 = tpu.memref_slice %arg3[%dma_start3A_279] : memref<33554432xf32, #tpu.memory_space<hbm>> -> memref<33554432xf32, #tpu.memory_space<hbm>>
    tpu.enqueue_indirect_dma source(%dma_start3A_280 : memref<33554432xf32, #tpu.memory_space<hbm>>) target(%dma_start3A_278 : memref<128xf32, #tpu.memory_space<vmem>>) offsets(%arg6 : memref<128xi32, #tpu.memory_space<vmem>>) semaphore(%arg15 : memref<!tpu.dma_semaphore, #tpu.memory_space<semaphore_mem>>)
    %get3A_281 = arith.constant 128 : index
    %get3A_282 = tpu.vector_load %arg5[%get3A_281] {strides = array<i32>} : memref<1024xi32, #tpu.memory_space<vmem>>, vector<16xi32>,
    %get3A_283 = vector.shape_cast %get3A_282 : vector<16xi32> to vector<16xi32>
    %add3A_284 = arith.constant 128 : i32
    %add3A_285 = arith.addi %mul3A_2, %add3A_284 : i32
    %add3A_286 = vector.broadcast %add3A_285 : i32 to vector<16xi32>
    %add3A_287 = arith.addi %add3A_286, %iota3A : vector<16xi32>
    %shift_right_logical3A_288 = arith.constant 3 : i32
    %shift_right_logical3A_289 = vector.broadcast %shift_right_logical3A_288 : i32 to vector<16xi32>
    %shift_right_logical3A_290 = arith.shrui %add3A_287, %shift_right_logical3A_289 : vector<16xi32>
    %shift_left3A_291 = arith.constant 14 : i32
    %shift_left3A_292 = vector.broadcast %shift_left3A_291 : i32 to vector<16xi32>
    %shift_left3A_293 = arith.shli %shift_right_logical3A_290, %shift_left3A_292 : vector<16xi32>
    %shift_right_logical3A_294 = arith.constant 7 : i32
    %shift_right_logical3A_295 = vector.broadcast %shift_right_logical3A_294 : i32 to vector<16xi32>
    %shift_right_logical3A_296 = arith.shrui %get3A_283, %shift_right_logical3A_295 : vector<16xi32>
    %shift_left3A_297 = arith.constant 10 : i32
    %shift_left3A_298 = vector.broadcast %shift_left3A_297 : i32 to vector<16xi32>
    %shift_left3A_299 = arith.shli %shift_right_logical3A_296, %shift_left3A_298 : vector<16xi32>
    %add3A_300 = arith.addi %shift_left3A_293, %shift_left3A_299 : vector<16xi32>
    %and3A_301 = arith.constant 7 : i32
    %and3A_302 = vector.broadcast %and3A_301 : i32 to vector<16xi32>
    %and3A_303 = arith.andi %add3A_287, %and3A_302 : vector<16xi32>
    %shift_left3A_304 = arith.constant 7 : i32
    %shift_left3A_305 = vector.broadcast %shift_left3A_304 : i32 to vector<16xi32>
    %shift_left3A_306 = arith.shli %and3A_303, %shift_left3A_305 : vector<16xi32>
    %add3A_307 = arith.addi %add3A_300, %shift_left3A_306 : vector<16xi32>
    %and3A_308 = arith.constant 127 : i32
    %and3A_309 = vector.broadcast %and3A_308 : i32 to vector<16xi32>
    %and3A_310 = arith.andi %get3A_283, %and3A_309 : vector<16xi32>
    %add3A_311 = arith.addi %add3A_307, %and3A_310 : vector<16xi32>
    %swap3A_312 = arith.constant 0 : index
    %swap3A_313 = tpu.vector_load %arg7[%swap3A_312] {strides = array<i32>} : memref<128xi32, #tpu.memory_space<vmem>>, vector<16xi32>,
    %swap3A_314 = vector.shape_cast %swap3A_313 : vector<16xi32> to vector<16xi32>
    %swap3A_315 = vector.shape_cast %add3A_311 : vector<16xi32> to vector<16xi32>
    tpu.vector_store %arg7[%swap3A_312], %swap3A_315 {strides = array<i32>} : memref<128xi32, #tpu.memory_space<vmem>>, vector<16xi32>,
    %get3A_316 = arith.constant 144 : index
    %get3A_317 = tpu.vector_load %arg5[%get3A_316] {strides = array<i32>} : memref<1024xi32, #tpu.memory_space<vmem>>, vector<16xi32>,
    %get3A_318 = vector.shape_cast %get3A_317 : vector<16xi32> to vector<16xi32>
    %add3A_319 = arith.constant 144 : i32
    %add3A_320 = arith.addi %mul3A_2, %add3A_319 : i32
    %add3A_321 = vector.broadcast %add3A_320 : i32 to vector<16xi32>
    %add3A_322 = arith.addi %add3A_321, %iota3A : vector<16xi32>
    %shift_right_logical3A_323 = arith.constant 3 : i32
    %shift_right_logical3A_324 = vector.broadcast %shift_right_logical3A_323 : i32 to vector<16xi32>
    %shift_right_logical3A_325 = arith.shrui %add3A_322, %shift_right_logical3A_324 : vector<16xi32>
    %shift_left3A_326 = arith.constant 14 : i32
    %shift_left3A_327 = vector.broadcast %shift_left3A_326 : i32 to vector<16xi32>
    %shift_left3A_328 = arith.shli %shift_right_logical3A_325, %shift_left3A_327 : vector<16xi32>
    %shift_right_logical3A_329 = arith.constant 7 : i32
    %shift_right_logical3A_330 = vector.broadcast %shift_right_logical3A_329 : i32 to vector<16xi32>
    %shift_right_logical3A_331 = arith.shrui %get3A_318, %shift_right_logical3A_330 : vector<16xi32>
    %shift_left3A_332 = arith.constant 10 : i32
    %shift_left3A_333 = vector.broadcast %shift_left3A_332 : i32 to vector<16xi32>
    %shift_left3A_334 = arith.shli %shift_right_logical3A_331, %shift_left3A_333 : vector<16xi32>
    %add3A_335 = arith.addi %shift_left3A_328, %shift_left3A_334 : vector<16xi32>
    %and3A_336 = arith.constant 7 : i32
    %and3A_337 = vector.broadcast %and3A_336 : i32 to vector<16xi32>
    %and3A_338 = arith.andi %add3A_322, %and3A_337 : vector<16xi32>
    %shift_left3A_339 = arith.constant 7 : i32
    %shift_left3A_340 = vector.broadcast %shift_left3A_339 : i32 to vector<16xi32>
    %shift_left3A_341 = arith.shli %and3A_338, %shift_left3A_340 : vector<16xi32>
    %add3A_342 = arith.addi %add3A_335, %shift_left3A_341 : vector<16xi32>
    %and3A_343 = arith.constant 127 : i32
    %and3A_344 = vector.broadcast %and3A_343 : i32 to vector<16xi32>
    %and3A_345 = arith.andi %get3A_318, %and3A_344 : vector<16xi32>
    %add3A_346 = arith.addi %add3A_342, %and3A_345 : vector<16xi32>
    %swap3A_347 = arith.constant 16 : index
    %swap3A_348 = tpu.vector_load %arg7[%swap3A_347] {strides = array<i32>} : memref<128xi32, #tpu.memory_space<vmem>>, vector<16xi32>,
    %swap3A_349 = vector.shape_cast %swap3A_348 : vector<16xi32> to vector<16xi32>
    %swap3A_350 = vector.shape_cast %add3A_346 : vector<16xi32> to vector<16xi32>
    tpu.vector_store %arg7[%swap3A_347], %swap3A_350 {strides = array<i32>} : memref<128xi32, #tpu.memory_space<vmem>>, vector<16xi32>,
    %get3A_351 = arith.constant 160 : index
    %get3A_352 = tpu.vector_load %arg5[%get3A_351] {strides = array<i32>} : memref<1024xi32, #tpu.memory_space<vmem>>, vector<16xi32>,
    %get3A_353 = vector.shape_cast %get3A_352 : vector<16xi32> to vector<16xi32>
    %add3A_354 = arith.constant 160 : i32
    %add3A_355 = arith.addi %mul3A_2, %add3A_354 : i32
    %add3A_356 = vector.broadcast %add3A_355 : i32 to vector<16xi32>
    %add3A_357 = arith.addi %add3A_356, %iota3A : vector<16xi32>
    %shift_right_logical3A_358 = arith.constant 3 : i32
    %shift_right_logical3A_359 = vector.broadcast %shift_right_logical3A_358 : i32 to vector<16xi32>
    %shift_right_logical3A_360 = arith.shrui %add3A_357, %shift_right_logical3A_359 : vector<16xi32>
    %shift_left3A_361 = arith.constant 14 : i32
    %shift_left3A_362 = vector.broadcast %shift_left3A_361 : i32 to vector<16xi32>
    %shift_left3A_363 = arith.shli %shift_right_logical3A_360, %shift_left3A_362 : vector<16xi32>
    %shift_right_logical3A_364 = arith.constant 7 : i32
    %shift_right_logical3A_365 = vector.broadcast %shift_right_logical3A_364 : i32 to vector<16xi32>
    %shift_right_logical3A_366 = arith.shrui %get3A_353, %shift_right_logical3A_365 : vector<16xi32>
    %shift_left3A_367 = arith.constant 10 : i32
    %shift_left3A_368 = vector.broadcast %shift_left3A_367 : i32 to vector<16xi32>
    %shift_left3A_369 = arith.shli %shift_right_logical3A_366, %shift_left3A_368 : vector<16xi32>
    %add3A_370 = arith.addi %shift_left3A_363, %shift_left3A_369 : vector<16xi32>
    %and3A_371 = arith.constant 7 : i32
    %and3A_372 = vector.broadcast %and3A_371 : i32 to vector<16xi32>
    %and3A_373 = arith.andi %add3A_357, %and3A_372 : vector<16xi32>
    %shift_left3A_374 = arith.constant 7 : i32
    %shift_left3A_375 = vector.broadcast %shift_left3A_374 : i32 to vector<16xi32>
    %shift_left3A_376 = arith.shli %and3A_373, %shift_left3A_375 : vector<16xi32>
    %add3A_377 = arith.addi %add3A_370, %shift_left3A_376 : vector<16xi32>
    %and3A_378 = arith.constant 127 : i32
    %and3A_379 = vector.broadcast %and3A_378 : i32 to vector<16xi32>
    %and3A_380 = arith.andi %get3A_353, %and3A_379 : vector<16xi32>
    %add3A_381 = arith.addi %add3A_377, %and3A_380 : vector<16xi32>
    %swap3A_382 = arith.constant 32 : index
    %swap3A_383 = tpu.vector_load %arg7[%swap3A_382] {strides = array<i32>} : memref<128xi32, #tpu.memory_space<vmem>>, vector<16xi32>,
    %swap3A_384 = vector.shape_cast %swap3A_383 : vector<16xi32> to vector<16xi32>
    %swap3A_385 = vector.shape_cast %add3A_381 : vector<16xi32> to vector<16xi32>
    tpu.vector_store %arg7[%swap3A_382], %swap3A_385 {strides = array<i32>} : memref<128xi32, #tpu.memory_space<vmem>>, vector<16xi32>,
    %get3A_386 = arith.constant 176 : index
    %get3A_387 = tpu.vector_load %arg5[%get3A_386] {strides = array<i32>} : memref<1024xi32, #tpu.memory_space<vmem>>, vector<16xi32>,
    %get3A_388 = vector.shape_cast %get3A_387 : vector<16xi32> to vector<16xi32>
    %add3A_389 = arith.constant 176 : i32
    %add3A_390 = arith.addi %mul3A_2, %add3A_389 : i32
    %add3A_391 = vector.broadcast %add3A_390 : i32 to vector<16xi32>
    %add3A_392 = arith.addi %add3A_391, %iota3A : vector<16xi32>
    %shift_right_logical3A_393 = arith.constant 3 : i32
    %shift_right_logical3A_394 = vector.broadcast %shift_right_logical3A_393 : i32 to vector<16xi32>
    %shift_right_logical3A_395 = arith.shrui %add3A_392, %shift_right_logical3A_394 : vector<16xi32>
    %shift_left3A_396 = arith.constant 14 : i32
    %shift_left3A_397 = vector.broadcast %shift_left3A_396 : i32 to vector<16xi32>
    %shift_left3A_398 = arith.shli %shift_right_logical3A_395, %shift_left3A_397 : vector<16xi32>
    %shift_right_logical3A_399 = arith.constant 7 : i32
    %shift_right_logical3A_400 = vector.broadcast %shift_right_logical3A_399 : i32 to vector<16xi32>
    %shift_right_logical3A_401 = arith.shrui %get3A_388, %shift_right_logical3A_400 : vector<16xi32>
    %shift_left3A_402 = arith.constant 10 : i32
    %shift_left3A_403 = vector.broadcast %shift_left3A_402 : i32 to vector<16xi32>
    %shift_left3A_404 = arith.shli %shift_right_logical3A_401, %shift_left3A_403 : vector<16xi32>
    %add3A_405 = arith.addi %shift_left3A_398, %shift_left3A_404 : vector<16xi32>
    %and3A_406 = arith.constant 7 : i32
    %and3A_407 = vector.broadcast %and3A_406 : i32 to vector<16xi32>
    %and3A_408 = arith.andi %add3A_392, %and3A_407 : vector<16xi32>
    %shift_left3A_409 = arith.constant 7 : i32
    %shift_left3A_410 = vector.broadcast %shift_left3A_409 : i32 to vector<16xi32>
    %shift_left3A_411 = arith.shli %and3A_408, %shift_left3A_410 : vector<16xi32>
    %add3A_412 = arith.addi %add3A_405, %shift_left3A_411 : vector<16xi32>
    %and3A_413 = arith.constant 127 : i32
    %and3A_414 = vector.broadcast %and3A_413 : i32 to vector<16xi32>
    %and3A_415 = arith.andi %get3A_388, %and3A_414 : vector<16xi32>
    %add3A_416 = arith.addi %add3A_412, %and3A_415 : vector<16xi32>
    %swap3A_417 = arith.constant 48 : index
    %swap3A_418 = tpu.vector_load %arg7[%swap3A_417] {strides = array<i32>} : memref<128xi32, #tpu.memory_space<vmem>>, vector<16xi32>,
    %swap3A_419 = vector.shape_cast %swap3A_418 : vector<16xi32> to vector<16xi32>
    %swap3A_420 = vector.shape_cast %add3A_416 : vector<16xi32> to vector<16xi32>
    tpu.vector_store %arg7[%swap3A_417], %swap3A_420 {strides = array<i32>} : memref<128xi32, #tpu.memory_space<vmem>>, vector<16xi32>,
    %get3A_421 = arith.constant 192 : index
    %get3A_422 = tpu.vector_load %arg5[%get3A_421] {strides = array<i32>} : memref<1024xi32, #tpu.memory_space<vmem>>, vector<16xi32>,
    %get3A_423 = vector.shape_cast %get3A_422 : vector<16xi32> to vector<16xi32>
    %add3A_424 = arith.constant 192 : i32
    %add3A_425 = arith.addi %mul3A_2, %add3A_424 : i32
    %add3A_426 = vector.broadcast %add3A_425 : i32 to vector<16xi32>
    %add3A_427 = arith.addi %add3A_426, %iota3A : vector<16xi32>
    %shift_right_logical3A_428 = arith.constant 3 : i32
    %shift_right_logical3A_429 = vector.broadcast %shift_right_logical3A_428 : i32 to vector<16xi32>
    %shift_right_logical3A_430 = arith.shrui %add3A_427, %shift_right_logical3A_429 : vector<16xi32>
    %shift_left3A_431 = arith.constant 14 : i32
    %shift_left3A_432 = vector.broadcast %shift_left3A_431 : i32 to vector<16xi32>
    %shift_left3A_433 = arith.shli %shift_right_logical3A_430, %shift_left3A_432 : vector<16xi32>
    %shift_right_logical3A_434 = arith.constant 7 : i32
    %shift_right_logical3A_435 = vector.broadcast %shift_right_logical3A_434 : i32 to vector<16xi32>
    %shift_right_logical3A_436 = arith.shrui %get3A_423, %shift_right_logical3A_435 : vector<16xi32>
    %shift_left3A_437 = arith.constant 10 : i32
    %shift_left3A_438 = vector.broadcast %shift_left3A_437 : i32 to vector<16xi32>
    %shift_left3A_439 = arith.shli %shift_right_logical3A_436, %shift_left3A_438 : vector<16xi32>
    %add3A_440 = arith.addi %shift_left3A_433, %shift_left3A_439 : vector<16xi32>
    %and3A_441 = arith.constant 7 : i32
    %and3A_442 = vector.broadcast %and3A_441 : i32 to vector<16xi32>
    %and3A_443 = arith.andi %add3A_427, %and3A_442 : vector<16xi32>
    %shift_left3A_444 = arith.constant 7 : i32
    %shift_left3A_445 = vector.broadcast %shift_left3A_444 : i32 to vector<16xi32>
    %shift_left3A_446 = arith.shli %and3A_443, %shift_left3A_445 : vector<16xi32>
    %add3A_447 = arith.addi %add3A_440, %shift_left3A_446 : vector<16xi32>
    %and3A_448 = arith.constant 127 : i32
    %and3A_449 = vector.broadcast %and3A_448 : i32 to vector<16xi32>
    %and3A_450 = arith.andi %get3A_423, %and3A_449 : vector<16xi32>
    %add3A_451 = arith.addi %add3A_447, %and3A_450 : vector<16xi32>
    %swap3A_452 = arith.constant 64 : index
    %swap3A_453 = tpu.vector_load %arg7[%swap3A_452] {strides = array<i32>} : memref<128xi32, #tpu.memory_space<vmem>>, vector<16xi32>,
    %swap3A_454 = vector.shape_cast %swap3A_453 : vector<16xi32> to vector<16xi32>
    %swap3A_455 = vector.shape_cast %add3A_451 : vector<16xi32> to vector<16xi32>
    tpu.vector_store %arg7[%swap3A_452], %swap3A_455 {strides = array<i32>} : memref<128xi32, #tpu.memory_space<vmem>>, vector<16xi32>,
    %get3A_456 = arith.constant 208 : index
    %get3A_457 = tpu.vector_load %arg5[%get3A_456] {strides = array<i32>} : memref<1024xi32, #tpu.memory_space<vmem>>, vector<16xi32>,
    %get3A_458 = vector.shape_cast %get3A_457 : vector<16xi32> to vector<16xi32>
    %add3A_459 = arith.constant 208 : i32
    %add3A_460 = arith.addi %mul3A_2, %add3A_459 : i32
    %add3A_461 = vector.broadcast %add3A_460 : i32 to vector<16xi32>
    %add3A_462 = arith.addi %add3A_461, %iota3A : vector<16xi32>
    %shift_right_logical3A_463 = arith.constant 3 : i32
    %shift_right_logical3A_464 = vector.broadcast %shift_right_logical3A_463 : i32 to vector<16xi32>
    %shift_right_logical3A_465 = arith.shrui %add3A_462, %shift_right_logical3A_464 : vector<16xi32>
    %shift_left3A_466 = arith.constant 14 : i32
    %shift_left3A_467 = vector.broadcast %shift_left3A_466 : i32 to vector<16xi32>
    %shift_left3A_468 = arith.shli %shift_right_logical3A_465, %shift_left3A_467 : vector<16xi32>
    %shift_right_logical3A_469 = arith.constant 7 : i32
    %shift_right_logical3A_470 = vector.broadcast %shift_right_logical3A_469 : i32 to vector<16xi32>
    %shift_right_logical3A_471 = arith.shrui %get3A_458, %shift_right_logical3A_470 : vector<16xi32>
    %shift_left3A_472 = arith.constant 10 : i32
    %shift_left3A_473 = vector.broadcast %shift_left3A_472 : i32 to vector<16xi32>
    %shift_left3A_474 = arith.shli %shift_right_logical3A_471, %shift_left3A_473 : vector<16xi32>
    %add3A_475 = arith.addi %shift_left3A_468, %shift_left3A_474 : vector<16xi32>
    %and3A_476 = arith.constant 7 : i32
    %and3A_477 = vector.broadcast %and3A_476 : i32 to vector<16xi32>
    %and3A_478 = arith.andi %add3A_462, %and3A_477 : vector<16xi32>
    %shift_left3A_479 = arith.constant 7 : i32
    %shift_left3A_480 = vector.broadcast %shift_left3A_479 : i32 to vector<16xi32>
    %shift_left3A_481 = arith.shli %and3A_478, %shift_left3A_480 : vector<16xi32>
    %add3A_482 = arith.addi %add3A_475, %shift_left3A_481 : vector<16xi32>
    %and3A_483 = arith.constant 127 : i32
    %and3A_484 = vector.broadcast %and3A_483 : i32 to vector<16xi32>
    %and3A_485 = arith.andi %get3A_458, %and3A_484 : vector<16xi32>
    %add3A_486 = arith.addi %add3A_482, %and3A_485 : vector<16xi32>
    %swap3A_487 = arith.constant 80 : index
    %swap3A_488 = tpu.vector_load %arg7[%swap3A_487] {strides = array<i32>} : memref<128xi32, #tpu.memory_space<vmem>>, vector<16xi32>,
    %swap3A_489 = vector.shape_cast %swap3A_488 : vector<16xi32> to vector<16xi32>
    %swap3A_490 = vector.shape_cast %add3A_486 : vector<16xi32> to vector<16xi32>
    tpu.vector_store %arg7[%swap3A_487], %swap3A_490 {strides = array<i32>} : memref<128xi32, #tpu.memory_space<vmem>>, vector<16xi32>,
    %get3A_491 = arith.constant 224 : index
    %get3A_492 = tpu.vector_load %arg5[%get3A_491] {strides = array<i32>} : memref<1024xi32, #tpu.memory_space<vmem>>, vector<16xi32>,
    %get3A_493 = vector.shape_cast %get3A_492 : vector<16xi32> to vector<16xi32>
    %add3A_494 = arith.constant 224 : i32
    %add3A_495 = arith.addi %mul3A_2, %add3A_494 : i32
    %add3A_496 = vector.broadcast %add3A_495 : i32 to vector<16xi32>
    %add3A_497 = arith.addi %add3A_496, %iota3A : vector<16xi32>
    %shift_right_logical3A_498 = arith.constant 3 : i32
    %shift_right_logical3A_499 = vector.broadcast %shift_right_logical3A_498 : i32 to vector<16xi32>
    %shift_right_logical3A_500 = arith.shrui %add3A_497, %shift_right_logical3A_499 : vector<16xi32>
    %shift_left3A_501 = arith.constant 14 : i32
    %shift_left3A_502 = vector.broadcast %shift_left3A_501 : i32 to vector<16xi32>
    %shift_left3A_503 = arith.shli %shift_right_logical3A_500, %shift_left3A_502 : vector<16xi32>
    %shift_right_logical3A_504 = arith.constant 7 : i32
    %shift_right_logical3A_505 = vector.broadcast %shift_right_logical3A_504 : i32 to vector<16xi32>
    %shift_right_logical3A_506 = arith.shrui %get3A_493, %shift_right_logical3A_505 : vector<16xi32>
    %shift_left3A_507 = arith.constant 10 : i32
    %shift_left3A_508 = vector.broadcast %shift_left3A_507 : i32 to vector<16xi32>
    %shift_left3A_509 = arith.shli %shift_right_logical3A_506, %shift_left3A_508 : vector<16xi32>
    %add3A_510 = arith.addi %shift_left3A_503, %shift_left3A_509 : vector<16xi32>
    %and3A_511 = arith.constant 7 : i32
    %and3A_512 = vector.broadcast %and3A_511 : i32 to vector<16xi32>
    %and3A_513 = arith.andi %add3A_497, %and3A_512 : vector<16xi32>
    %shift_left3A_514 = arith.constant 7 : i32
    %shift_left3A_515 = vector.broadcast %shift_left3A_514 : i32 to vector<16xi32>
    %shift_left3A_516 = arith.shli %and3A_513, %shift_left3A_515 : vector<16xi32>
    %add3A_517 = arith.addi %add3A_510, %shift_left3A_516 : vector<16xi32>
    %and3A_518 = arith.constant 127 : i32
    %and3A_519 = vector.broadcast %and3A_518 : i32 to vector<16xi32>
    %and3A_520 = arith.andi %get3A_493, %and3A_519 : vector<16xi32>
    %add3A_521 = arith.addi %add3A_517, %and3A_520 : vector<16xi32>
    %swap3A_522 = arith.constant 96 : index
    %swap3A_523 = tpu.vector_load %arg7[%swap3A_522] {strides = array<i32>} : memref<128xi32, #tpu.memory_space<vmem>>, vector<16xi32>,
    %swap3A_524 = vector.shape_cast %swap3A_523 : vector<16xi32> to vector<16xi32>
    %swap3A_525 = vector.shape_cast %add3A_521 : vector<16xi32> to vector<16xi32>
    tpu.vector_store %arg7[%swap3A_522], %swap3A_525 {strides = array<i32>} : memref<128xi32, #tpu.memory_space<vmem>>, vector<16xi32>,
    %get3A_526 = arith.constant 240 : index
    %get3A_527 = tpu.vector_load %arg5[%get3A_526] {strides = array<i32>} : memref<1024xi32, #tpu.memory_space<vmem>>, vector<16xi32>,
    %get3A_528 = vector.shape_cast %get3A_527 : vector<16xi32> to vector<16xi32>
    %add3A_529 = arith.constant 240 : i32
    %add3A_530 = arith.addi %mul3A_2, %add3A_529 : i32
    %add3A_531 = vector.broadcast %add3A_530 : i32 to vector<16xi32>
    %add3A_532 = arith.addi %add3A_531, %iota3A : vector<16xi32>
    %shift_right_logical3A_533 = arith.constant 3 : i32
    %shift_right_logical3A_534 = vector.broadcast %shift_right_logical3A_533 : i32 to vector<16xi32>
    %shift_right_logical3A_535 = arith.shrui %add3A_532, %shift_right_logical3A_534 : vector<16xi32>
    %shift_left3A_536 = arith.constant 14 : i32
    %shift_left3A_537 = vector.broadcast %shift_left3A_536 : i32 to vector<16xi32>
    %shift_left3A_538 = arith.shli %shift_right_logical3A_535, %shift_left3A_537 : vector<16xi32>
    %shift_right_logical3A_539 = arith.constant 7 : i32
    %shift_right_logical3A_540 = vector.broadcast %shift_right_logical3A_539 : i32 to vector<16xi32>
    %shift_right_logical3A_541 = arith.shrui %get3A_528, %shift_right_logical3A_540 : vector<16xi32>
    %shift_left3A_542 = arith.constant 10 : i32
    %shift_left3A_543 = vector.broadcast %shift_left3A_542 : i32 to vector<16xi32>
    %shift_left3A_544 = arith.shli %shift_right_logical3A_541, %shift_left3A_543 : vector<16xi32>
    %add3A_545 = arith.addi %shift_left3A_538, %shift_left3A_544 : vector<16xi32>
    %and3A_546 = arith.constant 7 : i32
    %and3A_547 = vector.broadcast %and3A_546 : i32 to vector<16xi32>
    %and3A_548 = arith.andi %add3A_532, %and3A_547 : vector<16xi32>
    %shift_left3A_549 = arith.constant 7 : i32
    %shift_left3A_550 = vector.broadcast %shift_left3A_549 : i32 to vector<16xi32>
    %shift_left3A_551 = arith.shli %and3A_548, %shift_left3A_550 : vector<16xi32>
    %add3A_552 = arith.addi %add3A_545, %shift_left3A_551 : vector<16xi32>
    %and3A_553 = arith.constant 127 : i32
    %and3A_554 = vector.broadcast %and3A_553 : i32 to vector<16xi32>
    %and3A_555 = arith.andi %get3A_528, %and3A_554 : vector<16xi32>
    %add3A_556 = arith.addi %add3A_552, %and3A_555 : vector<16xi32>
    %swap3A_557 = arith.constant 112 : index
    %swap3A_558 = tpu.vector_load %arg7[%swap3A_557] {strides = array<i32>} : memref<128xi32, #tpu.memory_space<vmem>>, vector<16xi32>,
    %swap3A_559 = vector.shape_cast %swap3A_558 : vector<16xi32> to vector<16xi32>
    %swap3A_560 = vector.shape_cast %add3A_556 : vector<16xi32> to vector<16xi32>
    tpu.vector_store %arg7[%swap3A_557], %swap3A_560 {strides = array<i32>} : memref<128xi32, #tpu.memory_space<vmem>>, vector<16xi32>,
    %dma_start3A_561 = arith.constant 128 : i32
    %dma_start3A_562 = tpu.memref_slice %arg14[%dma_start3A_561] : memref<1024xf32, #tpu.memory_space<vmem>> -> memref<128xf32, #tpu.memory_space<vmem>>
    %dma_start3A_563 = arith.constant 0 : i32
    %dma_start3A_564 = tpu.memref_slice %arg3[%dma_start3A_563] : memref<33554432xf32, #tpu.memory_space<hbm>> -> memref<33554432xf32, #tpu.memory_space<hbm>>
    tpu.enqueue_indirect_dma source(%dma_start3A_564 : memref<33554432xf32, #tpu.memory_space<hbm>>) target(%dma_start3A_562 : memref<128xf32, #tpu.memory_space<vmem>>) offsets(%arg7 : memref<128xi32, #tpu.memory_space<vmem>>) semaphore(%arg15 : memref<!tpu.dma_semaphore, #tpu.memory_space<semaphore_mem>>)
    %get3A_565 = arith.constant 256 : index
    %get3A_566 = tpu.vector_load %arg5[%get3A_565] {strides = array<i32>} : memref<1024xi32, #tpu.memory_space<vmem>>, vector<16xi32>,
    %get3A_567 = vector.shape_cast %get3A_566 : vector<16xi32> to vector<16xi32>
    %add3A_568 = arith.constant 256 : i32
    %add3A_569 = arith.addi %mul3A_2, %add3A_568 : i32
    %add3A_570 = vector.broadcast %add3A_569 : i32 to vector<16xi32>
    %add3A_571 = arith.addi %add3A_570, %iota3A : vector<16xi32>
    %shift_right_logical3A_572 = arith.constant 3 : i32
    %shift_right_logical3A_573 = vector.broadcast %shift_right_logical3A_572 : i32 to vector<16xi32>
    %shift_right_logical3A_574 = arith.shrui %add3A_571, %shift_right_logical3A_573 : vector<16xi32>
    %shift_left3A_575 = arith.constant 14 : i32
    %shift_left3A_576 = vector.broadcast %shift_left3A_575 : i32 to vector<16xi32>
    %shift_left3A_577 = arith.shli %shift_right_logical3A_574, %shift_left3A_576 : vector<16xi32>
    %shift_right_logical3A_578 = arith.constant 7 : i32
    %shift_right_logical3A_579 = vector.broadcast %shift_right_logical3A_578 : i32 to vector<16xi32>
    %shift_right_logical3A_580 = arith.shrui %get3A_567, %shift_right_logical3A_579 : vector<16xi32>
    %shift_left3A_581 = arith.constant 10 : i32
    %shift_left3A_582 = vector.broadcast %shift_left3A_581 : i32 to vector<16xi32>
    %shift_left3A_583 = arith.shli %shift_right_logical3A_580, %shift_left3A_582 : vector<16xi32>
    %add3A_584 = arith.addi %shift_left3A_577, %shift_left3A_583 : vector<16xi32>
    %and3A_585 = arith.constant 7 : i32
    %and3A_586 = vector.broadcast %and3A_585 : i32 to vector<16xi32>
    %and3A_587 = arith.andi %add3A_571, %and3A_586 : vector<16xi32>
    %shift_left3A_588 = arith.constant 7 : i32
    %shift_left3A_589 = vector.broadcast %shift_left3A_588 : i32 to vector<16xi32>
    %shift_left3A_590 = arith.shli %and3A_587, %shift_left3A_589 : vector<16xi32>
    %add3A_591 = arith.addi %add3A_584, %shift_left3A_590 : vector<16xi32>
    %and3A_592 = arith.constant 127 : i32
    %and3A_593 = vector.broadcast %and3A_592 : i32 to vector<16xi32>
    %and3A_594 = arith.andi %get3A_567, %and3A_593 : vector<16xi32>
    %add3A_595 = arith.addi %add3A_591, %and3A_594 : vector<16xi32>
    %swap3A_596 = arith.constant 0 : index
    %swap3A_597 = tpu.vector_load %arg8[%swap3A_596] {strides = array<i32>} : memref<128xi32, #tpu.memory_space<vmem>>, vector<16xi32>,
    %swap3A_598 = vector.shape_cast %swap3A_597 : vector<16xi32> to vector<16xi32>
    %swap3A_599 = vector.shape_cast %add3A_595 : vector<16xi32> to vector<16xi32>
    tpu.vector_store %arg8[%swap3A_596], %swap3A_599 {strides = array<i32>} : memref<128xi32, #tpu.memory_space<vmem>>, vector<16xi32>,
    %get3A_600 = arith.constant 272 : index
    %get3A_601 = tpu.vector_load %arg5[%get3A_600] {strides = array<i32>} : memref<1024xi32, #tpu.memory_space<vmem>>, vector<16xi32>,
    %get3A_602 = vector.shape_cast %get3A_601 : vector<16xi32> to vector<16xi32>
    %add3A_603 = arith.constant 272 : i32
    %add3A_604 = arith.addi %mul3A_2, %add3A_603 : i32
    %add3A_605 = vector.broadcast %add3A_604 : i32 to vector<16xi32>
    %add3A_606 = arith.addi %add3A_605, %iota3A : vector<16xi32>
    %shift_right_logical3A_607 = arith.constant 3 : i32
    %shift_right_logical3A_608 = vector.broadcast %shift_right_logical3A_607 : i32 to vector<16xi32>
    %shift_right_logical3A_609 = arith.shrui %add3A_606, %shift_right_logical3A_608 : vector<16xi32>
    %shift_left3A_610 = arith.constant 14 : i32
    %shift_left3A_611 = vector.broadcast %shift_left3A_610 : i32 to vector<16xi32>
    %shift_left3A_612 = arith.shli %shift_right_logical3A_609, %shift_left3A_611 : vector<16xi32>
    %shift_right_logical3A_613 = arith.constant 7 : i32
    %shift_right_logical3A_614 = vector.broadcast %shift_right_logical3A_613 : i32 to vector<16xi32>
    %shift_right_logical3A_615 = arith.shrui %get3A_602, %shift_right_logical3A_614 : vector<16xi32>
    %shift_left3A_616 = arith.constant 10 : i32
    %shift_left3A_617 = vector.broadcast %shift_left3A_616 : i32 to vector<16xi32>
    %shift_left3A_618 = arith.shli %shift_right_logical3A_615, %shift_left3A_617 : vector<16xi32>
    %add3A_619 = arith.addi %shift_left3A_612, %shift_left3A_618 : vector<16xi32>
    %and3A_620 = arith.constant 7 : i32
    %and3A_621 = vector.broadcast %and3A_620 : i32 to vector<16xi32>
    %and3A_622 = arith.andi %add3A_606, %and3A_621 : vector<16xi32>
    %shift_left3A_623 = arith.constant 7 : i32
    %shift_left3A_624 = vector.broadcast %shift_left3A_623 : i32 to vector<16xi32>
    %shift_left3A_625 = arith.shli %and3A_622, %shift_left3A_624 : vector<16xi32>
    %add3A_626 = arith.addi %add3A_619, %shift_left3A_625 : vector<16xi32>
    %and3A_627 = arith.constant 127 : i32
    %and3A_628 = vector.broadcast %and3A_627 : i32 to vector<16xi32>
    %and3A_629 = arith.andi %get3A_602, %and3A_628 : vector<16xi32>
    %add3A_630 = arith.addi %add3A_626, %and3A_629 : vector<16xi32>
    %swap3A_631 = arith.constant 16 : index
    %swap3A_632 = tpu.vector_load %arg8[%swap3A_631] {strides = array<i32>} : memref<128xi32, #tpu.memory_space<vmem>>, vector<16xi32>,
    %swap3A_633 = vector.shape_cast %swap3A_632 : vector<16xi32> to vector<16xi32>
    %swap3A_634 = vector.shape_cast %add3A_630 : vector<16xi32> to vector<16xi32>
    tpu.vector_store %arg8[%swap3A_631], %swap3A_634 {strides = array<i32>} : memref<128xi32, #tpu.memory_space<vmem>>, vector<16xi32>,
    %get3A_635 = arith.constant 288 : index
    %get3A_636 = tpu.vector_load %arg5[%get3A_635] {strides = array<i32>} : memref<1024xi32, #tpu.memory_space<vmem>>, vector<16xi32>,
    %get3A_637 = vector.shape_cast %get3A_636 : vector<16xi32> to vector<16xi32>
    %add3A_638 = arith.constant 288 : i32
    %add3A_639 = arith.addi %mul3A_2, %add3A_638 : i32
    %add3A_640 = vector.broadcast %add3A_639 : i32 to vector<16xi32>
    %add3A_641 = arith.addi %add3A_640, %iota3A : vector<16xi32>
    %shift_right_logical3A_642 = arith.constant 3 : i32
    %shift_right_logical3A_643 = vector.broadcast %shift_right_logical3A_642 : i32 to vector<16xi32>
    %shift_right_logical3A_644 = arith.shrui %add3A_641, %shift_right_logical3A_643 : vector<16xi32>
    %shift_left3A_645 = arith.constant 14 : i32
    %shift_left3A_646 = vector.broadcast %shift_left3A_645 : i32 to vector<16xi32>
    %shift_left3A_647 = arith.shli %shift_right_logical3A_644, %shift_left3A_646 : vector<16xi32>
    %shift_right_logical3A_648 = arith.constant 7 : i32
    %shift_right_logical3A_649 = vector.broadcast %shift_right_logical3A_648 : i32 to vector<16xi32>
    %shift_right_logical3A_650 = arith.shrui %get3A_637, %shift_right_logical3A_649 : vector<16xi32>
    %shift_left3A_651 = arith.constant 10 : i32
    %shift_left3A_652 = vector.broadcast %shift_left3A_651 : i32 to vector<16xi32>
    %shift_left3A_653 = arith.shli %shift_right_logical3A_650, %shift_left3A_652 : vector<16xi32>
    %add3A_654 = arith.addi %shift_left3A_647, %shift_left3A_653 : vector<16xi32>
    %and3A_655 = arith.constant 7 : i32
    %and3A_656 = vector.broadcast %and3A_655 : i32 to vector<16xi32>
    %and3A_657 = arith.andi %add3A_641, %and3A_656 : vector<16xi32>
    %shift_left3A_658 = arith.constant 7 : i32
    %shift_left3A_659 = vector.broadcast %shift_left3A_658 : i32 to vector<16xi32>
    %shift_left3A_660 = arith.shli %and3A_657, %shift_left3A_659 : vector<16xi32>
    %add3A_661 = arith.addi %add3A_654, %shift_left3A_660 : vector<16xi32>
    %and3A_662 = arith.constant 127 : i32
    %and3A_663 = vector.broadcast %and3A_662 : i32 to vector<16xi32>
    %and3A_664 = arith.andi %get3A_637, %and3A_663 : vector<16xi32>
    %add3A_665 = arith.addi %add3A_661, %and3A_664 : vector<16xi32>
    %swap3A_666 = arith.constant 32 : index
    %swap3A_667 = tpu.vector_load %arg8[%swap3A_666] {strides = array<i32>} : memref<128xi32, #tpu.memory_space<vmem>>, vector<16xi32>,
    %swap3A_668 = vector.shape_cast %swap3A_667 : vector<16xi32> to vector<16xi32>
    %swap3A_669 = vector.shape_cast %add3A_665 : vector<16xi32> to vector<16xi32>
    tpu.vector_store %arg8[%swap3A_666], %swap3A_669 {strides = array<i32>} : memref<128xi32, #tpu.memory_space<vmem>>, vector<16xi32>,
    %get3A_670 = arith.constant 304 : index
    %get3A_671 = tpu.vector_load %arg5[%get3A_670] {strides = array<i32>} : memref<1024xi32, #tpu.memory_space<vmem>>, vector<16xi32>,
    %get3A_672 = vector.shape_cast %get3A_671 : vector<16xi32> to vector<16xi32>
    %add3A_673 = arith.constant 304 : i32
    %add3A_674 = arith.addi %mul3A_2, %add3A_673 : i32
    %add3A_675 = vector.broadcast %add3A_674 : i32 to vector<16xi32>
    %add3A_676 = arith.addi %add3A_675, %iota3A : vector<16xi32>
    %shift_right_logical3A_677 = arith.constant 3 : i32
    %shift_right_logical3A_678 = vector.broadcast %shift_right_logical3A_677 : i32 to vector<16xi32>
    %shift_right_logical3A_679 = arith.shrui %add3A_676, %shift_right_logical3A_678 : vector<16xi32>
    %shift_left3A_680 = arith.constant 14 : i32
    %shift_left3A_681 = vector.broadcast %shift_left3A_680 : i32 to vector<16xi32>
    %shift_left3A_682 = arith.shli %shift_right_logical3A_679, %shift_left3A_681 : vector<16xi32>
    %shift_right_logical3A_683 = arith.constant 7 : i32
    %shift_right_logical3A_684 = vector.broadcast %shift_right_logical3A_683 : i32 to vector<16xi32>
    %shift_right_logical3A_685 = arith.shrui %get3A_672, %shift_right_logical3A_684 : vector<16xi32>
    %shift_left3A_686 = arith.constant 10 : i32
    %shift_left3A_687 = vector.broadcast %shift_left3A_686 : i32 to vector<16xi32>
    %shift_left3A_688 = arith.shli %shift_right_logical3A_685, %shift_left3A_687 : vector<16xi32>
    %add3A_689 = arith.addi %shift_left3A_682, %shift_left3A_688 : vector<16xi32>
    %and3A_690 = arith.constant 7 : i32
    %and3A_691 = vector.broadcast %and3A_690 : i32 to vector<16xi32>
    %and3A_692 = arith.andi %add3A_676, %and3A_691 : vector<16xi32>
    %shift_left3A_693 = arith.constant 7 : i32
    %shift_left3A_694 = vector.broadcast %shift_left3A_693 : i32 to vector<16xi32>
    %shift_left3A_695 = arith.shli %and3A_692, %shift_left3A_694 : vector<16xi32>
    %add3A_696 = arith.addi %add3A_689, %shift_left3A_695 : vector<16xi32>
    %and3A_697 = arith.constant 127 : i32
    %and3A_698 = vector.broadcast %and3A_697 : i32 to vector<16xi32>
    %and3A_699 = arith.andi %get3A_672, %and3A_698 : vector<16xi32>
    %add3A_700 = arith.addi %add3A_696, %and3A_699 : vector<16xi32>
    %swap3A_701 = arith.constant 48 : index
    %swap3A_702 = tpu.vector_load %arg8[%swap3A_701] {strides = array<i32>} : memref<128xi32, #tpu.memory_space<vmem>>, vector<16xi32>,
    %swap3A_703 = vector.shape_cast %swap3A_702 : vector<16xi32> to vector<16xi32>
    %swap3A_704 = vector.shape_cast %add3A_700 : vector<16xi32> to vector<16xi32>
    tpu.vector_store %arg8[%swap3A_701], %swap3A_704 {strides = array<i32>} : memref<128xi32, #tpu.memory_space<vmem>>, vector<16xi32>,
    %get3A_705 = arith.constant 320 : index
    %get3A_706 = tpu.vector_load %arg5[%get3A_705] {strides = array<i32>} : memref<1024xi32, #tpu.memory_space<vmem>>, vector<16xi32>,
    %get3A_707 = vector.shape_cast %get3A_706 : vector<16xi32> to vector<16xi32>
    %add3A_708 = arith.constant 320 : i32
    %add3A_709 = arith.addi %mul3A_2, %add3A_708 : i32
    %add3A_710 = vector.broadcast %add3A_709 : i32 to vector<16xi32>
    %add3A_711 = arith.addi %add3A_710, %iota3A : vector<16xi32>
    %shift_right_logical3A_712 = arith.constant 3 : i32
    %shift_right_logical3A_713 = vector.broadcast %shift_right_logical3A_712 : i32 to vector<16xi32>
    %shift_right_logical3A_714 = arith.shrui %add3A_711, %shift_right_logical3A_713 : vector<16xi32>
    %shift_left3A_715 = arith.constant 14 : i32
    %shift_left3A_716 = vector.broadcast %shift_left3A_715 : i32 to vector<16xi32>
    %shift_left3A_717 = arith.shli %shift_right_logical3A_714, %shift_left3A_716 : vector<16xi32>
    %shift_right_logical3A_718 = arith.constant 7 : i32
    %shift_right_logical3A_719 = vector.broadcast %shift_right_logical3A_718 : i32 to vector<16xi32>
    %shift_right_logical3A_720 = arith.shrui %get3A_707, %shift_right_logical3A_719 : vector<16xi32>
    %shift_left3A_721 = arith.constant 10 : i32
    %shift_left3A_722 = vector.broadcast %shift_left3A_721 : i32 to vector<16xi32>
    %shift_left3A_723 = arith.shli %shift_right_logical3A_720, %shift_left3A_722 : vector<16xi32>
    %add3A_724 = arith.addi %shift_left3A_717, %shift_left3A_723 : vector<16xi32>
    %and3A_725 = arith.constant 7 : i32
    %and3A_726 = vector.broadcast %and3A_725 : i32 to vector<16xi32>
    %and3A_727 = arith.andi %add3A_711, %and3A_726 : vector<16xi32>
    %shift_left3A_728 = arith.constant 7 : i32
    %shift_left3A_729 = vector.broadcast %shift_left3A_728 : i32 to vector<16xi32>
    %shift_left3A_730 = arith.shli %and3A_727, %shift_left3A_729 : vector<16xi32>
    %add3A_731 = arith.addi %add3A_724, %shift_left3A_730 : vector<16xi32>
    %and3A_732 = arith.constant 127 : i32
    %and3A_733 = vector.broadcast %and3A_732 : i32 to vector<16xi32>
    %and3A_734 = arith.andi %get3A_707, %and3A_733 : vector<16xi32>
    %add3A_735 = arith.addi %add3A_731, %and3A_734 : vector<16xi32>
    %swap3A_736 = arith.constant 64 : index
    %swap3A_737 = tpu.vector_load %arg8[%swap3A_736] {strides = array<i32>} : memref<128xi32, #tpu.memory_space<vmem>>, vector<16xi32>,
    %swap3A_738 = vector.shape_cast %swap3A_737 : vector<16xi32> to vector<16xi32>
    %swap3A_739 = vector.shape_cast %add3A_735 : vector<16xi32> to vector<16xi32>
    tpu.vector_store %arg8[%swap3A_736], %swap3A_739 {strides = array<i32>} : memref<128xi32, #tpu.memory_space<vmem>>, vector<16xi32>,
    %get3A_740 = arith.constant 336 : index
    %get3A_741 = tpu.vector_load %arg5[%get3A_740] {strides = array<i32>} : memref<1024xi32, #tpu.memory_space<vmem>>, vector<16xi32>,
    %get3A_742 = vector.shape_cast %get3A_741 : vector<16xi32> to vector<16xi32>
    %add3A_743 = arith.constant 336 : i32
    %add3A_744 = arith.addi %mul3A_2, %add3A_743 : i32
    %add3A_745 = vector.broadcast %add3A_744 : i32 to vector<16xi32>
    %add3A_746 = arith.addi %add3A_745, %iota3A : vector<16xi32>
    %shift_right_logical3A_747 = arith.constant 3 : i32
    %shift_right_logical3A_748 = vector.broadcast %shift_right_logical3A_747 : i32 to vector<16xi32>
    %shift_right_logical3A_749 = arith.shrui %add3A_746, %shift_right_logical3A_748 : vector<16xi32>
    %shift_left3A_750 = arith.constant 14 : i32
    %shift_left3A_751 = vector.broadcast %shift_left3A_750 : i32 to vector<16xi32>
    %shift_left3A_752 = arith.shli %shift_right_logical3A_749, %shift_left3A_751 : vector<16xi32>
    %shift_right_logical3A_753 = arith.constant 7 : i32
    %shift_right_logical3A_754 = vector.broadcast %shift_right_logical3A_753 : i32 to vector<16xi32>
    %shift_right_logical3A_755 = arith.shrui %get3A_742, %shift_right_logical3A_754 : vector<16xi32>
    %shift_left3A_756 = arith.constant 10 : i32
    %shift_left3A_757 = vector.broadcast %shift_left3A_756 : i32 to vector<16xi32>
    %shift_left3A_758 = arith.shli %shift_right_logical3A_755, %shift_left3A_757 : vector<16xi32>
    %add3A_759 = arith.addi %shift_left3A_752, %shift_left3A_758 : vector<16xi32>
    %and3A_760 = arith.constant 7 : i32
    %and3A_761 = vector.broadcast %and3A_760 : i32 to vector<16xi32>
    %and3A_762 = arith.andi %add3A_746, %and3A_761 : vector<16xi32>
    %shift_left3A_763 = arith.constant 7 : i32
    %shift_left3A_764 = vector.broadcast %shift_left3A_763 : i32 to vector<16xi32>
    %shift_left3A_765 = arith.shli %and3A_762, %shift_left3A_764 : vector<16xi32>
    %add3A_766 = arith.addi %add3A_759, %shift_left3A_765 : vector<16xi32>
    %and3A_767 = arith.constant 127 : i32
    %and3A_768 = vector.broadcast %and3A_767 : i32 to vector<16xi32>
    %and3A_769 = arith.andi %get3A_742, %and3A_768 : vector<16xi32>
    %add3A_770 = arith.addi %add3A_766, %and3A_769 : vector<16xi32>
    %swap3A_771 = arith.constant 80 : index
    %swap3A_772 = tpu.vector_load %arg8[%swap3A_771] {strides = array<i32>} : memref<128xi32, #tpu.memory_space<vmem>>, vector<16xi32>,
    %swap3A_773 = vector.shape_cast %swap3A_772 : vector<16xi32> to vector<16xi32>
    %swap3A_774 = vector.shape_cast %add3A_770 : vector<16xi32> to vector<16xi32>
    tpu.vector_store %arg8[%swap3A_771], %swap3A_774 {strides = array<i32>} : memref<128xi32, #tpu.memory_space<vmem>>, vector<16xi32>,
    %get3A_775 = arith.constant 352 : index
    %get3A_776 = tpu.vector_load %arg5[%get3A_775] {strides = array<i32>} : memref<1024xi32, #tpu.memory_space<vmem>>, vector<16xi32>,
    %get3A_777 = vector.shape_cast %get3A_776 : vector<16xi32> to vector<16xi32>
    %add3A_778 = arith.constant 352 : i32
    %add3A_779 = arith.addi %mul3A_2, %add3A_778 : i32
    %add3A_780 = vector.broadcast %add3A_779 : i32 to vector<16xi32>
    %add3A_781 = arith.addi %add3A_780, %iota3A : vector<16xi32>
    %shift_right_logical3A_782 = arith.constant 3 : i32
    %shift_right_logical3A_783 = vector.broadcast %shift_right_logical3A_782 : i32 to vector<16xi32>
    %shift_right_logical3A_784 = arith.shrui %add3A_781, %shift_right_logical3A_783 : vector<16xi32>
    %shift_left3A_785 = arith.constant 14 : i32
    %shift_left3A_786 = vector.broadcast %shift_left3A_785 : i32 to vector<16xi32>
    %shift_left3A_787 = arith.shli %shift_right_logical3A_784, %shift_left3A_786 : vector<16xi32>
    %shift_right_logical3A_788 = arith.constant 7 : i32
    %shift_right_logical3A_789 = vector.broadcast %shift_right_logical3A_788 : i32 to vector<16xi32>
    %shift_right_logical3A_790 = arith.shrui %get3A_777, %shift_right_logical3A_789 : vector<16xi32>
    %shift_left3A_791 = arith.constant 10 : i32
    %shift_left3A_792 = vector.broadcast %shift_left3A_791 : i32 to vector<16xi32>
    %shift_left3A_793 = arith.shli %shift_right_logical3A_790, %shift_left3A_792 : vector<16xi32>
    %add3A_794 = arith.addi %shift_left3A_787, %shift_left3A_793 : vector<16xi32>
    %and3A_795 = arith.constant 7 : i32
    %and3A_796 = vector.broadcast %and3A_795 : i32 to vector<16xi32>
    %and3A_797 = arith.andi %add3A_781, %and3A_796 : vector<16xi32>
    %shift_left3A_798 = arith.constant 7 : i32
    %shift_left3A_799 = vector.broadcast %shift_left3A_798 : i32 to vector<16xi32>
    %shift_left3A_800 = arith.shli %and3A_797, %shift_left3A_799 : vector<16xi32>
    %add3A_801 = arith.addi %add3A_794, %shift_left3A_800 : vector<16xi32>
    %and3A_802 = arith.constant 127 : i32
    %and3A_803 = vector.broadcast %and3A_802 : i32 to vector<16xi32>
    %and3A_804 = arith.andi %get3A_777, %and3A_803 : vector<16xi32>
    %add3A_805 = arith.addi %add3A_801, %and3A_804 : vector<16xi32>
    %swap3A_806 = arith.constant 96 : index
    %swap3A_807 = tpu.vector_load %arg8[%swap3A_806] {strides = array<i32>} : memref<128xi32, #tpu.memory_space<vmem>>, vector<16xi32>,
    %swap3A_808 = vector.shape_cast %swap3A_807 : vector<16xi32> to vector<16xi32>
    %swap3A_809 = vector.shape_cast %add3A_805 : vector<16xi32> to vector<16xi32>
    tpu.vector_store %arg8[%swap3A_806], %swap3A_809 {strides = array<i32>} : memref<128xi32, #tpu.memory_space<vmem>>, vector<16xi32>,
    %get3A_810 = arith.constant 368 : index
    %get3A_811 = tpu.vector_load %arg5[%get3A_810] {strides = array<i32>} : memref<1024xi32, #tpu.memory_space<vmem>>, vector<16xi32>,
    %get3A_812 = vector.shape_cast %get3A_811 : vector<16xi32> to vector<16xi32>
    %add3A_813 = arith.constant 368 : i32
    %add3A_814 = arith.addi %mul3A_2, %add3A_813 : i32
    %add3A_815 = vector.broadcast %add3A_814 : i32 to vector<16xi32>
    %add3A_816 = arith.addi %add3A_815, %iota3A : vector<16xi32>
    %shift_right_logical3A_817 = arith.constant 3 : i32
    %shift_right_logical3A_818 = vector.broadcast %shift_right_logical3A_817 : i32 to vector<16xi32>
    %shift_right_logical3A_819 = arith.shrui %add3A_816, %shift_right_logical3A_818 : vector<16xi32>
    %shift_left3A_820 = arith.constant 14 : i32
    %shift_left3A_821 = vector.broadcast %shift_left3A_820 : i32 to vector<16xi32>
    %shift_left3A_822 = arith.shli %shift_right_logical3A_819, %shift_left3A_821 : vector<16xi32>
    %shift_right_logical3A_823 = arith.constant 7 : i32
    %shift_right_logical3A_824 = vector.broadcast %shift_right_logical3A_823 : i32 to vector<16xi32>
    %shift_right_logical3A_825 = arith.shrui %get3A_812, %shift_right_logical3A_824 : vector<16xi32>
    %shift_left3A_826 = arith.constant 10 : i32
    %shift_left3A_827 = vector.broadcast %shift_left3A_826 : i32 to vector<16xi32>
    %shift_left3A_828 = arith.shli %shift_right_logical3A_825, %shift_left3A_827 : vector<16xi32>
    %add3A_829 = arith.addi %shift_left3A_822, %shift_left3A_828 : vector<16xi32>
    %and3A_830 = arith.constant 7 : i32
    %and3A_831 = vector.broadcast %and3A_830 : i32 to vector<16xi32>
    %and3A_832 = arith.andi %add3A_816, %and3A_831 : vector<16xi32>
    %shift_left3A_833 = arith.constant 7 : i32
    %shift_left3A_834 = vector.broadcast %shift_left3A_833 : i32 to vector<16xi32>
    %shift_left3A_835 = arith.shli %and3A_832, %shift_left3A_834 : vector<16xi32>
    %add3A_836 = arith.addi %add3A_829, %shift_left3A_835 : vector<16xi32>
    %and3A_837 = arith.constant 127 : i32
    %and3A_838 = vector.broadcast %and3A_837 : i32 to vector<16xi32>
    %and3A_839 = arith.andi %get3A_812, %and3A_838 : vector<16xi32>
    %add3A_840 = arith.addi %add3A_836, %and3A_839 : vector<16xi32>
    %swap3A_841 = arith.constant 112 : index
    %swap3A_842 = tpu.vector_load %arg8[%swap3A_841] {strides = array<i32>} : memref<128xi32, #tpu.memory_space<vmem>>, vector<16xi32>,
    %swap3A_843 = vector.shape_cast %swap3A_842 : vector<16xi32> to vector<16xi32>
    %swap3A_844 = vector.shape_cast %add3A_840 : vector<16xi32> to vector<16xi32>
    tpu.vector_store %arg8[%swap3A_841], %swap3A_844 {strides = array<i32>} : memref<128xi32, #tpu.memory_space<vmem>>, vector<16xi32>,
    %dma_start3A_845 = arith.constant 256 : i32
    %dma_start3A_846 = tpu.memref_slice %arg14[%dma_start3A_845] : memref<1024xf32, #tpu.memory_space<vmem>> -> memref<128xf32, #tpu.memory_space<vmem>>
    %dma_start3A_847 = arith.constant 0 : i32
    %dma_start3A_848 = tpu.memref_slice %arg3[%dma_start3A_847] : memref<33554432xf32, #tpu.memory_space<hbm>> -> memref<33554432xf32, #tpu.memory_space<hbm>>
    tpu.enqueue_indirect_dma source(%dma_start3A_848 : memref<33554432xf32, #tpu.memory_space<hbm>>) target(%dma_start3A_846 : memref<128xf32, #tpu.memory_space<vmem>>) offsets(%arg8 : memref<128xi32, #tpu.memory_space<vmem>>) semaphore(%arg15 : memref<!tpu.dma_semaphore, #tpu.memory_space<semaphore_mem>>)
    %get3A_849 = arith.constant 384 : index
    %get3A_850 = tpu.vector_load %arg5[%get3A_849] {strides = array<i32>} : memref<1024xi32, #tpu.memory_space<vmem>>, vector<16xi32>,
    %get3A_851 = vector.shape_cast %get3A_850 : vector<16xi32> to vector<16xi32>
    %add3A_852 = arith.constant 384 : i32
    %add3A_853 = arith.addi %mul3A_2, %add3A_852 : i32
    %add3A_854 = vector.broadcast %add3A_853 : i32 to vector<16xi32>
    %add3A_855 = arith.addi %add3A_854, %iota3A : vector<16xi32>
    %shift_right_logical3A_856 = arith.constant 3 : i32
    %shift_right_logical3A_857 = vector.broadcast %shift_right_logical3A_856 : i32 to vector<16xi32>
    %shift_right_logical3A_858 = arith.shrui %add3A_855, %shift_right_logical3A_857 : vector<16xi32>
    %shift_left3A_859 = arith.constant 14 : i32
    %shift_left3A_860 = vector.broadcast %shift_left3A_859 : i32 to vector<16xi32>
    %shift_left3A_861 = arith.shli %shift_right_logical3A_858, %shift_left3A_860 : vector<16xi32>
    %shift_right_logical3A_862 = arith.constant 7 : i32
    %shift_right_logical3A_863 = vector.broadcast %shift_right_logical3A_862 : i32 to vector<16xi32>
    %shift_right_logical3A_864 = arith.shrui %get3A_851, %shift_right_logical3A_863 : vector<16xi32>
    %shift_left3A_865 = arith.constant 10 : i32
    %shift_left3A_866 = vector.broadcast %shift_left3A_865 : i32 to vector<16xi32>
    %shift_left3A_867 = arith.shli %shift_right_logical3A_864, %shift_left3A_866 : vector<16xi32>
    %add3A_868 = arith.addi %shift_left3A_861, %shift_left3A_867 : vector<16xi32>
    %and3A_869 = arith.constant 7 : i32
    %and3A_870 = vector.broadcast %and3A_869 : i32 to vector<16xi32>
    %and3A_871 = arith.andi %add3A_855, %and3A_870 : vector<16xi32>
    %shift_left3A_872 = arith.constant 7 : i32
    %shift_left3A_873 = vector.broadcast %shift_left3A_872 : i32 to vector<16xi32>
    %shift_left3A_874 = arith.shli %and3A_871, %shift_left3A_873 : vector<16xi32>
    %add3A_875 = arith.addi %add3A_868, %shift_left3A_874 : vector<16xi32>
    %and3A_876 = arith.constant 127 : i32
    %and3A_877 = vector.broadcast %and3A_876 : i32 to vector<16xi32>
    %and3A_878 = arith.andi %get3A_851, %and3A_877 : vector<16xi32>
    %add3A_879 = arith.addi %add3A_875, %and3A_878 : vector<16xi32>
    %swap3A_880 = arith.constant 0 : index
    %swap3A_881 = tpu.vector_load %arg9[%swap3A_880] {strides = array<i32>} : memref<128xi32, #tpu.memory_space<vmem>>, vector<16xi32>,
    %swap3A_882 = vector.shape_cast %swap3A_881 : vector<16xi32> to vector<16xi32>
    %swap3A_883 = vector.shape_cast %add3A_879 : vector<16xi32> to vector<16xi32>
    tpu.vector_store %arg9[%swap3A_880], %swap3A_883 {strides = array<i32>} : memref<128xi32, #tpu.memory_space<vmem>>, vector<16xi32>,
    %get3A_884 = arith.constant 400 : index
    %get3A_885 = tpu.vector_load %arg5[%get3A_884] {strides = array<i32>} : memref<1024xi32, #tpu.memory_space<vmem>>, vector<16xi32>,
    %get3A_886 = vector.shape_cast %get3A_885 : vector<16xi32> to vector<16xi32>
    %add3A_887 = arith.constant 400 : i32
    %add3A_888 = arith.addi %mul3A_2, %add3A_887 : i32
    %add3A_889 = vector.broadcast %add3A_888 : i32 to vector<16xi32>
    %add3A_890 = arith.addi %add3A_889, %iota3A : vector<16xi32>
    %shift_right_logical3A_891 = arith.constant 3 : i32
    %shift_right_logical3A_892 = vector.broadcast %shift_right_logical3A_891 : i32 to vector<16xi32>
    %shift_right_logical3A_893 = arith.shrui %add3A_890, %shift_right_logical3A_892 : vector<16xi32>
    %shift_left3A_894 = arith.constant 14 : i32
    %shift_left3A_895 = vector.broadcast %shift_left3A_894 : i32 to vector<16xi32>
    %shift_left3A_896 = arith.shli %shift_right_logical3A_893, %shift_left3A_895 : vector<16xi32>
    %shift_right_logical3A_897 = arith.constant 7 : i32
    %shift_right_logical3A_898 = vector.broadcast %shift_right_logical3A_897 : i32 to vector<16xi32>
    %shift_right_logical3A_899 = arith.shrui %get3A_886, %shift_right_logical3A_898 : vector<16xi32>
    %shift_left3A_900 = arith.constant 10 : i32
    %shift_left3A_901 = vector.broadcast %shift_left3A_900 : i32 to vector<16xi32>
    %shift_left3A_902 = arith.shli %shift_right_logical3A_899, %shift_left3A_901 : vector<16xi32>
    %add3A_903 = arith.addi %shift_left3A_896, %shift_left3A_902 : vector<16xi32>
    %and3A_904 = arith.constant 7 : i32
    %and3A_905 = vector.broadcast %and3A_904 : i32 to vector<16xi32>
    %and3A_906 = arith.andi %add3A_890, %and3A_905 : vector<16xi32>
    %shift_left3A_907 = arith.constant 7 : i32
    %shift_left3A_908 = vector.broadcast %shift_left3A_907 : i32 to vector<16xi32>
    %shift_left3A_909 = arith.shli %and3A_906, %shift_left3A_908 : vector<16xi32>
    %add3A_910 = arith.addi %add3A_903, %shift_left3A_909 : vector<16xi32>
    %and3A_911 = arith.constant 127 : i32
    %and3A_912 = vector.broadcast %and3A_911 : i32 to vector<16xi32>
    %and3A_913 = arith.andi %get3A_886, %and3A_912 : vector<16xi32>
    %add3A_914 = arith.addi %add3A_910, %and3A_913 : vector<16xi32>
    %swap3A_915 = arith.constant 16 : index
    %swap3A_916 = tpu.vector_load %arg9[%swap3A_915] {strides = array<i32>} : memref<128xi32, #tpu.memory_space<vmem>>, vector<16xi32>,
    %swap3A_917 = vector.shape_cast %swap3A_916 : vector<16xi32> to vector<16xi32>
    %swap3A_918 = vector.shape_cast %add3A_914 : vector<16xi32> to vector<16xi32>
    tpu.vector_store %arg9[%swap3A_915], %swap3A_918 {strides = array<i32>} : memref<128xi32, #tpu.memory_space<vmem>>, vector<16xi32>,
    %get3A_919 = arith.constant 416 : index
    %get3A_920 = tpu.vector_load %arg5[%get3A_919] {strides = array<i32>} : memref<1024xi32, #tpu.memory_space<vmem>>, vector<16xi32>,
    %get3A_921 = vector.shape_cast %get3A_920 : vector<16xi32> to vector<16xi32>
    %add3A_922 = arith.constant 416 : i32
    %add3A_923 = arith.addi %mul3A_2, %add3A_922 : i32
    %add3A_924 = vector.broadcast %add3A_923 : i32 to vector<16xi32>
    %add3A_925 = arith.addi %add3A_924, %iota3A : vector<16xi32>
    %shift_right_logical3A_926 = arith.constant 3 : i32
    %shift_right_logical3A_927 = vector.broadcast %shift_right_logical3A_926 : i32 to vector<16xi32>
    %shift_right_logical3A_928 = arith.shrui %add3A_925, %shift_right_logical3A_927 : vector<16xi32>
    %shift_left3A_929 = arith.constant 14 : i32
    %shift_left3A_930 = vector.broadcast %shift_left3A_929 : i32 to vector<16xi32>
    %shift_left3A_931 = arith.shli %shift_right_logical3A_928, %shift_left3A_930 : vector<16xi32>
    %shift_right_logical3A_932 = arith.constant 7 : i32
    %shift_right_logical3A_933 = vector.broadcast %shift_right_logical3A_932 : i32 to vector<16xi32>
    %shift_right_logical3A_934 = arith.shrui %get3A_921, %shift_right_logical3A_933 : vector<16xi32>
    %shift_left3A_935 = arith.constant 10 : i32
    %shift_left3A_936 = vector.broadcast %shift_left3A_935 : i32 to vector<16xi32>
    %shift_left3A_937 = arith.shli %shift_right_logical3A_934, %shift_left3A_936 : vector<16xi32>
    %add3A_938 = arith.addi %shift_left3A_931, %shift_left3A_937 : vector<16xi32>
    %and3A_939 = arith.constant 7 : i32
    %and3A_940 = vector.broadcast %and3A_939 : i32 to vector<16xi32>
    %and3A_941 = arith.andi %add3A_925, %and3A_940 : vector<16xi32>
    %shift_left3A_942 = arith.constant 7 : i32
    %shift_left3A_943 = vector.broadcast %shift_left3A_942 : i32 to vector<16xi32>
    %shift_left3A_944 = arith.shli %and3A_941, %shift_left3A_943 : vector<16xi32>
    %add3A_945 = arith.addi %add3A_938, %shift_left3A_944 : vector<16xi32>
    %and3A_946 = arith.constant 127 : i32
    %and3A_947 = vector.broadcast %and3A_946 : i32 to vector<16xi32>
    %and3A_948 = arith.andi %get3A_921, %and3A_947 : vector<16xi32>
    %add3A_949 = arith.addi %add3A_945, %and3A_948 : vector<16xi32>
    %swap3A_950 = arith.constant 32 : index
    %swap3A_951 = tpu.vector_load %arg9[%swap3A_950] {strides = array<i32>} : memref<128xi32, #tpu.memory_space<vmem>>, vector<16xi32>,
    %swap3A_952 = vector.shape_cast %swap3A_951 : vector<16xi32> to vector<16xi32>
    %swap3A_953 = vector.shape_cast %add3A_949 : vector<16xi32> to vector<16xi32>
    tpu.vector_store %arg9[%swap3A_950], %swap3A_953 {strides = array<i32>} : memref<128xi32, #tpu.memory_space<vmem>>, vector<16xi32>,
    %get3A_954 = arith.constant 432 : index
    %get3A_955 = tpu.vector_load %arg5[%get3A_954] {strides = array<i32>} : memref<1024xi32, #tpu.memory_space<vmem>>, vector<16xi32>,
    %get3A_956 = vector.shape_cast %get3A_955 : vector<16xi32> to vector<16xi32>
    %add3A_957 = arith.constant 432 : i32
    %add3A_958 = arith.addi %mul3A_2, %add3A_957 : i32
    %add3A_959 = vector.broadcast %add3A_958 : i32 to vector<16xi32>
    %add3A_960 = arith.addi %add3A_959, %iota3A : vector<16xi32>
    %shift_right_logical3A_961 = arith.constant 3 : i32
    %shift_right_logical3A_962 = vector.broadcast %shift_right_logical3A_961 : i32 to vector<16xi32>
    %shift_right_logical3A_963 = arith.shrui %add3A_960, %shift_right_logical3A_962 : vector<16xi32>
    %shift_left3A_964 = arith.constant 14 : i32
    %shift_left3A_965 = vector.broadcast %shift_left3A_964 : i32 to vector<16xi32>
    %shift_left3A_966 = arith.shli %shift_right_logical3A_963, %shift_left3A_965 : vector<16xi32>
    %shift_right_logical3A_967 = arith.constant 7 : i32
    %shift_right_logical3A_968 = vector.broadcast %shift_right_logical3A_967 : i32 to vector<16xi32>
    %shift_right_logical3A_969 = arith.shrui %get3A_956, %shift_right_logical3A_968 : vector<16xi32>
    %shift_left3A_970 = arith.constant 10 : i32
    %shift_left3A_971 = vector.broadcast %shift_left3A_970 : i32 to vector<16xi32>
    %shift_left3A_972 = arith.shli %shift_right_logical3A_969, %shift_left3A_971 : vector<16xi32>
    %add3A_973 = arith.addi %shift_left3A_966, %shift_left3A_972 : vector<16xi32>
    %and3A_974 = arith.constant 7 : i32
    %and3A_975 = vector.broadcast %and3A_974 : i32 to vector<16xi32>
    %and3A_976 = arith.andi %add3A_960, %and3A_975 : vector<16xi32>
    %shift_left3A_977 = arith.constant 7 : i32
    %shift_left3A_978 = vector.broadcast %shift_left3A_977 : i32 to vector<16xi32>
    %shift_left3A_979 = arith.shli %and3A_976, %shift_left3A_978 : vector<16xi32>
    %add3A_980 = arith.addi %add3A_973, %shift_left3A_979 : vector<16xi32>
    %and3A_981 = arith.constant 127 : i32
    %and3A_982 = vector.broadcast %and3A_981 : i32 to vector<16xi32>
    %and3A_983 = arith.andi %get3A_956, %and3A_982 : vector<16xi32>
    %add3A_984 = arith.addi %add3A_980, %and3A_983 : vector<16xi32>
    %swap3A_985 = arith.constant 48 : index
    %swap3A_986 = tpu.vector_load %arg9[%swap3A_985] {strides = array<i32>} : memref<128xi32, #tpu.memory_space<vmem>>, vector<16xi32>,
    %swap3A_987 = vector.shape_cast %swap3A_986 : vector<16xi32> to vector<16xi32>
    %swap3A_988 = vector.shape_cast %add3A_984 : vector<16xi32> to vector<16xi32>
    tpu.vector_store %arg9[%swap3A_985], %swap3A_988 {strides = array<i32>} : memref<128xi32, #tpu.memory_space<vmem>>, vector<16xi32>,
    %get3A_989 = arith.constant 448 : index
    %get3A_990 = tpu.vector_load %arg5[%get3A_989] {strides = array<i32>} : memref<1024xi32, #tpu.memory_space<vmem>>, vector<16xi32>,
    %get3A_991 = vector.shape_cast %get3A_990 : vector<16xi32> to vector<16xi32>
    %add3A_992 = arith.constant 448 : i32
    %add3A_993 = arith.addi %mul3A_2, %add3A_992 : i32
    %add3A_994 = vector.broadcast %add3A_993 : i32 to vector<16xi32>
    %add3A_995 = arith.addi %add3A_994, %iota3A : vector<16xi32>
    %shift_right_logical3A_996 = arith.constant 3 : i32
    %shift_right_logical3A_997 = vector.broadcast %shift_right_logical3A_996 : i32 to vector<16xi32>
    %shift_right_logical3A_998 = arith.shrui %add3A_995, %shift_right_logical3A_997 : vector<16xi32>
    %shift_left3A_999 = arith.constant 14 : i32
    %shift_left3A_1000 = vector.broadcast %shift_left3A_999 : i32 to vector<16xi32>
    %shift_left3A_1001 = arith.shli %shift_right_logical3A_998, %shift_left3A_1000 : vector<16xi32>
    %shift_right_logical3A_1002 = arith.constant 7 : i32
    %shift_right_logical3A_1003 = vector.broadcast %shift_right_logical3A_1002 : i32 to vector<16xi32>
    %shift_right_logical3A_1004 = arith.shrui %get3A_991, %shift_right_logical3A_1003 : vector<16xi32>
    %shift_left3A_1005 = arith.constant 10 : i32
    %shift_left3A_1006 = vector.broadcast %shift_left3A_1005 : i32 to vector<16xi32>
    %shift_left3A_1007 = arith.shli %shift_right_logical3A_1004, %shift_left3A_1006 : vector<16xi32>
    %add3A_1008 = arith.addi %shift_left3A_1001, %shift_left3A_1007 : vector<16xi32>
    %and3A_1009 = arith.constant 7 : i32
    %and3A_1010 = vector.broadcast %and3A_1009 : i32 to vector<16xi32>
    %and3A_1011 = arith.andi %add3A_995, %and3A_1010 : vector<16xi32>
    %shift_left3A_1012 = arith.constant 7 : i32
    %shift_left3A_1013 = vector.broadcast %shift_left3A_1012 : i32 to vector<16xi32>
    %shift_left3A_1014 = arith.shli %and3A_1011, %shift_left3A_1013 : vector<16xi32>
    %add3A_1015 = arith.addi %add3A_1008, %shift_left3A_1014 : vector<16xi32>
    %and3A_1016 = arith.constant 127 : i32
    %and3A_1017 = vector.broadcast %and3A_1016 : i32 to vector<16xi32>
    %and3A_1018 = arith.andi %get3A_991, %and3A_1017 : vector<16xi32>
    %add3A_1019 = arith.addi %add3A_1015, %and3A_1018 : vector<16xi32>
    %swap3A_1020 = arith.constant 64 : index
    %swap3A_1021 = tpu.vector_load %arg9[%swap3A_1020] {strides = array<i32>} : memref<128xi32, #tpu.memory_space<vmem>>, vector<16xi32>,
    %swap3A_1022 = vector.shape_cast %swap3A_1021 : vector<16xi32> to vector<16xi32>
    %swap3A_1023 = vector.shape_cast %add3A_1019 : vector<16xi32> to vector<16xi32>
    tpu.vector_store %arg9[%swap3A_1020], %swap3A_1023 {strides = array<i32>} : memref<128xi32, #tpu.memory_space<vmem>>, vector<16xi32>,
    %get3A_1024 = arith.constant 464 : index
    %get3A_1025 = tpu.vector_load %arg5[%get3A_1024] {strides = array<i32>} : memref<1024xi32, #tpu.memory_space<vmem>>, vector<16xi32>,
    %get3A_1026 = vector.shape_cast %get3A_1025 : vector<16xi32> to vector<16xi32>
    %add3A_1027 = arith.constant 464 : i32
    %add3A_1028 = arith.addi %mul3A_2, %add3A_1027 : i32
    %add3A_1029 = vector.broadcast %add3A_1028 : i32 to vector<16xi32>
    %add3A_1030 = arith.addi %add3A_1029, %iota3A : vector<16xi32>
    %shift_right_logical3A_1031 = arith.constant 3 : i32
    %shift_right_logical3A_1032 = vector.broadcast %shift_right_logical3A_1031 : i32 to vector<16xi32>
    %shift_right_logical3A_1033 = arith.shrui %add3A_1030, %shift_right_logical3A_1032 : vector<16xi32>
    %shift_left3A_1034 = arith.constant 14 : i32
    %shift_left3A_1035 = vector.broadcast %shift_left3A_1034 : i32 to vector<16xi32>
    %shift_left3A_1036 = arith.shli %shift_right_logical3A_1033, %shift_left3A_1035 : vector<16xi32>
    %shift_right_logical3A_1037 = arith.constant 7 : i32
    %shift_right_logical3A_1038 = vector.broadcast %shift_right_logical3A_1037 : i32 to vector<16xi32>
    %shift_right_logical3A_1039 = arith.shrui %get3A_1026, %shift_right_logical3A_1038 : vector<16xi32>
    %shift_left3A_1040 = arith.constant 10 : i32
    %shift_left3A_1041 = vector.broadcast %shift_left3A_1040 : i32 to vector<16xi32>
    %shift_left3A_1042 = arith.shli %shift_right_logical3A_1039, %shift_left3A_1041 : vector<16xi32>
    %add3A_1043 = arith.addi %shift_left3A_1036, %shift_left3A_1042 : vector<16xi32>
    %and3A_1044 = arith.constant 7 : i32
    %and3A_1045 = vector.broadcast %and3A_1044 : i32 to vector<16xi32>
    %and3A_1046 = arith.andi %add3A_1030, %and3A_1045 : vector<16xi32>
    %shift_left3A_1047 = arith.constant 7 : i32
    %shift_left3A_1048 = vector.broadcast %shift_left3A_1047 : i32 to vector<16xi32>
    %shift_left3A_1049 = arith.shli %and3A_1046, %shift_left3A_1048 : vector<16xi32>
    %add3A_1050 = arith.addi %add3A_1043, %shift_left3A_1049 : vector<16xi32>
    %and3A_1051 = arith.constant 127 : i32
    %and3A_1052 = vector.broadcast %and3A_1051 : i32 to vector<16xi32>
    %and3A_1053 = arith.andi %get3A_1026, %and3A_1052 : vector<16xi32>
    %add3A_1054 = arith.addi %add3A_1050, %and3A_1053 : vector<16xi32>
    %swap3A_1055 = arith.constant 80 : index
    %swap3A_1056 = tpu.vector_load %arg9[%swap3A_1055] {strides = array<i32>} : memref<128xi32, #tpu.memory_space<vmem>>, vector<16xi32>,
    %swap3A_1057 = vector.shape_cast %swap3A_1056 : vector<16xi32> to vector<16xi32>
    %swap3A_1058 = vector.shape_cast %add3A_1054 : vector<16xi32> to vector<16xi32>
    tpu.vector_store %arg9[%swap3A_1055], %swap3A_1058 {strides = array<i32>} : memref<128xi32, #tpu.memory_space<vmem>>, vector<16xi32>,
    %get3A_1059 = arith.constant 480 : index
    %get3A_1060 = tpu.vector_load %arg5[%get3A_1059] {strides = array<i32>} : memref<1024xi32, #tpu.memory_space<vmem>>, vector<16xi32>,
    %get3A_1061 = vector.shape_cast %get3A_1060 : vector<16xi32> to vector<16xi32>
    %add3A_1062 = arith.constant 480 : i32
    %add3A_1063 = arith.addi %mul3A_2, %add3A_1062 : i32
    %add3A_1064 = vector.broadcast %add3A_1063 : i32 to vector<16xi32>
    %add3A_1065 = arith.addi %add3A_1064, %iota3A : vector<16xi32>
    %shift_right_logical3A_1066 = arith.constant 3 : i32
    %shift_right_logical3A_1067 = vector.broadcast %shift_right_logical3A_1066 : i32 to vector<16xi32>
    %shift_right_logical3A_1068 = arith.shrui %add3A_1065, %shift_right_logical3A_1067 : vector<16xi32>
    %shift_left3A_1069 = arith.constant 14 : i32
    %shift_left3A_1070 = vector.broadcast %shift_left3A_1069 : i32 to vector<16xi32>
    %shift_left3A_1071 = arith.shli %shift_right_logical3A_1068, %shift_left3A_1070 : vector<16xi32>
    %shift_right_logical3A_1072 = arith.constant 7 : i32
    %shift_right_logical3A_1073 = vector.broadcast %shift_right_logical3A_1072 : i32 to vector<16xi32>
    %shift_right_logical3A_1074 = arith.shrui %get3A_1061, %shift_right_logical3A_1073 : vector<16xi32>
    %shift_left3A_1075 = arith.constant 10 : i32
    %shift_left3A_1076 = vector.broadcast %shift_left3A_1075 : i32 to vector<16xi32>
    %shift_left3A_1077 = arith.shli %shift_right_logical3A_1074, %shift_left3A_1076 : vector<16xi32>
    %add3A_1078 = arith.addi %shift_left3A_1071, %shift_left3A_1077 : vector<16xi32>
    %and3A_1079 = arith.constant 7 : i32
    %and3A_1080 = vector.broadcast %and3A_1079 : i32 to vector<16xi32>
    %and3A_1081 = arith.andi %add3A_1065, %and3A_1080 : vector<16xi32>
    %shift_left3A_1082 = arith.constant 7 : i32
    %shift_left3A_1083 = vector.broadcast %shift_left3A_1082 : i32 to vector<16xi32>
    %shift_left3A_1084 = arith.shli %and3A_1081, %shift_left3A_1083 : vector<16xi32>
    %add3A_1085 = arith.addi %add3A_1078, %shift_left3A_1084 : vector<16xi32>
    %and3A_1086 = arith.constant 127 : i32
    %and3A_1087 = vector.broadcast %and3A_1086 : i32 to vector<16xi32>
    %and3A_1088 = arith.andi %get3A_1061, %and3A_1087 : vector<16xi32>
    %add3A_1089 = arith.addi %add3A_1085, %and3A_1088 : vector<16xi32>
    %swap3A_1090 = arith.constant 96 : index
    %swap3A_1091 = tpu.vector_load %arg9[%swap3A_1090] {strides = array<i32>} : memref<128xi32, #tpu.memory_space<vmem>>, vector<16xi32>,
    %swap3A_1092 = vector.shape_cast %swap3A_1091 : vector<16xi32> to vector<16xi32>
    %swap3A_1093 = vector.shape_cast %add3A_1089 : vector<16xi32> to vector<16xi32>
    tpu.vector_store %arg9[%swap3A_1090], %swap3A_1093 {strides = array<i32>} : memref<128xi32, #tpu.memory_space<vmem>>, vector<16xi32>,
    %get3A_1094 = arith.constant 496 : index
    %get3A_1095 = tpu.vector_load %arg5[%get3A_1094] {strides = array<i32>} : memref<1024xi32, #tpu.memory_space<vmem>>, vector<16xi32>,
    %get3A_1096 = vector.shape_cast %get3A_1095 : vector<16xi32> to vector<16xi32>
    %add3A_1097 = arith.constant 496 : i32
    %add3A_1098 = arith.addi %mul3A_2, %add3A_1097 : i32
    %add3A_1099 = vector.broadcast %add3A_1098 : i32 to vector<16xi32>
    %add3A_1100 = arith.addi %add3A_1099, %iota3A : vector<16xi32>
    %shift_right_logical3A_1101 = arith.constant 3 : i32
    %shift_right_logical3A_1102 = vector.broadcast %shift_right_logical3A_1101 : i32 to vector<16xi32>
    %shift_right_logical3A_1103 = arith.shrui %add3A_1100, %shift_right_logical3A_1102 : vector<16xi32>
    %shift_left3A_1104 = arith.constant 14 : i32
    %shift_left3A_1105 = vector.broadcast %shift_left3A_1104 : i32 to vector<16xi32>
    %shift_left3A_1106 = arith.shli %shift_right_logical3A_1103, %shift_left3A_1105 : vector<16xi32>
    %shift_right_logical3A_1107 = arith.constant 7 : i32
    %shift_right_logical3A_1108 = vector.broadcast %shift_right_logical3A_1107 : i32 to vector<16xi32>
    %shift_right_logical3A_1109 = arith.shrui %get3A_1096, %shift_right_logical3A_1108 : vector<16xi32>
    %shift_left3A_1110 = arith.constant 10 : i32
    %shift_left3A_1111 = vector.broadcast %shift_left3A_1110 : i32 to vector<16xi32>
    %shift_left3A_1112 = arith.shli %shift_right_logical3A_1109, %shift_left3A_1111 : vector<16xi32>
    %add3A_1113 = arith.addi %shift_left3A_1106, %shift_left3A_1112 : vector<16xi32>
    %and3A_1114 = arith.constant 7 : i32
    %and3A_1115 = vector.broadcast %and3A_1114 : i32 to vector<16xi32>
    %and3A_1116 = arith.andi %add3A_1100, %and3A_1115 : vector<16xi32>
    %shift_left3A_1117 = arith.constant 7 : i32
    %shift_left3A_1118 = vector.broadcast %shift_left3A_1117 : i32 to vector<16xi32>
    %shift_left3A_1119 = arith.shli %and3A_1116, %shift_left3A_1118 : vector<16xi32>
    %add3A_1120 = arith.addi %add3A_1113, %shift_left3A_1119 : vector<16xi32>
    %and3A_1121 = arith.constant 127 : i32
    %and3A_1122 = vector.broadcast %and3A_1121 : i32 to vector<16xi32>
    %and3A_1123 = arith.andi %get3A_1096, %and3A_1122 : vector<16xi32>
    %add3A_1124 = arith.addi %add3A_1120, %and3A_1123 : vector<16xi32>
    %swap3A_1125 = arith.constant 112 : index
    %swap3A_1126 = tpu.vector_load %arg9[%swap3A_1125] {strides = array<i32>} : memref<128xi32, #tpu.memory_space<vmem>>, vector<16xi32>,
    %swap3A_1127 = vector.shape_cast %swap3A_1126 : vector<16xi32> to vector<16xi32>
    %swap3A_1128 = vector.shape_cast %add3A_1124 : vector<16xi32> to vector<16xi32>
    tpu.vector_store %arg9[%swap3A_1125], %swap3A_1128 {strides = array<i32>} : memref<128xi32, #tpu.memory_space<vmem>>, vector<16xi32>,
    %dma_start3A_1129 = arith.constant 384 : i32
    %dma_start3A_1130 = tpu.memref_slice %arg14[%dma_start3A_1129] : memref<1024xf32, #tpu.memory_space<vmem>> -> memref<128xf32, #tpu.memory_space<vmem>>
    %dma_start3A_1131 = arith.constant 0 : i32
    %dma_start3A_1132 = tpu.memref_slice %arg3[%dma_start3A_1131] : memref<33554432xf32, #tpu.memory_space<hbm>> -> memref<33554432xf32, #tpu.memory_space<hbm>>
    tpu.enqueue_indirect_dma source(%dma_start3A_1132 : memref<33554432xf32, #tpu.memory_space<hbm>>) target(%dma_start3A_1130 : memref<128xf32, #tpu.memory_space<vmem>>) offsets(%arg9 : memref<128xi32, #tpu.memory_space<vmem>>) semaphore(%arg15 : memref<!tpu.dma_semaphore, #tpu.memory_space<semaphore_mem>>)
    %get3A_1133 = arith.constant 512 : index
    %get3A_1134 = tpu.vector_load %arg5[%get3A_1133] {strides = array<i32>} : memref<1024xi32, #tpu.memory_space<vmem>>, vector<16xi32>,
    %get3A_1135 = vector.shape_cast %get3A_1134 : vector<16xi32> to vector<16xi32>
    %add3A_1136 = arith.constant 512 : i32
    %add3A_1137 = arith.addi %mul3A_2, %add3A_1136 : i32
    %add3A_1138 = vector.broadcast %add3A_1137 : i32 to vector<16xi32>
    %add3A_1139 = arith.addi %add3A_1138, %iota3A : vector<16xi32>
    %shift_right_logical3A_1140 = arith.constant 3 : i32
    %shift_right_logical3A_1141 = vector.broadcast %shift_right_logical3A_1140 : i32 to vector<16xi32>
    %shift_right_logical3A_1142 = arith.shrui %add3A_1139, %shift_right_logical3A_1141 : vector<16xi32>
    %shift_left3A_1143 = arith.constant 14 : i32
    %shift_left3A_1144 = vector.broadcast %shift_left3A_1143 : i32 to vector<16xi32>
    %shift_left3A_1145 = arith.shli %shift_right_logical3A_1142, %shift_left3A_1144 : vector<16xi32>
    %shift_right_logical3A_1146 = arith.constant 7 : i32
    %shift_right_logical3A_1147 = vector.broadcast %shift_right_logical3A_1146 : i32 to vector<16xi32>
    %shift_right_logical3A_1148 = arith.shrui %get3A_1135, %shift_right_logical3A_1147 : vector<16xi32>
    %shift_left3A_1149 = arith.constant 10 : i32
    %shift_left3A_1150 = vector.broadcast %shift_left3A_1149 : i32 to vector<16xi32>
    %shift_left3A_1151 = arith.shli %shift_right_logical3A_1148, %shift_left3A_1150 : vector<16xi32>
    %add3A_1152 = arith.addi %shift_left3A_1145, %shift_left3A_1151 : vector<16xi32>
    %and3A_1153 = arith.constant 7 : i32
    %and3A_1154 = vector.broadcast %and3A_1153 : i32 to vector<16xi32>
    %and3A_1155 = arith.andi %add3A_1139, %and3A_1154 : vector<16xi32>
    %shift_left3A_1156 = arith.constant 7 : i32
    %shift_left3A_1157 = vector.broadcast %shift_left3A_1156 : i32 to vector<16xi32>
    %shift_left3A_1158 = arith.shli %and3A_1155, %shift_left3A_1157 : vector<16xi32>
    %add3A_1159 = arith.addi %add3A_1152, %shift_left3A_1158 : vector<16xi32>
    %and3A_1160 = arith.constant 127 : i32
    %and3A_1161 = vector.broadcast %and3A_1160 : i32 to vector<16xi32>
    %and3A_1162 = arith.andi %get3A_1135, %and3A_1161 : vector<16xi32>
    %add3A_1163 = arith.addi %add3A_1159, %and3A_1162 : vector<16xi32>
    %swap3A_1164 = arith.constant 0 : index
    %swap3A_1165 = tpu.vector_load %arg10[%swap3A_1164] {strides = array<i32>} : memref<128xi32, #tpu.memory_space<vmem>>, vector<16xi32>,
    %swap3A_1166 = vector.shape_cast %swap3A_1165 : vector<16xi32> to vector<16xi32>
    %swap3A_1167 = vector.shape_cast %add3A_1163 : vector<16xi32> to vector<16xi32>
    tpu.vector_store %arg10[%swap3A_1164], %swap3A_1167 {strides = array<i32>} : memref<128xi32, #tpu.memory_space<vmem>>, vector<16xi32>,
    %get3A_1168 = arith.constant 528 : index
    %get3A_1169 = tpu.vector_load %arg5[%get3A_1168] {strides = array<i32>} : memref<1024xi32, #tpu.memory_space<vmem>>, vector<16xi32>,
    %get3A_1170 = vector.shape_cast %get3A_1169 : vector<16xi32> to vector<16xi32>
    %add3A_1171 = arith.constant 528 : i32
    %add3A_1172 = arith.addi %mul3A_2, %add3A_1171 : i32
    %add3A_1173 = vector.broadcast %add3A_1172 : i32 to vector<16xi32>
    %add3A_1174 = arith.addi %add3A_1173, %iota3A : vector<16xi32>
    %shift_right_logical3A_1175 = arith.constant 3 : i32
    %shift_right_logical3A_1176 = vector.broadcast %shift_right_logical3A_1175 : i32 to vector<16xi32>
    %shift_right_logical3A_1177 = arith.shrui %add3A_1174, %shift_right_logical3A_1176 : vector<16xi32>
    %shift_left3A_1178 = arith.constant 14 : i32
    %shift_left3A_1179 = vector.broadcast %shift_left3A_1178 : i32 to vector<16xi32>
    %shift_left3A_1180 = arith.shli %shift_right_logical3A_1177, %shift_left3A_1179 : vector<16xi32>
    %shift_right_logical3A_1181 = arith.constant 7 : i32
    %shift_right_logical3A_1182 = vector.broadcast %shift_right_logical3A_1181 : i32 to vector<16xi32>
    %shift_right_logical3A_1183 = arith.shrui %get3A_1170, %shift_right_logical3A_1182 : vector<16xi32>
    %shift_left3A_1184 = arith.constant 10 : i32
    %shift_left3A_1185 = vector.broadcast %shift_left3A_1184 : i32 to vector<16xi32>
    %shift_left3A_1186 = arith.shli %shift_right_logical3A_1183, %shift_left3A_1185 : vector<16xi32>
    %add3A_1187 = arith.addi %shift_left3A_1180, %shift_left3A_1186 : vector<16xi32>
    %and3A_1188 = arith.constant 7 : i32
    %and3A_1189 = vector.broadcast %and3A_1188 : i32 to vector<16xi32>
    %and3A_1190 = arith.andi %add3A_1174, %and3A_1189 : vector<16xi32>
    %shift_left3A_1191 = arith.constant 7 : i32
    %shift_left3A_1192 = vector.broadcast %shift_left3A_1191 : i32 to vector<16xi32>
    %shift_left3A_1193 = arith.shli %and3A_1190, %shift_left3A_1192 : vector<16xi32>
    %add3A_1194 = arith.addi %add3A_1187, %shift_left3A_1193 : vector<16xi32>
    %and3A_1195 = arith.constant 127 : i32
    %and3A_1196 = vector.broadcast %and3A_1195 : i32 to vector<16xi32>
    %and3A_1197 = arith.andi %get3A_1170, %and3A_1196 : vector<16xi32>
    %add3A_1198 = arith.addi %add3A_1194, %and3A_1197 : vector<16xi32>
    %swap3A_1199 = arith.constant 16 : index
    %swap3A_1200 = tpu.vector_load %arg10[%swap3A_1199] {strides = array<i32>} : memref<128xi32, #tpu.memory_space<vmem>>, vector<16xi32>,
    %swap3A_1201 = vector.shape_cast %swap3A_1200 : vector<16xi32> to vector<16xi32>
    %swap3A_1202 = vector.shape_cast %add3A_1198 : vector<16xi32> to vector<16xi32>
    tpu.vector_store %arg10[%swap3A_1199], %swap3A_1202 {strides = array<i32>} : memref<128xi32, #tpu.memory_space<vmem>>, vector<16xi32>,
    %get3A_1203 = arith.constant 544 : index
    %get3A_1204 = tpu.vector_load %arg5[%get3A_1203] {strides = array<i32>} : memref<1024xi32, #tpu.memory_space<vmem>>, vector<16xi32>,
    %get3A_1205 = vector.shape_cast %get3A_1204 : vector<16xi32> to vector<16xi32>
    %add3A_1206 = arith.constant 544 : i32
    %add3A_1207 = arith.addi %mul3A_2, %add3A_1206 : i32
    %add3A_1208 = vector.broadcast %add3A_1207 : i32 to vector<16xi32>
    %add3A_1209 = arith.addi %add3A_1208, %iota3A : vector<16xi32>
    %shift_right_logical3A_1210 = arith.constant 3 : i32
    %shift_right_logical3A_1211 = vector.broadcast %shift_right_logical3A_1210 : i32 to vector<16xi32>
    %shift_right_logical3A_1212 = arith.shrui %add3A_1209, %shift_right_logical3A_1211 : vector<16xi32>
    %shift_left3A_1213 = arith.constant 14 : i32
    %shift_left3A_1214 = vector.broadcast %shift_left3A_1213 : i32 to vector<16xi32>
    %shift_left3A_1215 = arith.shli %shift_right_logical3A_1212, %shift_left3A_1214 : vector<16xi32>
    %shift_right_logical3A_1216 = arith.constant 7 : i32
    %shift_right_logical3A_1217 = vector.broadcast %shift_right_logical3A_1216 : i32 to vector<16xi32>
    %shift_right_logical3A_1218 = arith.shrui %get3A_1205, %shift_right_logical3A_1217 : vector<16xi32>
    %shift_left3A_1219 = arith.constant 10 : i32
    %shift_left3A_1220 = vector.broadcast %shift_left3A_1219 : i32 to vector<16xi32>
    %shift_left3A_1221 = arith.shli %shift_right_logical3A_1218, %shift_left3A_1220 : vector<16xi32>
    %add3A_1222 = arith.addi %shift_left3A_1215, %shift_left3A_1221 : vector<16xi32>
    %and3A_1223 = arith.constant 7 : i32
    %and3A_1224 = vector.broadcast %and3A_1223 : i32 to vector<16xi32>
    %and3A_1225 = arith.andi %add3A_1209, %and3A_1224 : vector<16xi32>
    %shift_left3A_1226 = arith.constant 7 : i32
    %shift_left3A_1227 = vector.broadcast %shift_left3A_1226 : i32 to vector<16xi32>
    %shift_left3A_1228 = arith.shli %and3A_1225, %shift_left3A_1227 : vector<16xi32>
    %add3A_1229 = arith.addi %add3A_1222, %shift_left3A_1228 : vector<16xi32>
    %and3A_1230 = arith.constant 127 : i32
    %and3A_1231 = vector.broadcast %and3A_1230 : i32 to vector<16xi32>
    %and3A_1232 = arith.andi %get3A_1205, %and3A_1231 : vector<16xi32>
    %add3A_1233 = arith.addi %add3A_1229, %and3A_1232 : vector<16xi32>
    %swap3A_1234 = arith.constant 32 : index
    %swap3A_1235 = tpu.vector_load %arg10[%swap3A_1234] {strides = array<i32>} : memref<128xi32, #tpu.memory_space<vmem>>, vector<16xi32>,
    %swap3A_1236 = vector.shape_cast %swap3A_1235 : vector<16xi32> to vector<16xi32>
    %swap3A_1237 = vector.shape_cast %add3A_1233 : vector<16xi32> to vector<16xi32>
    tpu.vector_store %arg10[%swap3A_1234], %swap3A_1237 {strides = array<i32>} : memref<128xi32, #tpu.memory_space<vmem>>, vector<16xi32>,
    %get3A_1238 = arith.constant 560 : index
    %get3A_1239 = tpu.vector_load %arg5[%get3A_1238] {strides = array<i32>} : memref<1024xi32, #tpu.memory_space<vmem>>, vector<16xi32>,
    %get3A_1240 = vector.shape_cast %get3A_1239 : vector<16xi32> to vector<16xi32>
    %add3A_1241 = arith.constant 560 : i32
    %add3A_1242 = arith.addi %mul3A_2, %add3A_1241 : i32
    %add3A_1243 = vector.broadcast %add3A_1242 : i32 to vector<16xi32>
    %add3A_1244 = arith.addi %add3A_1243, %iota3A : vector<16xi32>
    %shift_right_logical3A_1245 = arith.constant 3 : i32
    %shift_right_logical3A_1246 = vector.broadcast %shift_right_logical3A_1245 : i32 to vector<16xi32>
    %shift_right_logical3A_1247 = arith.shrui %add3A_1244, %shift_right_logical3A_1246 : vector<16xi32>
    %shift_left3A_1248 = arith.constant 14 : i32
    %shift_left3A_1249 = vector.broadcast %shift_left3A_1248 : i32 to vector<16xi32>
    %shift_left3A_1250 = arith.shli %shift_right_logical3A_1247, %shift_left3A_1249 : vector<16xi32>
    %shift_right_logical3A_1251 = arith.constant 7 : i32
    %shift_right_logical3A_1252 = vector.broadcast %shift_right_logical3A_1251 : i32 to vector<16xi32>
    %shift_right_logical3A_1253 = arith.shrui %get3A_1240, %shift_right_logical3A_1252 : vector<16xi32>
    %shift_left3A_1254 = arith.constant 10 : i32
    %shift_left3A_1255 = vector.broadcast %shift_left3A_1254 : i32 to vector<16xi32>
    %shift_left3A_1256 = arith.shli %shift_right_logical3A_1253, %shift_left3A_1255 : vector<16xi32>
    %add3A_1257 = arith.addi %shift_left3A_1250, %shift_left3A_1256 : vector<16xi32>
    %and3A_1258 = arith.constant 7 : i32
    %and3A_1259 = vector.broadcast %and3A_1258 : i32 to vector<16xi32>
    %and3A_1260 = arith.andi %add3A_1244, %and3A_1259 : vector<16xi32>
    %shift_left3A_1261 = arith.constant 7 : i32
    %shift_left3A_1262 = vector.broadcast %shift_left3A_1261 : i32 to vector<16xi32>
    %shift_left3A_1263 = arith.shli %and3A_1260, %shift_left3A_1262 : vector<16xi32>
    %add3A_1264 = arith.addi %add3A_1257, %shift_left3A_1263 : vector<16xi32>
    %and3A_1265 = arith.constant 127 : i32
    %and3A_1266 = vector.broadcast %and3A_1265 : i32 to vector<16xi32>
    %and3A_1267 = arith.andi %get3A_1240, %and3A_1266 : vector<16xi32>
    %add3A_1268 = arith.addi %add3A_1264, %and3A_1267 : vector<16xi32>
    %swap3A_1269 = arith.constant 48 : index
    %swap3A_1270 = tpu.vector_load %arg10[%swap3A_1269] {strides = array<i32>} : memref<128xi32, #tpu.memory_space<vmem>>, vector<16xi32>,
    %swap3A_1271 = vector.shape_cast %swap3A_1270 : vector<16xi32> to vector<16xi32>
    %swap3A_1272 = vector.shape_cast %add3A_1268 : vector<16xi32> to vector<16xi32>
    tpu.vector_store %arg10[%swap3A_1269], %swap3A_1272 {strides = array<i32>} : memref<128xi32, #tpu.memory_space<vmem>>, vector<16xi32>,
    %get3A_1273 = arith.constant 576 : index
    %get3A_1274 = tpu.vector_load %arg5[%get3A_1273] {strides = array<i32>} : memref<1024xi32, #tpu.memory_space<vmem>>, vector<16xi32>,
    %get3A_1275 = vector.shape_cast %get3A_1274 : vector<16xi32> to vector<16xi32>
    %add3A_1276 = arith.constant 576 : i32
    %add3A_1277 = arith.addi %mul3A_2, %add3A_1276 : i32
    %add3A_1278 = vector.broadcast %add3A_1277 : i32 to vector<16xi32>
    %add3A_1279 = arith.addi %add3A_1278, %iota3A : vector<16xi32>
    %shift_right_logical3A_1280 = arith.constant 3 : i32
    %shift_right_logical3A_1281 = vector.broadcast %shift_right_logical3A_1280 : i32 to vector<16xi32>
    %shift_right_logical3A_1282 = arith.shrui %add3A_1279, %shift_right_logical3A_1281 : vector<16xi32>
    %shift_left3A_1283 = arith.constant 14 : i32
    %shift_left3A_1284 = vector.broadcast %shift_left3A_1283 : i32 to vector<16xi32>
    %shift_left3A_1285 = arith.shli %shift_right_logical3A_1282, %shift_left3A_1284 : vector<16xi32>
    %shift_right_logical3A_1286 = arith.constant 7 : i32
    %shift_right_logical3A_1287 = vector.broadcast %shift_right_logical3A_1286 : i32 to vector<16xi32>
    %shift_right_logical3A_1288 = arith.shrui %get3A_1275, %shift_right_logical3A_1287 : vector<16xi32>
    %shift_left3A_1289 = arith.constant 10 : i32
    %shift_left3A_1290 = vector.broadcast %shift_left3A_1289 : i32 to vector<16xi32>
    %shift_left3A_1291 = arith.shli %shift_right_logical3A_1288, %shift_left3A_1290 : vector<16xi32>
    %add3A_1292 = arith.addi %shift_left3A_1285, %shift_left3A_1291 : vector<16xi32>
    %and3A_1293 = arith.constant 7 : i32
    %and3A_1294 = vector.broadcast %and3A_1293 : i32 to vector<16xi32>
    %and3A_1295 = arith.andi %add3A_1279, %and3A_1294 : vector<16xi32>
    %shift_left3A_1296 = arith.constant 7 : i32
    %shift_left3A_1297 = vector.broadcast %shift_left3A_1296 : i32 to vector<16xi32>
    %shift_left3A_1298 = arith.shli %and3A_1295, %shift_left3A_1297 : vector<16xi32>
    %add3A_1299 = arith.addi %add3A_1292, %shift_left3A_1298 : vector<16xi32>
    %and3A_1300 = arith.constant 127 : i32
    %and3A_1301 = vector.broadcast %and3A_1300 : i32 to vector<16xi32>
    %and3A_1302 = arith.andi %get3A_1275, %and3A_1301 : vector<16xi32>
    %add3A_1303 = arith.addi %add3A_1299, %and3A_1302 : vector<16xi32>
    %swap3A_1304 = arith.constant 64 : index
    %swap3A_1305 = tpu.vector_load %arg10[%swap3A_1304] {strides = array<i32>} : memref<128xi32, #tpu.memory_space<vmem>>, vector<16xi32>,
    %swap3A_1306 = vector.shape_cast %swap3A_1305 : vector<16xi32> to vector<16xi32>
    %swap3A_1307 = vector.shape_cast %add3A_1303 : vector<16xi32> to vector<16xi32>
    tpu.vector_store %arg10[%swap3A_1304], %swap3A_1307 {strides = array<i32>} : memref<128xi32, #tpu.memory_space<vmem>>, vector<16xi32>,
    %get3A_1308 = arith.constant 592 : index
    %get3A_1309 = tpu.vector_load %arg5[%get3A_1308] {strides = array<i32>} : memref<1024xi32, #tpu.memory_space<vmem>>, vector<16xi32>,
    %get3A_1310 = vector.shape_cast %get3A_1309 : vector<16xi32> to vector<16xi32>
    %add3A_1311 = arith.constant 592 : i32
    %add3A_1312 = arith.addi %mul3A_2, %add3A_1311 : i32
    %add3A_1313 = vector.broadcast %add3A_1312 : i32 to vector<16xi32>
    %add3A_1314 = arith.addi %add3A_1313, %iota3A : vector<16xi32>
    %shift_right_logical3A_1315 = arith.constant 3 : i32
    %shift_right_logical3A_1316 = vector.broadcast %shift_right_logical3A_1315 : i32 to vector<16xi32>
    %shift_right_logical3A_1317 = arith.shrui %add3A_1314, %shift_right_logical3A_1316 : vector<16xi32>
    %shift_left3A_1318 = arith.constant 14 : i32
    %shift_left3A_1319 = vector.broadcast %shift_left3A_1318 : i32 to vector<16xi32>
    %shift_left3A_1320 = arith.shli %shift_right_logical3A_1317, %shift_left3A_1319 : vector<16xi32>
    %shift_right_logical3A_1321 = arith.constant 7 : i32
    %shift_right_logical3A_1322 = vector.broadcast %shift_right_logical3A_1321 : i32 to vector<16xi32>
    %shift_right_logical3A_1323 = arith.shrui %get3A_1310, %shift_right_logical3A_1322 : vector<16xi32>
    %shift_left3A_1324 = arith.constant 10 : i32
    %shift_left3A_1325 = vector.broadcast %shift_left3A_1324 : i32 to vector<16xi32>
    %shift_left3A_1326 = arith.shli %shift_right_logical3A_1323, %shift_left3A_1325 : vector<16xi32>
    %add3A_1327 = arith.addi %shift_left3A_1320, %shift_left3A_1326 : vector<16xi32>
    %and3A_1328 = arith.constant 7 : i32
    %and3A_1329 = vector.broadcast %and3A_1328 : i32 to vector<16xi32>
    %and3A_1330 = arith.andi %add3A_1314, %and3A_1329 : vector<16xi32>
    %shift_left3A_1331 = arith.constant 7 : i32
    %shift_left3A_1332 = vector.broadcast %shift_left3A_1331 : i32 to vector<16xi32>
    %shift_left3A_1333 = arith.shli %and3A_1330, %shift_left3A_1332 : vector<16xi32>
    %add3A_1334 = arith.addi %add3A_1327, %shift_left3A_1333 : vector<16xi32>
    %and3A_1335 = arith.constant 127 : i32
    %and3A_1336 = vector.broadcast %and3A_1335 : i32 to vector<16xi32>
    %and3A_1337 = arith.andi %get3A_1310, %and3A_1336 : vector<16xi32>
    %add3A_1338 = arith.addi %add3A_1334, %and3A_1337 : vector<16xi32>
    %swap3A_1339 = arith.constant 80 : index
    %swap3A_1340 = tpu.vector_load %arg10[%swap3A_1339] {strides = array<i32>} : memref<128xi32, #tpu.memory_space<vmem>>, vector<16xi32>,
    %swap3A_1341 = vector.shape_cast %swap3A_1340 : vector<16xi32> to vector<16xi32>
    %swap3A_1342 = vector.shape_cast %add3A_1338 : vector<16xi32> to vector<16xi32>
    tpu.vector_store %arg10[%swap3A_1339], %swap3A_1342 {strides = array<i32>} : memref<128xi32, #tpu.memory_space<vmem>>, vector<16xi32>,
    %get3A_1343 = arith.constant 608 : index
    %get3A_1344 = tpu.vector_load %arg5[%get3A_1343] {strides = array<i32>} : memref<1024xi32, #tpu.memory_space<vmem>>, vector<16xi32>,
    %get3A_1345 = vector.shape_cast %get3A_1344 : vector<16xi32> to vector<16xi32>
    %add3A_1346 = arith.constant 608 : i32
    %add3A_1347 = arith.addi %mul3A_2, %add3A_1346 : i32
    %add3A_1348 = vector.broadcast %add3A_1347 : i32 to vector<16xi32>
    %add3A_1349 = arith.addi %add3A_1348, %iota3A : vector<16xi32>
    %shift_right_logical3A_1350 = arith.constant 3 : i32
    %shift_right_logical3A_1351 = vector.broadcast %shift_right_logical3A_1350 : i32 to vector<16xi32>
    %shift_right_logical3A_1352 = arith.shrui %add3A_1349, %shift_right_logical3A_1351 : vector<16xi32>
    %shift_left3A_1353 = arith.constant 14 : i32
    %shift_left3A_1354 = vector.broadcast %shift_left3A_1353 : i32 to vector<16xi32>
    %shift_left3A_1355 = arith.shli %shift_right_logical3A_1352, %shift_left3A_1354 : vector<16xi32>
    %shift_right_logical3A_1356 = arith.constant 7 : i32
    %shift_right_logical3A_1357 = vector.broadcast %shift_right_logical3A_1356 : i32 to vector<16xi32>
    %shift_right_logical3A_1358 = arith.shrui %get3A_1345, %shift_right_logical3A_1357 : vector<16xi32>
    %shift_left3A_1359 = arith.constant 10 : i32
    %shift_left3A_1360 = vector.broadcast %shift_left3A_1359 : i32 to vector<16xi32>
    %shift_left3A_1361 = arith.shli %shift_right_logical3A_1358, %shift_left3A_1360 : vector<16xi32>
    %add3A_1362 = arith.addi %shift_left3A_1355, %shift_left3A_1361 : vector<16xi32>
    %and3A_1363 = arith.constant 7 : i32
    %and3A_1364 = vector.broadcast %and3A_1363 : i32 to vector<16xi32>
    %and3A_1365 = arith.andi %add3A_1349, %and3A_1364 : vector<16xi32>
    %shift_left3A_1366 = arith.constant 7 : i32
    %shift_left3A_1367 = vector.broadcast %shift_left3A_1366 : i32 to vector<16xi32>
    %shift_left3A_1368 = arith.shli %and3A_1365, %shift_left3A_1367 : vector<16xi32>
    %add3A_1369 = arith.addi %add3A_1362, %shift_left3A_1368 : vector<16xi32>
    %and3A_1370 = arith.constant 127 : i32
    %and3A_1371 = vector.broadcast %and3A_1370 : i32 to vector<16xi32>
    %and3A_1372 = arith.andi %get3A_1345, %and3A_1371 : vector<16xi32>
    %add3A_1373 = arith.addi %add3A_1369, %and3A_1372 : vector<16xi32>
    %swap3A_1374 = arith.constant 96 : index
    %swap3A_1375 = tpu.vector_load %arg10[%swap3A_1374] {strides = array<i32>} : memref<128xi32, #tpu.memory_space<vmem>>, vector<16xi32>,
    %swap3A_1376 = vector.shape_cast %swap3A_1375 : vector<16xi32> to vector<16xi32>
    %swap3A_1377 = vector.shape_cast %add3A_1373 : vector<16xi32> to vector<16xi32>
    tpu.vector_store %arg10[%swap3A_1374], %swap3A_1377 {strides = array<i32>} : memref<128xi32, #tpu.memory_space<vmem>>, vector<16xi32>,
    %get3A_1378 = arith.constant 624 : index
    %get3A_1379 = tpu.vector_load %arg5[%get3A_1378] {strides = array<i32>} : memref<1024xi32, #tpu.memory_space<vmem>>, vector<16xi32>,
    %get3A_1380 = vector.shape_cast %get3A_1379 : vector<16xi32> to vector<16xi32>
    %add3A_1381 = arith.constant 624 : i32
    %add3A_1382 = arith.addi %mul3A_2, %add3A_1381 : i32
    %add3A_1383 = vector.broadcast %add3A_1382 : i32 to vector<16xi32>
    %add3A_1384 = arith.addi %add3A_1383, %iota3A : vector<16xi32>
    %shift_right_logical3A_1385 = arith.constant 3 : i32
    %shift_right_logical3A_1386 = vector.broadcast %shift_right_logical3A_1385 : i32 to vector<16xi32>
    %shift_right_logical3A_1387 = arith.shrui %add3A_1384, %shift_right_logical3A_1386 : vector<16xi32>
    %shift_left3A_1388 = arith.constant 14 : i32
    %shift_left3A_1389 = vector.broadcast %shift_left3A_1388 : i32 to vector<16xi32>
    %shift_left3A_1390 = arith.shli %shift_right_logical3A_1387, %shift_left3A_1389 : vector<16xi32>
    %shift_right_logical3A_1391 = arith.constant 7 : i32
    %shift_right_logical3A_1392 = vector.broadcast %shift_right_logical3A_1391 : i32 to vector<16xi32>
    %shift_right_logical3A_1393 = arith.shrui %get3A_1380, %shift_right_logical3A_1392 : vector<16xi32>
    %shift_left3A_1394 = arith.constant 10 : i32
    %shift_left3A_1395 = vector.broadcast %shift_left3A_1394 : i32 to vector<16xi32>
    %shift_left3A_1396 = arith.shli %shift_right_logical3A_1393, %shift_left3A_1395 : vector<16xi32>
    %add3A_1397 = arith.addi %shift_left3A_1390, %shift_left3A_1396 : vector<16xi32>
    %and3A_1398 = arith.constant 7 : i32
    %and3A_1399 = vector.broadcast %and3A_1398 : i32 to vector<16xi32>
    %and3A_1400 = arith.andi %add3A_1384, %and3A_1399 : vector<16xi32>
    %shift_left3A_1401 = arith.constant 7 : i32
    %shift_left3A_1402 = vector.broadcast %shift_left3A_1401 : i32 to vector<16xi32>
    %shift_left3A_1403 = arith.shli %and3A_1400, %shift_left3A_1402 : vector<16xi32>
    %add3A_1404 = arith.addi %add3A_1397, %shift_left3A_1403 : vector<16xi32>
    %and3A_1405 = arith.constant 127 : i32
    %and3A_1406 = vector.broadcast %and3A_1405 : i32 to vector<16xi32>
    %and3A_1407 = arith.andi %get3A_1380, %and3A_1406 : vector<16xi32>
    %add3A_1408 = arith.addi %add3A_1404, %and3A_1407 : vector<16xi32>
    %swap3A_1409 = arith.constant 112 : index
    %swap3A_1410 = tpu.vector_load %arg10[%swap3A_1409] {strides = array<i32>} : memref<128xi32, #tpu.memory_space<vmem>>, vector<16xi32>,
    %swap3A_1411 = vector.shape_cast %swap3A_1410 : vector<16xi32> to vector<16xi32>
    %swap3A_1412 = vector.shape_cast %add3A_1408 : vector<16xi32> to vector<16xi32>
    tpu.vector_store %arg10[%swap3A_1409], %swap3A_1412 {strides = array<i32>} : memref<128xi32, #tpu.memory_space<vmem>>, vector<16xi32>,
    %dma_start3A_1413 = arith.constant 512 : i32
    %dma_start3A_1414 = tpu.memref_slice %arg14[%dma_start3A_1413] : memref<1024xf32, #tpu.memory_space<vmem>> -> memref<128xf32, #tpu.memory_space<vmem>>
    %dma_start3A_1415 = arith.constant 0 : i32
    %dma_start3A_1416 = tpu.memref_slice %arg3[%dma_start3A_1415] : memref<33554432xf32, #tpu.memory_space<hbm>> -> memref<33554432xf32, #tpu.memory_space<hbm>>
    tpu.enqueue_indirect_dma source(%dma_start3A_1416 : memref<33554432xf32, #tpu.memory_space<hbm>>) target(%dma_start3A_1414 : memref<128xf32, #tpu.memory_space<vmem>>) offsets(%arg10 : memref<128xi32, #tpu.memory_space<vmem>>) semaphore(%arg15 : memref<!tpu.dma_semaphore, #tpu.memory_space<semaphore_mem>>)
    %get3A_1417 = arith.constant 640 : index
    %get3A_1418 = tpu.vector_load %arg5[%get3A_1417] {strides = array<i32>} : memref<1024xi32, #tpu.memory_space<vmem>>, vector<16xi32>,
    %get3A_1419 = vector.shape_cast %get3A_1418 : vector<16xi32> to vector<16xi32>
    %add3A_1420 = arith.constant 640 : i32
    %add3A_1421 = arith.addi %mul3A_2, %add3A_1420 : i32
    %add3A_1422 = vector.broadcast %add3A_1421 : i32 to vector<16xi32>
    %add3A_1423 = arith.addi %add3A_1422, %iota3A : vector<16xi32>
    %shift_right_logical3A_1424 = arith.constant 3 : i32
    %shift_right_logical3A_1425 = vector.broadcast %shift_right_logical3A_1424 : i32 to vector<16xi32>
    %shift_right_logical3A_1426 = arith.shrui %add3A_1423, %shift_right_logical3A_1425 : vector<16xi32>
    %shift_left3A_1427 = arith.constant 14 : i32
    %shift_left3A_1428 = vector.broadcast %shift_left3A_1427 : i32 to vector<16xi32>
    %shift_left3A_1429 = arith.shli %shift_right_logical3A_1426, %shift_left3A_1428 : vector<16xi32>
    %shift_right_logical3A_1430 = arith.constant 7 : i32
    %shift_right_logical3A_1431 = vector.broadcast %shift_right_logical3A_1430 : i32 to vector<16xi32>
    %shift_right_logical3A_1432 = arith.shrui %get3A_1419, %shift_right_logical3A_1431 : vector<16xi32>
    %shift_left3A_1433 = arith.constant 10 : i32
    %shift_left3A_1434 = vector.broadcast %shift_left3A_1433 : i32 to vector<16xi32>
    %shift_left3A_1435 = arith.shli %shift_right_logical3A_1432, %shift_left3A_1434 : vector<16xi32>
    %add3A_1436 = arith.addi %shift_left3A_1429, %shift_left3A_1435 : vector<16xi32>
    %and3A_1437 = arith.constant 7 : i32
    %and3A_1438 = vector.broadcast %and3A_1437 : i32 to vector<16xi32>
    %and3A_1439 = arith.andi %add3A_1423, %and3A_1438 : vector<16xi32>
    %shift_left3A_1440 = arith.constant 7 : i32
    %shift_left3A_1441 = vector.broadcast %shift_left3A_1440 : i32 to vector<16xi32>
    %shift_left3A_1442 = arith.shli %and3A_1439, %shift_left3A_1441 : vector<16xi32>
    %add3A_1443 = arith.addi %add3A_1436, %shift_left3A_1442 : vector<16xi32>
    %and3A_1444 = arith.constant 127 : i32
    %and3A_1445 = vector.broadcast %and3A_1444 : i32 to vector<16xi32>
    %and3A_1446 = arith.andi %get3A_1419, %and3A_1445 : vector<16xi32>
    %add3A_1447 = arith.addi %add3A_1443, %and3A_1446 : vector<16xi32>
    %swap3A_1448 = arith.constant 0 : index
    %swap3A_1449 = tpu.vector_load %arg11[%swap3A_1448] {strides = array<i32>} : memref<128xi32, #tpu.memory_space<vmem>>, vector<16xi32>,
    %swap3A_1450 = vector.shape_cast %swap3A_1449 : vector<16xi32> to vector<16xi32>
    %swap3A_1451 = vector.shape_cast %add3A_1447 : vector<16xi32> to vector<16xi32>
    tpu.vector_store %arg11[%swap3A_1448], %swap3A_1451 {strides = array<i32>} : memref<128xi32, #tpu.memory_space<vmem>>, vector<16xi32>,
    %get3A_1452 = arith.constant 656 : index
    %get3A_1453 = tpu.vector_load %arg5[%get3A_1452] {strides = array<i32>} : memref<1024xi32, #tpu.memory_space<vmem>>, vector<16xi32>,
    %get3A_1454 = vector.shape_cast %get3A_1453 : vector<16xi32> to vector<16xi32>
    %add3A_1455 = arith.constant 656 : i32
    %add3A_1456 = arith.addi %mul3A_2, %add3A_1455 : i32
    %add3A_1457 = vector.broadcast %add3A_1456 : i32 to vector<16xi32>
    %add3A_1458 = arith.addi %add3A_1457, %iota3A : vector<16xi32>
    %shift_right_logical3A_1459 = arith.constant 3 : i32
    %shift_right_logical3A_1460 = vector.broadcast %shift_right_logical3A_1459 : i32 to vector<16xi32>
    %shift_right_logical3A_1461 = arith.shrui %add3A_1458, %shift_right_logical3A_1460 : vector<16xi32>
    %shift_left3A_1462 = arith.constant 14 : i32
    %shift_left3A_1463 = vector.broadcast %shift_left3A_1462 : i32 to vector<16xi32>
    %shift_left3A_1464 = arith.shli %shift_right_logical3A_1461, %shift_left3A_1463 : vector<16xi32>
    %shift_right_logical3A_1465 = arith.constant 7 : i32
    %shift_right_logical3A_1466 = vector.broadcast %shift_right_logical3A_1465 : i32 to vector<16xi32>
    %shift_right_logical3A_1467 = arith.shrui %get3A_1454, %shift_right_logical3A_1466 : vector<16xi32>
    %shift_left3A_1468 = arith.constant 10 : i32
    %shift_left3A_1469 = vector.broadcast %shift_left3A_1468 : i32 to vector<16xi32>
    %shift_left3A_1470 = arith.shli %shift_right_logical3A_1467, %shift_left3A_1469 : vector<16xi32>
    %add3A_1471 = arith.addi %shift_left3A_1464, %shift_left3A_1470 : vector<16xi32>
    %and3A_1472 = arith.constant 7 : i32
    %and3A_1473 = vector.broadcast %and3A_1472 : i32 to vector<16xi32>
    %and3A_1474 = arith.andi %add3A_1458, %and3A_1473 : vector<16xi32>
    %shift_left3A_1475 = arith.constant 7 : i32
    %shift_left3A_1476 = vector.broadcast %shift_left3A_1475 : i32 to vector<16xi32>
    %shift_left3A_1477 = arith.shli %and3A_1474, %shift_left3A_1476 : vector<16xi32>
    %add3A_1478 = arith.addi %add3A_1471, %shift_left3A_1477 : vector<16xi32>
    %and3A_1479 = arith.constant 127 : i32
    %and3A_1480 = vector.broadcast %and3A_1479 : i32 to vector<16xi32>
    %and3A_1481 = arith.andi %get3A_1454, %and3A_1480 : vector<16xi32>
    %add3A_1482 = arith.addi %add3A_1478, %and3A_1481 : vector<16xi32>
    %swap3A_1483 = arith.constant 16 : index
    %swap3A_1484 = tpu.vector_load %arg11[%swap3A_1483] {strides = array<i32>} : memref<128xi32, #tpu.memory_space<vmem>>, vector<16xi32>,
    %swap3A_1485 = vector.shape_cast %swap3A_1484 : vector<16xi32> to vector<16xi32>
    %swap3A_1486 = vector.shape_cast %add3A_1482 : vector<16xi32> to vector<16xi32>
    tpu.vector_store %arg11[%swap3A_1483], %swap3A_1486 {strides = array<i32>} : memref<128xi32, #tpu.memory_space<vmem>>, vector<16xi32>,
    %get3A_1487 = arith.constant 672 : index
    %get3A_1488 = tpu.vector_load %arg5[%get3A_1487] {strides = array<i32>} : memref<1024xi32, #tpu.memory_space<vmem>>, vector<16xi32>,
    %get3A_1489 = vector.shape_cast %get3A_1488 : vector<16xi32> to vector<16xi32>
    %add3A_1490 = arith.constant 672 : i32
    %add3A_1491 = arith.addi %mul3A_2, %add3A_1490 : i32
    %add3A_1492 = vector.broadcast %add3A_1491 : i32 to vector<16xi32>
    %add3A_1493 = arith.addi %add3A_1492, %iota3A : vector<16xi32>
    %shift_right_logical3A_1494 = arith.constant 3 : i32
    %shift_right_logical3A_1495 = vector.broadcast %shift_right_logical3A_1494 : i32 to vector<16xi32>
    %shift_right_logical3A_1496 = arith.shrui %add3A_1493, %shift_right_logical3A_1495 : vector<16xi32>
    %shift_left3A_1497 = arith.constant 14 : i32
    %shift_left3A_1498 = vector.broadcast %shift_left3A_1497 : i32 to vector<16xi32>
    %shift_left3A_1499 = arith.shli %shift_right_logical3A_1496, %shift_left3A_1498 : vector<16xi32>
    %shift_right_logical3A_1500 = arith.constant 7 : i32
    %shift_right_logical3A_1501 = vector.broadcast %shift_right_logical3A_1500 : i32 to vector<16xi32>
    %shift_right_logical3A_1502 = arith.shrui %get3A_1489, %shift_right_logical3A_1501 : vector<16xi32>
    %shift_left3A_1503 = arith.constant 10 : i32
    %shift_left3A_1504 = vector.broadcast %shift_left3A_1503 : i32 to vector<16xi32>
    %shift_left3A_1505 = arith.shli %shift_right_logical3A_1502, %shift_left3A_1504 : vector<16xi32>
    %add3A_1506 = arith.addi %shift_left3A_1499, %shift_left3A_1505 : vector<16xi32>
    %and3A_1507 = arith.constant 7 : i32
    %and3A_1508 = vector.broadcast %and3A_1507 : i32 to vector<16xi32>
    %and3A_1509 = arith.andi %add3A_1493, %and3A_1508 : vector<16xi32>
    %shift_left3A_1510 = arith.constant 7 : i32
    %shift_left3A_1511 = vector.broadcast %shift_left3A_1510 : i32 to vector<16xi32>
    %shift_left3A_1512 = arith.shli %and3A_1509, %shift_left3A_1511 : vector<16xi32>
    %add3A_1513 = arith.addi %add3A_1506, %shift_left3A_1512 : vector<16xi32>
    %and3A_1514 = arith.constant 127 : i32
    %and3A_1515 = vector.broadcast %and3A_1514 : i32 to vector<16xi32>
    %and3A_1516 = arith.andi %get3A_1489, %and3A_1515 : vector<16xi32>
    %add3A_1517 = arith.addi %add3A_1513, %and3A_1516 : vector<16xi32>
    %swap3A_1518 = arith.constant 32 : index
    %swap3A_1519 = tpu.vector_load %arg11[%swap3A_1518] {strides = array<i32>} : memref<128xi32, #tpu.memory_space<vmem>>, vector<16xi32>,
    %swap3A_1520 = vector.shape_cast %swap3A_1519 : vector<16xi32> to vector<16xi32>
    %swap3A_1521 = vector.shape_cast %add3A_1517 : vector<16xi32> to vector<16xi32>
    tpu.vector_store %arg11[%swap3A_1518], %swap3A_1521 {strides = array<i32>} : memref<128xi32, #tpu.memory_space<vmem>>, vector<16xi32>,
    %get3A_1522 = arith.constant 688 : index
    %get3A_1523 = tpu.vector_load %arg5[%get3A_1522] {strides = array<i32>} : memref<1024xi32, #tpu.memory_space<vmem>>, vector<16xi32>,
    %get3A_1524 = vector.shape_cast %get3A_1523 : vector<16xi32> to vector<16xi32>
    %add3A_1525 = arith.constant 688 : i32
    %add3A_1526 = arith.addi %mul3A_2, %add3A_1525 : i32
    %add3A_1527 = vector.broadcast %add3A_1526 : i32 to vector<16xi32>
    %add3A_1528 = arith.addi %add3A_1527, %iota3A : vector<16xi32>
    %shift_right_logical3A_1529 = arith.constant 3 : i32
    %shift_right_logical3A_1530 = vector.broadcast %shift_right_logical3A_1529 : i32 to vector<16xi32>
    %shift_right_logical3A_1531 = arith.shrui %add3A_1528, %shift_right_logical3A_1530 : vector<16xi32>
    %shift_left3A_1532 = arith.constant 14 : i32
    %shift_left3A_1533 = vector.broadcast %shift_left3A_1532 : i32 to vector<16xi32>
    %shift_left3A_1534 = arith.shli %shift_right_logical3A_1531, %shift_left3A_1533 : vector<16xi32>
    %shift_right_logical3A_1535 = arith.constant 7 : i32
    %shift_right_logical3A_1536 = vector.broadcast %shift_right_logical3A_1535 : i32 to vector<16xi32>
    %shift_right_logical3A_1537 = arith.shrui %get3A_1524, %shift_right_logical3A_1536 : vector<16xi32>
    %shift_left3A_1538 = arith.constant 10 : i32
    %shift_left3A_1539 = vector.broadcast %shift_left3A_1538 : i32 to vector<16xi32>
    %shift_left3A_1540 = arith.shli %shift_right_logical3A_1537, %shift_left3A_1539 : vector<16xi32>
    %add3A_1541 = arith.addi %shift_left3A_1534, %shift_left3A_1540 : vector<16xi32>
    %and3A_1542 = arith.constant 7 : i32
    %and3A_1543 = vector.broadcast %and3A_1542 : i32 to vector<16xi32>
    %and3A_1544 = arith.andi %add3A_1528, %and3A_1543 : vector<16xi32>
    %shift_left3A_1545 = arith.constant 7 : i32
    %shift_left3A_1546 = vector.broadcast %shift_left3A_1545 : i32 to vector<16xi32>
    %shift_left3A_1547 = arith.shli %and3A_1544, %shift_left3A_1546 : vector<16xi32>
    %add3A_1548 = arith.addi %add3A_1541, %shift_left3A_1547 : vector<16xi32>
    %and3A_1549 = arith.constant 127 : i32
    %and3A_1550 = vector.broadcast %and3A_1549 : i32 to vector<16xi32>
    %and3A_1551 = arith.andi %get3A_1524, %and3A_1550 : vector<16xi32>
    %add3A_1552 = arith.addi %add3A_1548, %and3A_1551 : vector<16xi32>
    %swap3A_1553 = arith.constant 48 : index
    %swap3A_1554 = tpu.vector_load %arg11[%swap3A_1553] {strides = array<i32>} : memref<128xi32, #tpu.memory_space<vmem>>, vector<16xi32>,
    %swap3A_1555 = vector.shape_cast %swap3A_1554 : vector<16xi32> to vector<16xi32>
    %swap3A_1556 = vector.shape_cast %add3A_1552 : vector<16xi32> to vector<16xi32>
    tpu.vector_store %arg11[%swap3A_1553], %swap3A_1556 {strides = array<i32>} : memref<128xi32, #tpu.memory_space<vmem>>, vector<16xi32>,
    %get3A_1557 = arith.constant 704 : index
    %get3A_1558 = tpu.vector_load %arg5[%get3A_1557] {strides = array<i32>} : memref<1024xi32, #tpu.memory_space<vmem>>, vector<16xi32>,
    %get3A_1559 = vector.shape_cast %get3A_1558 : vector<16xi32> to vector<16xi32>
    %add3A_1560 = arith.constant 704 : i32
    %add3A_1561 = arith.addi %mul3A_2, %add3A_1560 : i32
    %add3A_1562 = vector.broadcast %add3A_1561 : i32 to vector<16xi32>
    %add3A_1563 = arith.addi %add3A_1562, %iota3A : vector<16xi32>
    %shift_right_logical3A_1564 = arith.constant 3 : i32
    %shift_right_logical3A_1565 = vector.broadcast %shift_right_logical3A_1564 : i32 to vector<16xi32>
    %shift_right_logical3A_1566 = arith.shrui %add3A_1563, %shift_right_logical3A_1565 : vector<16xi32>
    %shift_left3A_1567 = arith.constant 14 : i32
    %shift_left3A_1568 = vector.broadcast %shift_left3A_1567 : i32 to vector<16xi32>
    %shift_left3A_1569 = arith.shli %shift_right_logical3A_1566, %shift_left3A_1568 : vector<16xi32>
    %shift_right_logical3A_1570 = arith.constant 7 : i32
    %shift_right_logical3A_1571 = vector.broadcast %shift_right_logical3A_1570 : i32 to vector<16xi32>
    %shift_right_logical3A_1572 = arith.shrui %get3A_1559, %shift_right_logical3A_1571 : vector<16xi32>
    %shift_left3A_1573 = arith.constant 10 : i32
    %shift_left3A_1574 = vector.broadcast %shift_left3A_1573 : i32 to vector<16xi32>
    %shift_left3A_1575 = arith.shli %shift_right_logical3A_1572, %shift_left3A_1574 : vector<16xi32>
    %add3A_1576 = arith.addi %shift_left3A_1569, %shift_left3A_1575 : vector<16xi32>
    %and3A_1577 = arith.constant 7 : i32
    %and3A_1578 = vector.broadcast %and3A_1577 : i32 to vector<16xi32>
    %and3A_1579 = arith.andi %add3A_1563, %and3A_1578 : vector<16xi32>
    %shift_left3A_1580 = arith.constant 7 : i32
    %shift_left3A_1581 = vector.broadcast %shift_left3A_1580 : i32 to vector<16xi32>
    %shift_left3A_1582 = arith.shli %and3A_1579, %shift_left3A_1581 : vector<16xi32>
    %add3A_1583 = arith.addi %add3A_1576, %shift_left3A_1582 : vector<16xi32>
    %and3A_1584 = arith.constant 127 : i32
    %and3A_1585 = vector.broadcast %and3A_1584 : i32 to vector<16xi32>
    %and3A_1586 = arith.andi %get3A_1559, %and3A_1585 : vector<16xi32>
    %add3A_1587 = arith.addi %add3A_1583, %and3A_1586 : vector<16xi32>
    %swap3A_1588 = arith.constant 64 : index
    %swap3A_1589 = tpu.vector_load %arg11[%swap3A_1588] {strides = array<i32>} : memref<128xi32, #tpu.memory_space<vmem>>, vector<16xi32>,
    %swap3A_1590 = vector.shape_cast %swap3A_1589 : vector<16xi32> to vector<16xi32>
    %swap3A_1591 = vector.shape_cast %add3A_1587 : vector<16xi32> to vector<16xi32>
    tpu.vector_store %arg11[%swap3A_1588], %swap3A_1591 {strides = array<i32>} : memref<128xi32, #tpu.memory_space<vmem>>, vector<16xi32>,
    %get3A_1592 = arith.constant 720 : index
    %get3A_1593 = tpu.vector_load %arg5[%get3A_1592] {strides = array<i32>} : memref<1024xi32, #tpu.memory_space<vmem>>, vector<16xi32>,
    %get3A_1594 = vector.shape_cast %get3A_1593 : vector<16xi32> to vector<16xi32>
    %add3A_1595 = arith.constant 720 : i32
    %add3A_1596 = arith.addi %mul3A_2, %add3A_1595 : i32
    %add3A_1597 = vector.broadcast %add3A_1596 : i32 to vector<16xi32>
    %add3A_1598 = arith.addi %add3A_1597, %iota3A : vector<16xi32>
    %shift_right_logical3A_1599 = arith.constant 3 : i32
    %shift_right_logical3A_1600 = vector.broadcast %shift_right_logical3A_1599 : i32 to vector<16xi32>
    %shift_right_logical3A_1601 = arith.shrui %add3A_1598, %shift_right_logical3A_1600 : vector<16xi32>
    %shift_left3A_1602 = arith.constant 14 : i32
    %shift_left3A_1603 = vector.broadcast %shift_left3A_1602 : i32 to vector<16xi32>
    %shift_left3A_1604 = arith.shli %shift_right_logical3A_1601, %shift_left3A_1603 : vector<16xi32>
    %shift_right_logical3A_1605 = arith.constant 7 : i32
    %shift_right_logical3A_1606 = vector.broadcast %shift_right_logical3A_1605 : i32 to vector<16xi32>
    %shift_right_logical3A_1607 = arith.shrui %get3A_1594, %shift_right_logical3A_1606 : vector<16xi32>
    %shift_left3A_1608 = arith.constant 10 : i32
    %shift_left3A_1609 = vector.broadcast %shift_left3A_1608 : i32 to vector<16xi32>
    %shift_left3A_1610 = arith.shli %shift_right_logical3A_1607, %shift_left3A_1609 : vector<16xi32>
    %add3A_1611 = arith.addi %shift_left3A_1604, %shift_left3A_1610 : vector<16xi32>
    %and3A_1612 = arith.constant 7 : i32
    %and3A_1613 = vector.broadcast %and3A_1612 : i32 to vector<16xi32>
    %and3A_1614 = arith.andi %add3A_1598, %and3A_1613 : vector<16xi32>
    %shift_left3A_1615 = arith.constant 7 : i32
    %shift_left3A_1616 = vector.broadcast %shift_left3A_1615 : i32 to vector<16xi32>
    %shift_left3A_1617 = arith.shli %and3A_1614, %shift_left3A_1616 : vector<16xi32>
    %add3A_1618 = arith.addi %add3A_1611, %shift_left3A_1617 : vector<16xi32>
    %and3A_1619 = arith.constant 127 : i32
    %and3A_1620 = vector.broadcast %and3A_1619 : i32 to vector<16xi32>
    %and3A_1621 = arith.andi %get3A_1594, %and3A_1620 : vector<16xi32>
    %add3A_1622 = arith.addi %add3A_1618, %and3A_1621 : vector<16xi32>
    %swap3A_1623 = arith.constant 80 : index
    %swap3A_1624 = tpu.vector_load %arg11[%swap3A_1623] {strides = array<i32>} : memref<128xi32, #tpu.memory_space<vmem>>, vector<16xi32>,
    %swap3A_1625 = vector.shape_cast %swap3A_1624 : vector<16xi32> to vector<16xi32>
    %swap3A_1626 = vector.shape_cast %add3A_1622 : vector<16xi32> to vector<16xi32>
    tpu.vector_store %arg11[%swap3A_1623], %swap3A_1626 {strides = array<i32>} : memref<128xi32, #tpu.memory_space<vmem>>, vector<16xi32>,
    %get3A_1627 = arith.constant 736 : index
    %get3A_1628 = tpu.vector_load %arg5[%get3A_1627] {strides = array<i32>} : memref<1024xi32, #tpu.memory_space<vmem>>, vector<16xi32>,
    %get3A_1629 = vector.shape_cast %get3A_1628 : vector<16xi32> to vector<16xi32>
    %add3A_1630 = arith.constant 736 : i32
    %add3A_1631 = arith.addi %mul3A_2, %add3A_1630 : i32
    %add3A_1632 = vector.broadcast %add3A_1631 : i32 to vector<16xi32>
    %add3A_1633 = arith.addi %add3A_1632, %iota3A : vector<16xi32>
    %shift_right_logical3A_1634 = arith.constant 3 : i32
    %shift_right_logical3A_1635 = vector.broadcast %shift_right_logical3A_1634 : i32 to vector<16xi32>
    %shift_right_logical3A_1636 = arith.shrui %add3A_1633, %shift_right_logical3A_1635 : vector<16xi32>
    %shift_left3A_1637 = arith.constant 14 : i32
    %shift_left3A_1638 = vector.broadcast %shift_left3A_1637 : i32 to vector<16xi32>
    %shift_left3A_1639 = arith.shli %shift_right_logical3A_1636, %shift_left3A_1638 : vector<16xi32>
    %shift_right_logical3A_1640 = arith.constant 7 : i32
    %shift_right_logical3A_1641 = vector.broadcast %shift_right_logical3A_1640 : i32 to vector<16xi32>
    %shift_right_logical3A_1642 = arith.shrui %get3A_1629, %shift_right_logical3A_1641 : vector<16xi32>
    %shift_left3A_1643 = arith.constant 10 : i32
    %shift_left3A_1644 = vector.broadcast %shift_left3A_1643 : i32 to vector<16xi32>
    %shift_left3A_1645 = arith.shli %shift_right_logical3A_1642, %shift_left3A_1644 : vector<16xi32>
    %add3A_1646 = arith.addi %shift_left3A_1639, %shift_left3A_1645 : vector<16xi32>
    %and3A_1647 = arith.constant 7 : i32
    %and3A_1648 = vector.broadcast %and3A_1647 : i32 to vector<16xi32>
    %and3A_1649 = arith.andi %add3A_1633, %and3A_1648 : vector<16xi32>
    %shift_left3A_1650 = arith.constant 7 : i32
    %shift_left3A_1651 = vector.broadcast %shift_left3A_1650 : i32 to vector<16xi32>
    %shift_left3A_1652 = arith.shli %and3A_1649, %shift_left3A_1651 : vector<16xi32>
    %add3A_1653 = arith.addi %add3A_1646, %shift_left3A_1652 : vector<16xi32>
    %and3A_1654 = arith.constant 127 : i32
    %and3A_1655 = vector.broadcast %and3A_1654 : i32 to vector<16xi32>
    %and3A_1656 = arith.andi %get3A_1629, %and3A_1655 : vector<16xi32>
    %add3A_1657 = arith.addi %add3A_1653, %and3A_1656 : vector<16xi32>
    %swap3A_1658 = arith.constant 96 : index
    %swap3A_1659 = tpu.vector_load %arg11[%swap3A_1658] {strides = array<i32>} : memref<128xi32, #tpu.memory_space<vmem>>, vector<16xi32>,
    %swap3A_1660 = vector.shape_cast %swap3A_1659 : vector<16xi32> to vector<16xi32>
    %swap3A_1661 = vector.shape_cast %add3A_1657 : vector<16xi32> to vector<16xi32>
    tpu.vector_store %arg11[%swap3A_1658], %swap3A_1661 {strides = array<i32>} : memref<128xi32, #tpu.memory_space<vmem>>, vector<16xi32>,
    %get3A_1662 = arith.constant 752 : index
    %get3A_1663 = tpu.vector_load %arg5[%get3A_1662] {strides = array<i32>} : memref<1024xi32, #tpu.memory_space<vmem>>, vector<16xi32>,
    %get3A_1664 = vector.shape_cast %get3A_1663 : vector<16xi32> to vector<16xi32>
    %add3A_1665 = arith.constant 752 : i32
    %add3A_1666 = arith.addi %mul3A_2, %add3A_1665 : i32
    %add3A_1667 = vector.broadcast %add3A_1666 : i32 to vector<16xi32>
    %add3A_1668 = arith.addi %add3A_1667, %iota3A : vector<16xi32>
    %shift_right_logical3A_1669 = arith.constant 3 : i32
    %shift_right_logical3A_1670 = vector.broadcast %shift_right_logical3A_1669 : i32 to vector<16xi32>
    %shift_right_logical3A_1671 = arith.shrui %add3A_1668, %shift_right_logical3A_1670 : vector<16xi32>
    %shift_left3A_1672 = arith.constant 14 : i32
    %shift_left3A_1673 = vector.broadcast %shift_left3A_1672 : i32 to vector<16xi32>
    %shift_left3A_1674 = arith.shli %shift_right_logical3A_1671, %shift_left3A_1673 : vector<16xi32>
    %shift_right_logical3A_1675 = arith.constant 7 : i32
    %shift_right_logical3A_1676 = vector.broadcast %shift_right_logical3A_1675 : i32 to vector<16xi32>
    %shift_right_logical3A_1677 = arith.shrui %get3A_1664, %shift_right_logical3A_1676 : vector<16xi32>
    %shift_left3A_1678 = arith.constant 10 : i32
    %shift_left3A_1679 = vector.broadcast %shift_left3A_1678 : i32 to vector<16xi32>
    %shift_left3A_1680 = arith.shli %shift_right_logical3A_1677, %shift_left3A_1679 : vector<16xi32>
    %add3A_1681 = arith.addi %shift_left3A_1674, %shift_left3A_1680 : vector<16xi32>
    %and3A_1682 = arith.constant 7 : i32
    %and3A_1683 = vector.broadcast %and3A_1682 : i32 to vector<16xi32>
    %and3A_1684 = arith.andi %add3A_1668, %and3A_1683 : vector<16xi32>
    %shift_left3A_1685 = arith.constant 7 : i32
    %shift_left3A_1686 = vector.broadcast %shift_left3A_1685 : i32 to vector<16xi32>
    %shift_left3A_1687 = arith.shli %and3A_1684, %shift_left3A_1686 : vector<16xi32>
    %add3A_1688 = arith.addi %add3A_1681, %shift_left3A_1687 : vector<16xi32>
    %and3A_1689 = arith.constant 127 : i32
    %and3A_1690 = vector.broadcast %and3A_1689 : i32 to vector<16xi32>
    %and3A_1691 = arith.andi %get3A_1664, %and3A_1690 : vector<16xi32>
    %add3A_1692 = arith.addi %add3A_1688, %and3A_1691 : vector<16xi32>
    %swap3A_1693 = arith.constant 112 : index
    %swap3A_1694 = tpu.vector_load %arg11[%swap3A_1693] {strides = array<i32>} : memref<128xi32, #tpu.memory_space<vmem>>, vector<16xi32>,
    %swap3A_1695 = vector.shape_cast %swap3A_1694 : vector<16xi32> to vector<16xi32>
    %swap3A_1696 = vector.shape_cast %add3A_1692 : vector<16xi32> to vector<16xi32>
    tpu.vector_store %arg11[%swap3A_1693], %swap3A_1696 {strides = array<i32>} : memref<128xi32, #tpu.memory_space<vmem>>, vector<16xi32>,
    %dma_start3A_1697 = arith.constant 640 : i32
    %dma_start3A_1698 = tpu.memref_slice %arg14[%dma_start3A_1697] : memref<1024xf32, #tpu.memory_space<vmem>> -> memref<128xf32, #tpu.memory_space<vmem>>
    %dma_start3A_1699 = arith.constant 0 : i32
    %dma_start3A_1700 = tpu.memref_slice %arg3[%dma_start3A_1699] : memref<33554432xf32, #tpu.memory_space<hbm>> -> memref<33554432xf32, #tpu.memory_space<hbm>>
    tpu.enqueue_indirect_dma source(%dma_start3A_1700 : memref<33554432xf32, #tpu.memory_space<hbm>>) target(%dma_start3A_1698 : memref<128xf32, #tpu.memory_space<vmem>>) offsets(%arg11 : memref<128xi32, #tpu.memory_space<vmem>>) semaphore(%arg15 : memref<!tpu.dma_semaphore, #tpu.memory_space<semaphore_mem>>)
    %get3A_1701 = arith.constant 768 : index
    %get3A_1702 = tpu.vector_load %arg5[%get3A_1701] {strides = array<i32>} : memref<1024xi32, #tpu.memory_space<vmem>>, vector<16xi32>,
    %get3A_1703 = vector.shape_cast %get3A_1702 : vector<16xi32> to vector<16xi32>
    %add3A_1704 = arith.constant 768 : i32
    %add3A_1705 = arith.addi %mul3A_2, %add3A_1704 : i32
    %add3A_1706 = vector.broadcast %add3A_1705 : i32 to vector<16xi32>
    %add3A_1707 = arith.addi %add3A_1706, %iota3A : vector<16xi32>
    %shift_right_logical3A_1708 = arith.constant 3 : i32
    %shift_right_logical3A_1709 = vector.broadcast %shift_right_logical3A_1708 : i32 to vector<16xi32>
    %shift_right_logical3A_1710 = arith.shrui %add3A_1707, %shift_right_logical3A_1709 : vector<16xi32>
    %shift_left3A_1711 = arith.constant 14 : i32
    %shift_left3A_1712 = vector.broadcast %shift_left3A_1711 : i32 to vector<16xi32>
    %shift_left3A_1713 = arith.shli %shift_right_logical3A_1710, %shift_left3A_1712 : vector<16xi32>
    %shift_right_logical3A_1714 = arith.constant 7 : i32
    %shift_right_logical3A_1715 = vector.broadcast %shift_right_logical3A_1714 : i32 to vector<16xi32>
    %shift_right_logical3A_1716 = arith.shrui %get3A_1703, %shift_right_logical3A_1715 : vector<16xi32>
    %shift_left3A_1717 = arith.constant 10 : i32
    %shift_left3A_1718 = vector.broadcast %shift_left3A_1717 : i32 to vector<16xi32>
    %shift_left3A_1719 = arith.shli %shift_right_logical3A_1716, %shift_left3A_1718 : vector<16xi32>
    %add3A_1720 = arith.addi %shift_left3A_1713, %shift_left3A_1719 : vector<16xi32>
    %and3A_1721 = arith.constant 7 : i32
    %and3A_1722 = vector.broadcast %and3A_1721 : i32 to vector<16xi32>
    %and3A_1723 = arith.andi %add3A_1707, %and3A_1722 : vector<16xi32>
    %shift_left3A_1724 = arith.constant 7 : i32
    %shift_left3A_1725 = vector.broadcast %shift_left3A_1724 : i32 to vector<16xi32>
    %shift_left3A_1726 = arith.shli %and3A_1723, %shift_left3A_1725 : vector<16xi32>
    %add3A_1727 = arith.addi %add3A_1720, %shift_left3A_1726 : vector<16xi32>
    %and3A_1728 = arith.constant 127 : i32
    %and3A_1729 = vector.broadcast %and3A_1728 : i32 to vector<16xi32>
    %and3A_1730 = arith.andi %get3A_1703, %and3A_1729 : vector<16xi32>
    %add3A_1731 = arith.addi %add3A_1727, %and3A_1730 : vector<16xi32>
    %swap3A_1732 = arith.constant 0 : index
    %swap3A_1733 = tpu.vector_load %arg12[%swap3A_1732] {strides = array<i32>} : memref<128xi32, #tpu.memory_space<vmem>>, vector<16xi32>,
    %swap3A_1734 = vector.shape_cast %swap3A_1733 : vector<16xi32> to vector<16xi32>
    %swap3A_1735 = vector.shape_cast %add3A_1731 : vector<16xi32> to vector<16xi32>
    tpu.vector_store %arg12[%swap3A_1732], %swap3A_1735 {strides = array<i32>} : memref<128xi32, #tpu.memory_space<vmem>>, vector<16xi32>,
    %get3A_1736 = arith.constant 784 : index
    %get3A_1737 = tpu.vector_load %arg5[%get3A_1736] {strides = array<i32>} : memref<1024xi32, #tpu.memory_space<vmem>>, vector<16xi32>,
    %get3A_1738 = vector.shape_cast %get3A_1737 : vector<16xi32> to vector<16xi32>
    %add3A_1739 = arith.constant 784 : i32
    %add3A_1740 = arith.addi %mul3A_2, %add3A_1739 : i32
    %add3A_1741 = vector.broadcast %add3A_1740 : i32 to vector<16xi32>
    %add3A_1742 = arith.addi %add3A_1741, %iota3A : vector<16xi32>
    %shift_right_logical3A_1743 = arith.constant 3 : i32
    %shift_right_logical3A_1744 = vector.broadcast %shift_right_logical3A_1743 : i32 to vector<16xi32>
    %shift_right_logical3A_1745 = arith.shrui %add3A_1742, %shift_right_logical3A_1744 : vector<16xi32>
    %shift_left3A_1746 = arith.constant 14 : i32
    %shift_left3A_1747 = vector.broadcast %shift_left3A_1746 : i32 to vector<16xi32>
    %shift_left3A_1748 = arith.shli %shift_right_logical3A_1745, %shift_left3A_1747 : vector<16xi32>
    %shift_right_logical3A_1749 = arith.constant 7 : i32
    %shift_right_logical3A_1750 = vector.broadcast %shift_right_logical3A_1749 : i32 to vector<16xi32>
    %shift_right_logical3A_1751 = arith.shrui %get3A_1738, %shift_right_logical3A_1750 : vector<16xi32>
    %shift_left3A_1752 = arith.constant 10 : i32
    %shift_left3A_1753 = vector.broadcast %shift_left3A_1752 : i32 to vector<16xi32>
    %shift_left3A_1754 = arith.shli %shift_right_logical3A_1751, %shift_left3A_1753 : vector<16xi32>
    %add3A_1755 = arith.addi %shift_left3A_1748, %shift_left3A_1754 : vector<16xi32>
    %and3A_1756 = arith.constant 7 : i32
    %and3A_1757 = vector.broadcast %and3A_1756 : i32 to vector<16xi32>
    %and3A_1758 = arith.andi %add3A_1742, %and3A_1757 : vector<16xi32>
    %shift_left3A_1759 = arith.constant 7 : i32
    %shift_left3A_1760 = vector.broadcast %shift_left3A_1759 : i32 to vector<16xi32>
    %shift_left3A_1761 = arith.shli %and3A_1758, %shift_left3A_1760 : vector<16xi32>
    %add3A_1762 = arith.addi %add3A_1755, %shift_left3A_1761 : vector<16xi32>
    %and3A_1763 = arith.constant 127 : i32
    %and3A_1764 = vector.broadcast %and3A_1763 : i32 to vector<16xi32>
    %and3A_1765 = arith.andi %get3A_1738, %and3A_1764 : vector<16xi32>
    %add3A_1766 = arith.addi %add3A_1762, %and3A_1765 : vector<16xi32>
    %swap3A_1767 = arith.constant 16 : index
    %swap3A_1768 = tpu.vector_load %arg12[%swap3A_1767] {strides = array<i32>} : memref<128xi32, #tpu.memory_space<vmem>>, vector<16xi32>,
    %swap3A_1769 = vector.shape_cast %swap3A_1768 : vector<16xi32> to vector<16xi32>
    %swap3A_1770 = vector.shape_cast %add3A_1766 : vector<16xi32> to vector<16xi32>
    tpu.vector_store %arg12[%swap3A_1767], %swap3A_1770 {strides = array<i32>} : memref<128xi32, #tpu.memory_space<vmem>>, vector<16xi32>,
    %get3A_1771 = arith.constant 800 : index
    %get3A_1772 = tpu.vector_load %arg5[%get3A_1771] {strides = array<i32>} : memref<1024xi32, #tpu.memory_space<vmem>>, vector<16xi32>,
    %get3A_1773 = vector.shape_cast %get3A_1772 : vector<16xi32> to vector<16xi32>
    %add3A_1774 = arith.constant 800 : i32
    %add3A_1775 = arith.addi %mul3A_2, %add3A_1774 : i32
    %add3A_1776 = vector.broadcast %add3A_1775 : i32 to vector<16xi32>
    %add3A_1777 = arith.addi %add3A_1776, %iota3A : vector<16xi32>
    %shift_right_logical3A_1778 = arith.constant 3 : i32
    %shift_right_logical3A_1779 = vector.broadcast %shift_right_logical3A_1778 : i32 to vector<16xi32>
    %shift_right_logical3A_1780 = arith.shrui %add3A_1777, %shift_right_logical3A_1779 : vector<16xi32>
    %shift_left3A_1781 = arith.constant 14 : i32
    %shift_left3A_1782 = vector.broadcast %shift_left3A_1781 : i32 to vector<16xi32>
    %shift_left3A_1783 = arith.shli %shift_right_logical3A_1780, %shift_left3A_1782 : vector<16xi32>
    %shift_right_logical3A_1784 = arith.constant 7 : i32
    %shift_right_logical3A_1785 = vector.broadcast %shift_right_logical3A_1784 : i32 to vector<16xi32>
    %shift_right_logical3A_1786 = arith.shrui %get3A_1773, %shift_right_logical3A_1785 : vector<16xi32>
    %shift_left3A_1787 = arith.constant 10 : i32
    %shift_left3A_1788 = vector.broadcast %shift_left3A_1787 : i32 to vector<16xi32>
    %shift_left3A_1789 = arith.shli %shift_right_logical3A_1786, %shift_left3A_1788 : vector<16xi32>
    %add3A_1790 = arith.addi %shift_left3A_1783, %shift_left3A_1789 : vector<16xi32>
    %and3A_1791 = arith.constant 7 : i32
    %and3A_1792 = vector.broadcast %and3A_1791 : i32 to vector<16xi32>
    %and3A_1793 = arith.andi %add3A_1777, %and3A_1792 : vector<16xi32>
    %shift_left3A_1794 = arith.constant 7 : i32
    %shift_left3A_1795 = vector.broadcast %shift_left3A_1794 : i32 to vector<16xi32>
    %shift_left3A_1796 = arith.shli %and3A_1793, %shift_left3A_1795 : vector<16xi32>
    %add3A_1797 = arith.addi %add3A_1790, %shift_left3A_1796 : vector<16xi32>
    %and3A_1798 = arith.constant 127 : i32
    %and3A_1799 = vector.broadcast %and3A_1798 : i32 to vector<16xi32>
    %and3A_1800 = arith.andi %get3A_1773, %and3A_1799 : vector<16xi32>
    %add3A_1801 = arith.addi %add3A_1797, %and3A_1800 : vector<16xi32>
    %swap3A_1802 = arith.constant 32 : index
    %swap3A_1803 = tpu.vector_load %arg12[%swap3A_1802] {strides = array<i32>} : memref<128xi32, #tpu.memory_space<vmem>>, vector<16xi32>,
    %swap3A_1804 = vector.shape_cast %swap3A_1803 : vector<16xi32> to vector<16xi32>
    %swap3A_1805 = vector.shape_cast %add3A_1801 : vector<16xi32> to vector<16xi32>
    tpu.vector_store %arg12[%swap3A_1802], %swap3A_1805 {strides = array<i32>} : memref<128xi32, #tpu.memory_space<vmem>>, vector<16xi32>,
    %get3A_1806 = arith.constant 816 : index
    %get3A_1807 = tpu.vector_load %arg5[%get3A_1806] {strides = array<i32>} : memref<1024xi32, #tpu.memory_space<vmem>>, vector<16xi32>,
    %get3A_1808 = vector.shape_cast %get3A_1807 : vector<16xi32> to vector<16xi32>
    %add3A_1809 = arith.constant 816 : i32
    %add3A_1810 = arith.addi %mul3A_2, %add3A_1809 : i32
    %add3A_1811 = vector.broadcast %add3A_1810 : i32 to vector<16xi32>
    %add3A_1812 = arith.addi %add3A_1811, %iota3A : vector<16xi32>
    %shift_right_logical3A_1813 = arith.constant 3 : i32
    %shift_right_logical3A_1814 = vector.broadcast %shift_right_logical3A_1813 : i32 to vector<16xi32>
    %shift_right_logical3A_1815 = arith.shrui %add3A_1812, %shift_right_logical3A_1814 : vector<16xi32>
    %shift_left3A_1816 = arith.constant 14 : i32
    %shift_left3A_1817 = vector.broadcast %shift_left3A_1816 : i32 to vector<16xi32>
    %shift_left3A_1818 = arith.shli %shift_right_logical3A_1815, %shift_left3A_1817 : vector<16xi32>
    %shift_right_logical3A_1819 = arith.constant 7 : i32
    %shift_right_logical3A_1820 = vector.broadcast %shift_right_logical3A_1819 : i32 to vector<16xi32>
    %shift_right_logical3A_1821 = arith.shrui %get3A_1808, %shift_right_logical3A_1820 : vector<16xi32>
    %shift_left3A_1822 = arith.constant 10 : i32
    %shift_left3A_1823 = vector.broadcast %shift_left3A_1822 : i32 to vector<16xi32>
    %shift_left3A_1824 = arith.shli %shift_right_logical3A_1821, %shift_left3A_1823 : vector<16xi32>
    %add3A_1825 = arith.addi %shift_left3A_1818, %shift_left3A_1824 : vector<16xi32>
    %and3A_1826 = arith.constant 7 : i32
    %and3A_1827 = vector.broadcast %and3A_1826 : i32 to vector<16xi32>
    %and3A_1828 = arith.andi %add3A_1812, %and3A_1827 : vector<16xi32>
    %shift_left3A_1829 = arith.constant 7 : i32
    %shift_left3A_1830 = vector.broadcast %shift_left3A_1829 : i32 to vector<16xi32>
    %shift_left3A_1831 = arith.shli %and3A_1828, %shift_left3A_1830 : vector<16xi32>
    %add3A_1832 = arith.addi %add3A_1825, %shift_left3A_1831 : vector<16xi32>
    %and3A_1833 = arith.constant 127 : i32
    %and3A_1834 = vector.broadcast %and3A_1833 : i32 to vector<16xi32>
    %and3A_1835 = arith.andi %get3A_1808, %and3A_1834 : vector<16xi32>
    %add3A_1836 = arith.addi %add3A_1832, %and3A_1835 : vector<16xi32>
    %swap3A_1837 = arith.constant 48 : index
    %swap3A_1838 = tpu.vector_load %arg12[%swap3A_1837] {strides = array<i32>} : memref<128xi32, #tpu.memory_space<vmem>>, vector<16xi32>,
    %swap3A_1839 = vector.shape_cast %swap3A_1838 : vector<16xi32> to vector<16xi32>
    %swap3A_1840 = vector.shape_cast %add3A_1836 : vector<16xi32> to vector<16xi32>
    tpu.vector_store %arg12[%swap3A_1837], %swap3A_1840 {strides = array<i32>} : memref<128xi32, #tpu.memory_space<vmem>>, vector<16xi32>,
    %get3A_1841 = arith.constant 832 : index
    %get3A_1842 = tpu.vector_load %arg5[%get3A_1841] {strides = array<i32>} : memref<1024xi32, #tpu.memory_space<vmem>>, vector<16xi32>,
    %get3A_1843 = vector.shape_cast %get3A_1842 : vector<16xi32> to vector<16xi32>
    %add3A_1844 = arith.constant 832 : i32
    %add3A_1845 = arith.addi %mul3A_2, %add3A_1844 : i32
    %add3A_1846 = vector.broadcast %add3A_1845 : i32 to vector<16xi32>
    %add3A_1847 = arith.addi %add3A_1846, %iota3A : vector<16xi32>
    %shift_right_logical3A_1848 = arith.constant 3 : i32
    %shift_right_logical3A_1849 = vector.broadcast %shift_right_logical3A_1848 : i32 to vector<16xi32>
    %shift_right_logical3A_1850 = arith.shrui %add3A_1847, %shift_right_logical3A_1849 : vector<16xi32>
    %shift_left3A_1851 = arith.constant 14 : i32
    %shift_left3A_1852 = vector.broadcast %shift_left3A_1851 : i32 to vector<16xi32>
    %shift_left3A_1853 = arith.shli %shift_right_logical3A_1850, %shift_left3A_1852 : vector<16xi32>
    %shift_right_logical3A_1854 = arith.constant 7 : i32
    %shift_right_logical3A_1855 = vector.broadcast %shift_right_logical3A_1854 : i32 to vector<16xi32>
    %shift_right_logical3A_1856 = arith.shrui %get3A_1843, %shift_right_logical3A_1855 : vector<16xi32>
    %shift_left3A_1857 = arith.constant 10 : i32
    %shift_left3A_1858 = vector.broadcast %shift_left3A_1857 : i32 to vector<16xi32>
    %shift_left3A_1859 = arith.shli %shift_right_logical3A_1856, %shift_left3A_1858 : vector<16xi32>
    %add3A_1860 = arith.addi %shift_left3A_1853, %shift_left3A_1859 : vector<16xi32>
    %and3A_1861 = arith.constant 7 : i32
    %and3A_1862 = vector.broadcast %and3A_1861 : i32 to vector<16xi32>
    %and3A_1863 = arith.andi %add3A_1847, %and3A_1862 : vector<16xi32>
    %shift_left3A_1864 = arith.constant 7 : i32
    %shift_left3A_1865 = vector.broadcast %shift_left3A_1864 : i32 to vector<16xi32>
    %shift_left3A_1866 = arith.shli %and3A_1863, %shift_left3A_1865 : vector<16xi32>
    %add3A_1867 = arith.addi %add3A_1860, %shift_left3A_1866 : vector<16xi32>
    %and3A_1868 = arith.constant 127 : i32
    %and3A_1869 = vector.broadcast %and3A_1868 : i32 to vector<16xi32>
    %and3A_1870 = arith.andi %get3A_1843, %and3A_1869 : vector<16xi32>
    %add3A_1871 = arith.addi %add3A_1867, %and3A_1870 : vector<16xi32>
    %swap3A_1872 = arith.constant 64 : index
    %swap3A_1873 = tpu.vector_load %arg12[%swap3A_1872] {strides = array<i32>} : memref<128xi32, #tpu.memory_space<vmem>>, vector<16xi32>,
    %swap3A_1874 = vector.shape_cast %swap3A_1873 : vector<16xi32> to vector<16xi32>
    %swap3A_1875 = vector.shape_cast %add3A_1871 : vector<16xi32> to vector<16xi32>
    tpu.vector_store %arg12[%swap3A_1872], %swap3A_1875 {strides = array<i32>} : memref<128xi32, #tpu.memory_space<vmem>>, vector<16xi32>,
    %get3A_1876 = arith.constant 848 : index
    %get3A_1877 = tpu.vector_load %arg5[%get3A_1876] {strides = array<i32>} : memref<1024xi32, #tpu.memory_space<vmem>>, vector<16xi32>,
    %get3A_1878 = vector.shape_cast %get3A_1877 : vector<16xi32> to vector<16xi32>
    %add3A_1879 = arith.constant 848 : i32
    %add3A_1880 = arith.addi %mul3A_2, %add3A_1879 : i32
    %add3A_1881 = vector.broadcast %add3A_1880 : i32 to vector<16xi32>
    %add3A_1882 = arith.addi %add3A_1881, %iota3A : vector<16xi32>
    %shift_right_logical3A_1883 = arith.constant 3 : i32
    %shift_right_logical3A_1884 = vector.broadcast %shift_right_logical3A_1883 : i32 to vector<16xi32>
    %shift_right_logical3A_1885 = arith.shrui %add3A_1882, %shift_right_logical3A_1884 : vector<16xi32>
    %shift_left3A_1886 = arith.constant 14 : i32
    %shift_left3A_1887 = vector.broadcast %shift_left3A_1886 : i32 to vector<16xi32>
    %shift_left3A_1888 = arith.shli %shift_right_logical3A_1885, %shift_left3A_1887 : vector<16xi32>
    %shift_right_logical3A_1889 = arith.constant 7 : i32
    %shift_right_logical3A_1890 = vector.broadcast %shift_right_logical3A_1889 : i32 to vector<16xi32>
    %shift_right_logical3A_1891 = arith.shrui %get3A_1878, %shift_right_logical3A_1890 : vector<16xi32>
    %shift_left3A_1892 = arith.constant 10 : i32
    %shift_left3A_1893 = vector.broadcast %shift_left3A_1892 : i32 to vector<16xi32>
    %shift_left3A_1894 = arith.shli %shift_right_logical3A_1891, %shift_left3A_1893 : vector<16xi32>
    %add3A_1895 = arith.addi %shift_left3A_1888, %shift_left3A_1894 : vector<16xi32>
    %and3A_1896 = arith.constant 7 : i32
    %and3A_1897 = vector.broadcast %and3A_1896 : i32 to vector<16xi32>
    %and3A_1898 = arith.andi %add3A_1882, %and3A_1897 : vector<16xi32>
    %shift_left3A_1899 = arith.constant 7 : i32
    %shift_left3A_1900 = vector.broadcast %shift_left3A_1899 : i32 to vector<16xi32>
    %shift_left3A_1901 = arith.shli %and3A_1898, %shift_left3A_1900 : vector<16xi32>
    %add3A_1902 = arith.addi %add3A_1895, %shift_left3A_1901 : vector<16xi32>
    %and3A_1903 = arith.constant 127 : i32
    %and3A_1904 = vector.broadcast %and3A_1903 : i32 to vector<16xi32>
    %and3A_1905 = arith.andi %get3A_1878, %and3A_1904 : vector<16xi32>
    %add3A_1906 = arith.addi %add3A_1902, %and3A_1905 : vector<16xi32>
    %swap3A_1907 = arith.constant 80 : index
    %swap3A_1908 = tpu.vector_load %arg12[%swap3A_1907] {strides = array<i32>} : memref<128xi32, #tpu.memory_space<vmem>>, vector<16xi32>,
    %swap3A_1909 = vector.shape_cast %swap3A_1908 : vector<16xi32> to vector<16xi32>
    %swap3A_1910 = vector.shape_cast %add3A_1906 : vector<16xi32> to vector<16xi32>
    tpu.vector_store %arg12[%swap3A_1907], %swap3A_1910 {strides = array<i32>} : memref<128xi32, #tpu.memory_space<vmem>>, vector<16xi32>,
    %get3A_1911 = arith.constant 864 : index
    %get3A_1912 = tpu.vector_load %arg5[%get3A_1911] {strides = array<i32>} : memref<1024xi32, #tpu.memory_space<vmem>>, vector<16xi32>,
    %get3A_1913 = vector.shape_cast %get3A_1912 : vector<16xi32> to vector<16xi32>
    %add3A_1914 = arith.constant 864 : i32
    %add3A_1915 = arith.addi %mul3A_2, %add3A_1914 : i32
    %add3A_1916 = vector.broadcast %add3A_1915 : i32 to vector<16xi32>
    %add3A_1917 = arith.addi %add3A_1916, %iota3A : vector<16xi32>
    %shift_right_logical3A_1918 = arith.constant 3 : i32
    %shift_right_logical3A_1919 = vector.broadcast %shift_right_logical3A_1918 : i32 to vector<16xi32>
    %shift_right_logical3A_1920 = arith.shrui %add3A_1917, %shift_right_logical3A_1919 : vector<16xi32>
    %shift_left3A_1921 = arith.constant 14 : i32
    %shift_left3A_1922 = vector.broadcast %shift_left3A_1921 : i32 to vector<16xi32>
    %shift_left3A_1923 = arith.shli %shift_right_logical3A_1920, %shift_left3A_1922 : vector<16xi32>
    %shift_right_logical3A_1924 = arith.constant 7 : i32
    %shift_right_logical3A_1925 = vector.broadcast %shift_right_logical3A_1924 : i32 to vector<16xi32>
    %shift_right_logical3A_1926 = arith.shrui %get3A_1913, %shift_right_logical3A_1925 : vector<16xi32>
    %shift_left3A_1927 = arith.constant 10 : i32
    %shift_left3A_1928 = vector.broadcast %shift_left3A_1927 : i32 to vector<16xi32>
    %shift_left3A_1929 = arith.shli %shift_right_logical3A_1926, %shift_left3A_1928 : vector<16xi32>
    %add3A_1930 = arith.addi %shift_left3A_1923, %shift_left3A_1929 : vector<16xi32>
    %and3A_1931 = arith.constant 7 : i32
    %and3A_1932 = vector.broadcast %and3A_1931 : i32 to vector<16xi32>
    %and3A_1933 = arith.andi %add3A_1917, %and3A_1932 : vector<16xi32>
    %shift_left3A_1934 = arith.constant 7 : i32
    %shift_left3A_1935 = vector.broadcast %shift_left3A_1934 : i32 to vector<16xi32>
    %shift_left3A_1936 = arith.shli %and3A_1933, %shift_left3A_1935 : vector<16xi32>
    %add3A_1937 = arith.addi %add3A_1930, %shift_left3A_1936 : vector<16xi32>
    %and3A_1938 = arith.constant 127 : i32
    %and3A_1939 = vector.broadcast %and3A_1938 : i32 to vector<16xi32>
    %and3A_1940 = arith.andi %get3A_1913, %and3A_1939 : vector<16xi32>
    %add3A_1941 = arith.addi %add3A_1937, %and3A_1940 : vector<16xi32>
    %swap3A_1942 = arith.constant 96 : index
    %swap3A_1943 = tpu.vector_load %arg12[%swap3A_1942] {strides = array<i32>} : memref<128xi32, #tpu.memory_space<vmem>>, vector<16xi32>,
    %swap3A_1944 = vector.shape_cast %swap3A_1943 : vector<16xi32> to vector<16xi32>
    %swap3A_1945 = vector.shape_cast %add3A_1941 : vector<16xi32> to vector<16xi32>
    tpu.vector_store %arg12[%swap3A_1942], %swap3A_1945 {strides = array<i32>} : memref<128xi32, #tpu.memory_space<vmem>>, vector<16xi32>,
    %get3A_1946 = arith.constant 880 : index
    %get3A_1947 = tpu.vector_load %arg5[%get3A_1946] {strides = array<i32>} : memref<1024xi32, #tpu.memory_space<vmem>>, vector<16xi32>,
    %get3A_1948 = vector.shape_cast %get3A_1947 : vector<16xi32> to vector<16xi32>
    %add3A_1949 = arith.constant 880 : i32
    %add3A_1950 = arith.addi %mul3A_2, %add3A_1949 : i32
    %add3A_1951 = vector.broadcast %add3A_1950 : i32 to vector<16xi32>
    %add3A_1952 = arith.addi %add3A_1951, %iota3A : vector<16xi32>
    %shift_right_logical3A_1953 = arith.constant 3 : i32
    %shift_right_logical3A_1954 = vector.broadcast %shift_right_logical3A_1953 : i32 to vector<16xi32>
    %shift_right_logical3A_1955 = arith.shrui %add3A_1952, %shift_right_logical3A_1954 : vector<16xi32>
    %shift_left3A_1956 = arith.constant 14 : i32
    %shift_left3A_1957 = vector.broadcast %shift_left3A_1956 : i32 to vector<16xi32>
    %shift_left3A_1958 = arith.shli %shift_right_logical3A_1955, %shift_left3A_1957 : vector<16xi32>
    %shift_right_logical3A_1959 = arith.constant 7 : i32
    %shift_right_logical3A_1960 = vector.broadcast %shift_right_logical3A_1959 : i32 to vector<16xi32>
    %shift_right_logical3A_1961 = arith.shrui %get3A_1948, %shift_right_logical3A_1960 : vector<16xi32>
    %shift_left3A_1962 = arith.constant 10 : i32
    %shift_left3A_1963 = vector.broadcast %shift_left3A_1962 : i32 to vector<16xi32>
    %shift_left3A_1964 = arith.shli %shift_right_logical3A_1961, %shift_left3A_1963 : vector<16xi32>
    %add3A_1965 = arith.addi %shift_left3A_1958, %shift_left3A_1964 : vector<16xi32>
    %and3A_1966 = arith.constant 7 : i32
    %and3A_1967 = vector.broadcast %and3A_1966 : i32 to vector<16xi32>
    %and3A_1968 = arith.andi %add3A_1952, %and3A_1967 : vector<16xi32>
    %shift_left3A_1969 = arith.constant 7 : i32
    %shift_left3A_1970 = vector.broadcast %shift_left3A_1969 : i32 to vector<16xi32>
    %shift_left3A_1971 = arith.shli %and3A_1968, %shift_left3A_1970 : vector<16xi32>
    %add3A_1972 = arith.addi %add3A_1965, %shift_left3A_1971 : vector<16xi32>
    %and3A_1973 = arith.constant 127 : i32
    %and3A_1974 = vector.broadcast %and3A_1973 : i32 to vector<16xi32>
    %and3A_1975 = arith.andi %get3A_1948, %and3A_1974 : vector<16xi32>
    %add3A_1976 = arith.addi %add3A_1972, %and3A_1975 : vector<16xi32>
    %swap3A_1977 = arith.constant 112 : index
    %swap3A_1978 = tpu.vector_load %arg12[%swap3A_1977] {strides = array<i32>} : memref<128xi32, #tpu.memory_space<vmem>>, vector<16xi32>,
    %swap3A_1979 = vector.shape_cast %swap3A_1978 : vector<16xi32> to vector<16xi32>
    %swap3A_1980 = vector.shape_cast %add3A_1976 : vector<16xi32> to vector<16xi32>
    tpu.vector_store %arg12[%swap3A_1977], %swap3A_1980 {strides = array<i32>} : memref<128xi32, #tpu.memory_space<vmem>>, vector<16xi32>,
    %dma_start3A_1981 = arith.constant 768 : i32
    %dma_start3A_1982 = tpu.memref_slice %arg14[%dma_start3A_1981] : memref<1024xf32, #tpu.memory_space<vmem>> -> memref<128xf32, #tpu.memory_space<vmem>>
    %dma_start3A_1983 = arith.constant 0 : i32
    %dma_start3A_1984 = tpu.memref_slice %arg3[%dma_start3A_1983] : memref<33554432xf32, #tpu.memory_space<hbm>> -> memref<33554432xf32, #tpu.memory_space<hbm>>
    tpu.enqueue_indirect_dma source(%dma_start3A_1984 : memref<33554432xf32, #tpu.memory_space<hbm>>) target(%dma_start3A_1982 : memref<128xf32, #tpu.memory_space<vmem>>) offsets(%arg12 : memref<128xi32, #tpu.memory_space<vmem>>) semaphore(%arg15 : memref<!tpu.dma_semaphore, #tpu.memory_space<semaphore_mem>>)
    %get3A_1985 = arith.constant 896 : index
    %get3A_1986 = tpu.vector_load %arg5[%get3A_1985] {strides = array<i32>} : memref<1024xi32, #tpu.memory_space<vmem>>, vector<16xi32>,
    %get3A_1987 = vector.shape_cast %get3A_1986 : vector<16xi32> to vector<16xi32>
    %add3A_1988 = arith.constant 896 : i32
    %add3A_1989 = arith.addi %mul3A_2, %add3A_1988 : i32
    %add3A_1990 = vector.broadcast %add3A_1989 : i32 to vector<16xi32>
    %add3A_1991 = arith.addi %add3A_1990, %iota3A : vector<16xi32>
    %shift_right_logical3A_1992 = arith.constant 3 : i32
    %shift_right_logical3A_1993 = vector.broadcast %shift_right_logical3A_1992 : i32 to vector<16xi32>
    %shift_right_logical3A_1994 = arith.shrui %add3A_1991, %shift_right_logical3A_1993 : vector<16xi32>
    %shift_left3A_1995 = arith.constant 14 : i32
    %shift_left3A_1996 = vector.broadcast %shift_left3A_1995 : i32 to vector<16xi32>
    %shift_left3A_1997 = arith.shli %shift_right_logical3A_1994, %shift_left3A_1996 : vector<16xi32>
    %shift_right_logical3A_1998 = arith.constant 7 : i32
    %shift_right_logical3A_1999 = vector.broadcast %shift_right_logical3A_1998 : i32 to vector<16xi32>
    %shift_right_logical3A_2000 = arith.shrui %get3A_1987, %shift_right_logical3A_1999 : vector<16xi32>
    %shift_left3A_2001 = arith.constant 10 : i32
    %shift_left3A_2002 = vector.broadcast %shift_left3A_2001 : i32 to vector<16xi32>
    %shift_left3A_2003 = arith.shli %shift_right_logical3A_2000, %shift_left3A_2002 : vector<16xi32>
    %add3A_2004 = arith.addi %shift_left3A_1997, %shift_left3A_2003 : vector<16xi32>
    %and3A_2005 = arith.constant 7 : i32
    %and3A_2006 = vector.broadcast %and3A_2005 : i32 to vector<16xi32>
    %and3A_2007 = arith.andi %add3A_1991, %and3A_2006 : vector<16xi32>
    %shift_left3A_2008 = arith.constant 7 : i32
    %shift_left3A_2009 = vector.broadcast %shift_left3A_2008 : i32 to vector<16xi32>
    %shift_left3A_2010 = arith.shli %and3A_2007, %shift_left3A_2009 : vector<16xi32>
    %add3A_2011 = arith.addi %add3A_2004, %shift_left3A_2010 : vector<16xi32>
    %and3A_2012 = arith.constant 127 : i32
    %and3A_2013 = vector.broadcast %and3A_2012 : i32 to vector<16xi32>
    %and3A_2014 = arith.andi %get3A_1987, %and3A_2013 : vector<16xi32>
    %add3A_2015 = arith.addi %add3A_2011, %and3A_2014 : vector<16xi32>
    %swap3A_2016 = arith.constant 0 : index
    %swap3A_2017 = tpu.vector_load %arg13[%swap3A_2016] {strides = array<i32>} : memref<128xi32, #tpu.memory_space<vmem>>, vector<16xi32>,
    %swap3A_2018 = vector.shape_cast %swap3A_2017 : vector<16xi32> to vector<16xi32>
    %swap3A_2019 = vector.shape_cast %add3A_2015 : vector<16xi32> to vector<16xi32>
    tpu.vector_store %arg13[%swap3A_2016], %swap3A_2019 {strides = array<i32>} : memref<128xi32, #tpu.memory_space<vmem>>, vector<16xi32>,
    %get3A_2020 = arith.constant 912 : index
    %get3A_2021 = tpu.vector_load %arg5[%get3A_2020] {strides = array<i32>} : memref<1024xi32, #tpu.memory_space<vmem>>, vector<16xi32>,
    %get3A_2022 = vector.shape_cast %get3A_2021 : vector<16xi32> to vector<16xi32>
    %add3A_2023 = arith.constant 912 : i32
    %add3A_2024 = arith.addi %mul3A_2, %add3A_2023 : i32
    %add3A_2025 = vector.broadcast %add3A_2024 : i32 to vector<16xi32>
    %add3A_2026 = arith.addi %add3A_2025, %iota3A : vector<16xi32>
    %shift_right_logical3A_2027 = arith.constant 3 : i32
    %shift_right_logical3A_2028 = vector.broadcast %shift_right_logical3A_2027 : i32 to vector<16xi32>
    %shift_right_logical3A_2029 = arith.shrui %add3A_2026, %shift_right_logical3A_2028 : vector<16xi32>
    %shift_left3A_2030 = arith.constant 14 : i32
    %shift_left3A_2031 = vector.broadcast %shift_left3A_2030 : i32 to vector<16xi32>
    %shift_left3A_2032 = arith.shli %shift_right_logical3A_2029, %shift_left3A_2031 : vector<16xi32>
    %shift_right_logical3A_2033 = arith.constant 7 : i32
    %shift_right_logical3A_2034 = vector.broadcast %shift_right_logical3A_2033 : i32 to vector<16xi32>
    %shift_right_logical3A_2035 = arith.shrui %get3A_2022, %shift_right_logical3A_2034 : vector<16xi32>
    %shift_left3A_2036 = arith.constant 10 : i32
    %shift_left3A_2037 = vector.broadcast %shift_left3A_2036 : i32 to vector<16xi32>
    %shift_left3A_2038 = arith.shli %shift_right_logical3A_2035, %shift_left3A_2037 : vector<16xi32>
    %add3A_2039 = arith.addi %shift_left3A_2032, %shift_left3A_2038 : vector<16xi32>
    %and3A_2040 = arith.constant 7 : i32
    %and3A_2041 = vector.broadcast %and3A_2040 : i32 to vector<16xi32>
    %and3A_2042 = arith.andi %add3A_2026, %and3A_2041 : vector<16xi32>
    %shift_left3A_2043 = arith.constant 7 : i32
    %shift_left3A_2044 = vector.broadcast %shift_left3A_2043 : i32 to vector<16xi32>
    %shift_left3A_2045 = arith.shli %and3A_2042, %shift_left3A_2044 : vector<16xi32>
    %add3A_2046 = arith.addi %add3A_2039, %shift_left3A_2045 : vector<16xi32>
    %and3A_2047 = arith.constant 127 : i32
    %and3A_2048 = vector.broadcast %and3A_2047 : i32 to vector<16xi32>
    %and3A_2049 = arith.andi %get3A_2022, %and3A_2048 : vector<16xi32>
    %add3A_2050 = arith.addi %add3A_2046, %and3A_2049 : vector<16xi32>
    %swap3A_2051 = arith.constant 16 : index
    %swap3A_2052 = tpu.vector_load %arg13[%swap3A_2051] {strides = array<i32>} : memref<128xi32, #tpu.memory_space<vmem>>, vector<16xi32>,
    %swap3A_2053 = vector.shape_cast %swap3A_2052 : vector<16xi32> to vector<16xi32>
    %swap3A_2054 = vector.shape_cast %add3A_2050 : vector<16xi32> to vector<16xi32>
    tpu.vector_store %arg13[%swap3A_2051], %swap3A_2054 {strides = array<i32>} : memref<128xi32, #tpu.memory_space<vmem>>, vector<16xi32>,
    %get3A_2055 = arith.constant 928 : index
    %get3A_2056 = tpu.vector_load %arg5[%get3A_2055] {strides = array<i32>} : memref<1024xi32, #tpu.memory_space<vmem>>, vector<16xi32>,
    %get3A_2057 = vector.shape_cast %get3A_2056 : vector<16xi32> to vector<16xi32>
    %add3A_2058 = arith.constant 928 : i32
    %add3A_2059 = arith.addi %mul3A_2, %add3A_2058 : i32
    %add3A_2060 = vector.broadcast %add3A_2059 : i32 to vector<16xi32>
    %add3A_2061 = arith.addi %add3A_2060, %iota3A : vector<16xi32>
    %shift_right_logical3A_2062 = arith.constant 3 : i32
    %shift_right_logical3A_2063 = vector.broadcast %shift_right_logical3A_2062 : i32 to vector<16xi32>
    %shift_right_logical3A_2064 = arith.shrui %add3A_2061, %shift_right_logical3A_2063 : vector<16xi32>
    %shift_left3A_2065 = arith.constant 14 : i32
    %shift_left3A_2066 = vector.broadcast %shift_left3A_2065 : i32 to vector<16xi32>
    %shift_left3A_2067 = arith.shli %shift_right_logical3A_2064, %shift_left3A_2066 : vector<16xi32>
    %shift_right_logical3A_2068 = arith.constant 7 : i32
    %shift_right_logical3A_2069 = vector.broadcast %shift_right_logical3A_2068 : i32 to vector<16xi32>
    %shift_right_logical3A_2070 = arith.shrui %get3A_2057, %shift_right_logical3A_2069 : vector<16xi32>
    %shift_left3A_2071 = arith.constant 10 : i32
    %shift_left3A_2072 = vector.broadcast %shift_left3A_2071 : i32 to vector<16xi32>
    %shift_left3A_2073 = arith.shli %shift_right_logical3A_2070, %shift_left3A_2072 : vector<16xi32>
    %add3A_2074 = arith.addi %shift_left3A_2067, %shift_left3A_2073 : vector<16xi32>
    %and3A_2075 = arith.constant 7 : i32
    %and3A_2076 = vector.broadcast %and3A_2075 : i32 to vector<16xi32>
    %and3A_2077 = arith.andi %add3A_2061, %and3A_2076 : vector<16xi32>
    %shift_left3A_2078 = arith.constant 7 : i32
    %shift_left3A_2079 = vector.broadcast %shift_left3A_2078 : i32 to vector<16xi32>
    %shift_left3A_2080 = arith.shli %and3A_2077, %shift_left3A_2079 : vector<16xi32>
    %add3A_2081 = arith.addi %add3A_2074, %shift_left3A_2080 : vector<16xi32>
    %and3A_2082 = arith.constant 127 : i32
    %and3A_2083 = vector.broadcast %and3A_2082 : i32 to vector<16xi32>
    %and3A_2084 = arith.andi %get3A_2057, %and3A_2083 : vector<16xi32>
    %add3A_2085 = arith.addi %add3A_2081, %and3A_2084 : vector<16xi32>
    %swap3A_2086 = arith.constant 32 : index
    %swap3A_2087 = tpu.vector_load %arg13[%swap3A_2086] {strides = array<i32>} : memref<128xi32, #tpu.memory_space<vmem>>, vector<16xi32>,
    %swap3A_2088 = vector.shape_cast %swap3A_2087 : vector<16xi32> to vector<16xi32>
    %swap3A_2089 = vector.shape_cast %add3A_2085 : vector<16xi32> to vector<16xi32>
    tpu.vector_store %arg13[%swap3A_2086], %swap3A_2089 {strides = array<i32>} : memref<128xi32, #tpu.memory_space<vmem>>, vector<16xi32>,
    %get3A_2090 = arith.constant 944 : index
    %get3A_2091 = tpu.vector_load %arg5[%get3A_2090] {strides = array<i32>} : memref<1024xi32, #tpu.memory_space<vmem>>, vector<16xi32>,
    %get3A_2092 = vector.shape_cast %get3A_2091 : vector<16xi32> to vector<16xi32>
    %add3A_2093 = arith.constant 944 : i32
    %add3A_2094 = arith.addi %mul3A_2, %add3A_2093 : i32
    %add3A_2095 = vector.broadcast %add3A_2094 : i32 to vector<16xi32>
    %add3A_2096 = arith.addi %add3A_2095, %iota3A : vector<16xi32>
    %shift_right_logical3A_2097 = arith.constant 3 : i32
    %shift_right_logical3A_2098 = vector.broadcast %shift_right_logical3A_2097 : i32 to vector<16xi32>
    %shift_right_logical3A_2099 = arith.shrui %add3A_2096, %shift_right_logical3A_2098 : vector<16xi32>
    %shift_left3A_2100 = arith.constant 14 : i32
    %shift_left3A_2101 = vector.broadcast %shift_left3A_2100 : i32 to vector<16xi32>
    %shift_left3A_2102 = arith.shli %shift_right_logical3A_2099, %shift_left3A_2101 : vector<16xi32>
    %shift_right_logical3A_2103 = arith.constant 7 : i32
    %shift_right_logical3A_2104 = vector.broadcast %shift_right_logical3A_2103 : i32 to vector<16xi32>
    %shift_right_logical3A_2105 = arith.shrui %get3A_2092, %shift_right_logical3A_2104 : vector<16xi32>
    %shift_left3A_2106 = arith.constant 10 : i32
    %shift_left3A_2107 = vector.broadcast %shift_left3A_2106 : i32 to vector<16xi32>
    %shift_left3A_2108 = arith.shli %shift_right_logical3A_2105, %shift_left3A_2107 : vector<16xi32>
    %add3A_2109 = arith.addi %shift_left3A_2102, %shift_left3A_2108 : vector<16xi32>
    %and3A_2110 = arith.constant 7 : i32
    %and3A_2111 = vector.broadcast %and3A_2110 : i32 to vector<16xi32>
    %and3A_2112 = arith.andi %add3A_2096, %and3A_2111 : vector<16xi32>
    %shift_left3A_2113 = arith.constant 7 : i32
    %shift_left3A_2114 = vector.broadcast %shift_left3A_2113 : i32 to vector<16xi32>
    %shift_left3A_2115 = arith.shli %and3A_2112, %shift_left3A_2114 : vector<16xi32>
    %add3A_2116 = arith.addi %add3A_2109, %shift_left3A_2115 : vector<16xi32>
    %and3A_2117 = arith.constant 127 : i32
    %and3A_2118 = vector.broadcast %and3A_2117 : i32 to vector<16xi32>
    %and3A_2119 = arith.andi %get3A_2092, %and3A_2118 : vector<16xi32>
    %add3A_2120 = arith.addi %add3A_2116, %and3A_2119 : vector<16xi32>
    %swap3A_2121 = arith.constant 48 : index
    %swap3A_2122 = tpu.vector_load %arg13[%swap3A_2121] {strides = array<i32>} : memref<128xi32, #tpu.memory_space<vmem>>, vector<16xi32>,
    %swap3A_2123 = vector.shape_cast %swap3A_2122 : vector<16xi32> to vector<16xi32>
    %swap3A_2124 = vector.shape_cast %add3A_2120 : vector<16xi32> to vector<16xi32>
    tpu.vector_store %arg13[%swap3A_2121], %swap3A_2124 {strides = array<i32>} : memref<128xi32, #tpu.memory_space<vmem>>, vector<16xi32>,
    %get3A_2125 = arith.constant 960 : index
    %get3A_2126 = tpu.vector_load %arg5[%get3A_2125] {strides = array<i32>} : memref<1024xi32, #tpu.memory_space<vmem>>, vector<16xi32>,
    %get3A_2127 = vector.shape_cast %get3A_2126 : vector<16xi32> to vector<16xi32>
    %add3A_2128 = arith.constant 960 : i32
    %add3A_2129 = arith.addi %mul3A_2, %add3A_2128 : i32
    %add3A_2130 = vector.broadcast %add3A_2129 : i32 to vector<16xi32>
    %add3A_2131 = arith.addi %add3A_2130, %iota3A : vector<16xi32>
    %shift_right_logical3A_2132 = arith.constant 3 : i32
    %shift_right_logical3A_2133 = vector.broadcast %shift_right_logical3A_2132 : i32 to vector<16xi32>
    %shift_right_logical3A_2134 = arith.shrui %add3A_2131, %shift_right_logical3A_2133 : vector<16xi32>
    %shift_left3A_2135 = arith.constant 14 : i32
    %shift_left3A_2136 = vector.broadcast %shift_left3A_2135 : i32 to vector<16xi32>
    %shift_left3A_2137 = arith.shli %shift_right_logical3A_2134, %shift_left3A_2136 : vector<16xi32>
    %shift_right_logical3A_2138 = arith.constant 7 : i32
    %shift_right_logical3A_2139 = vector.broadcast %shift_right_logical3A_2138 : i32 to vector<16xi32>
    %shift_right_logical3A_2140 = arith.shrui %get3A_2127, %shift_right_logical3A_2139 : vector<16xi32>
    %shift_left3A_2141 = arith.constant 10 : i32
    %shift_left3A_2142 = vector.broadcast %shift_left3A_2141 : i32 to vector<16xi32>
    %shift_left3A_2143 = arith.shli %shift_right_logical3A_2140, %shift_left3A_2142 : vector<16xi32>
    %add3A_2144 = arith.addi %shift_left3A_2137, %shift_left3A_2143 : vector<16xi32>
    %and3A_2145 = arith.constant 7 : i32
    %and3A_2146 = vector.broadcast %and3A_2145 : i32 to vector<16xi32>
    %and3A_2147 = arith.andi %add3A_2131, %and3A_2146 : vector<16xi32>
    %shift_left3A_2148 = arith.constant 7 : i32
    %shift_left3A_2149 = vector.broadcast %shift_left3A_2148 : i32 to vector<16xi32>
    %shift_left3A_2150 = arith.shli %and3A_2147, %shift_left3A_2149 : vector<16xi32>
    %add3A_2151 = arith.addi %add3A_2144, %shift_left3A_2150 : vector<16xi32>
    %and3A_2152 = arith.constant 127 : i32
    %and3A_2153 = vector.broadcast %and3A_2152 : i32 to vector<16xi32>
    %and3A_2154 = arith.andi %get3A_2127, %and3A_2153 : vector<16xi32>
    %add3A_2155 = arith.addi %add3A_2151, %and3A_2154 : vector<16xi32>
    %swap3A_2156 = arith.constant 64 : index
    %swap3A_2157 = tpu.vector_load %arg13[%swap3A_2156] {strides = array<i32>} : memref<128xi32, #tpu.memory_space<vmem>>, vector<16xi32>,
    %swap3A_2158 = vector.shape_cast %swap3A_2157 : vector<16xi32> to vector<16xi32>
    %swap3A_2159 = vector.shape_cast %add3A_2155 : vector<16xi32> to vector<16xi32>
    tpu.vector_store %arg13[%swap3A_2156], %swap3A_2159 {strides = array<i32>} : memref<128xi32, #tpu.memory_space<vmem>>, vector<16xi32>,
    %get3A_2160 = arith.constant 976 : index
    %get3A_2161 = tpu.vector_load %arg5[%get3A_2160] {strides = array<i32>} : memref<1024xi32, #tpu.memory_space<vmem>>, vector<16xi32>,
    %get3A_2162 = vector.shape_cast %get3A_2161 : vector<16xi32> to vector<16xi32>
    %add3A_2163 = arith.constant 976 : i32
    %add3A_2164 = arith.addi %mul3A_2, %add3A_2163 : i32
    %add3A_2165 = vector.broadcast %add3A_2164 : i32 to vector<16xi32>
    %add3A_2166 = arith.addi %add3A_2165, %iota3A : vector<16xi32>
    %shift_right_logical3A_2167 = arith.constant 3 : i32
    %shift_right_logical3A_2168 = vector.broadcast %shift_right_logical3A_2167 : i32 to vector<16xi32>
    %shift_right_logical3A_2169 = arith.shrui %add3A_2166, %shift_right_logical3A_2168 : vector<16xi32>
    %shift_left3A_2170 = arith.constant 14 : i32
    %shift_left3A_2171 = vector.broadcast %shift_left3A_2170 : i32 to vector<16xi32>
    %shift_left3A_2172 = arith.shli %shift_right_logical3A_2169, %shift_left3A_2171 : vector<16xi32>
    %shift_right_logical3A_2173 = arith.constant 7 : i32
    %shift_right_logical3A_2174 = vector.broadcast %shift_right_logical3A_2173 : i32 to vector<16xi32>
    %shift_right_logical3A_2175 = arith.shrui %get3A_2162, %shift_right_logical3A_2174 : vector<16xi32>
    %shift_left3A_2176 = arith.constant 10 : i32
    %shift_left3A_2177 = vector.broadcast %shift_left3A_2176 : i32 to vector<16xi32>
    %shift_left3A_2178 = arith.shli %shift_right_logical3A_2175, %shift_left3A_2177 : vector<16xi32>
    %add3A_2179 = arith.addi %shift_left3A_2172, %shift_left3A_2178 : vector<16xi32>
    %and3A_2180 = arith.constant 7 : i32
    %and3A_2181 = vector.broadcast %and3A_2180 : i32 to vector<16xi32>
    %and3A_2182 = arith.andi %add3A_2166, %and3A_2181 : vector<16xi32>
    %shift_left3A_2183 = arith.constant 7 : i32
    %shift_left3A_2184 = vector.broadcast %shift_left3A_2183 : i32 to vector<16xi32>
    %shift_left3A_2185 = arith.shli %and3A_2182, %shift_left3A_2184 : vector<16xi32>
    %add3A_2186 = arith.addi %add3A_2179, %shift_left3A_2185 : vector<16xi32>
    %and3A_2187 = arith.constant 127 : i32
    %and3A_2188 = vector.broadcast %and3A_2187 : i32 to vector<16xi32>
    %and3A_2189 = arith.andi %get3A_2162, %and3A_2188 : vector<16xi32>
    %add3A_2190 = arith.addi %add3A_2186, %and3A_2189 : vector<16xi32>
    %swap3A_2191 = arith.constant 80 : index
    %swap3A_2192 = tpu.vector_load %arg13[%swap3A_2191] {strides = array<i32>} : memref<128xi32, #tpu.memory_space<vmem>>, vector<16xi32>,
    %swap3A_2193 = vector.shape_cast %swap3A_2192 : vector<16xi32> to vector<16xi32>
    %swap3A_2194 = vector.shape_cast %add3A_2190 : vector<16xi32> to vector<16xi32>
    tpu.vector_store %arg13[%swap3A_2191], %swap3A_2194 {strides = array<i32>} : memref<128xi32, #tpu.memory_space<vmem>>, vector<16xi32>,
    %get3A_2195 = arith.constant 992 : index
    %get3A_2196 = tpu.vector_load %arg5[%get3A_2195] {strides = array<i32>} : memref<1024xi32, #tpu.memory_space<vmem>>, vector<16xi32>,
    %get3A_2197 = vector.shape_cast %get3A_2196 : vector<16xi32> to vector<16xi32>
    %add3A_2198 = arith.constant 992 : i32
    %add3A_2199 = arith.addi %mul3A_2, %add3A_2198 : i32
    %add3A_2200 = vector.broadcast %add3A_2199 : i32 to vector<16xi32>
    %add3A_2201 = arith.addi %add3A_2200, %iota3A : vector<16xi32>
    %shift_right_logical3A_2202 = arith.constant 3 : i32
    %shift_right_logical3A_2203 = vector.broadcast %shift_right_logical3A_2202 : i32 to vector<16xi32>
    %shift_right_logical3A_2204 = arith.shrui %add3A_2201, %shift_right_logical3A_2203 : vector<16xi32>
    %shift_left3A_2205 = arith.constant 14 : i32
    %shift_left3A_2206 = vector.broadcast %shift_left3A_2205 : i32 to vector<16xi32>
    %shift_left3A_2207 = arith.shli %shift_right_logical3A_2204, %shift_left3A_2206 : vector<16xi32>
    %shift_right_logical3A_2208 = arith.constant 7 : i32
    %shift_right_logical3A_2209 = vector.broadcast %shift_right_logical3A_2208 : i32 to vector<16xi32>
    %shift_right_logical3A_2210 = arith.shrui %get3A_2197, %shift_right_logical3A_2209 : vector<16xi32>
    %shift_left3A_2211 = arith.constant 10 : i32
    %shift_left3A_2212 = vector.broadcast %shift_left3A_2211 : i32 to vector<16xi32>
    %shift_left3A_2213 = arith.shli %shift_right_logical3A_2210, %shift_left3A_2212 : vector<16xi32>
    %add3A_2214 = arith.addi %shift_left3A_2207, %shift_left3A_2213 : vector<16xi32>
    %and3A_2215 = arith.constant 7 : i32
    %and3A_2216 = vector.broadcast %and3A_2215 : i32 to vector<16xi32>
    %and3A_2217 = arith.andi %add3A_2201, %and3A_2216 : vector<16xi32>
    %shift_left3A_2218 = arith.constant 7 : i32
    %shift_left3A_2219 = vector.broadcast %shift_left3A_2218 : i32 to vector<16xi32>
    %shift_left3A_2220 = arith.shli %and3A_2217, %shift_left3A_2219 : vector<16xi32>
    %add3A_2221 = arith.addi %add3A_2214, %shift_left3A_2220 : vector<16xi32>
    %and3A_2222 = arith.constant 127 : i32
    %and3A_2223 = vector.broadcast %and3A_2222 : i32 to vector<16xi32>
    %and3A_2224 = arith.andi %get3A_2197, %and3A_2223 : vector<16xi32>
    %add3A_2225 = arith.addi %add3A_2221, %and3A_2224 : vector<16xi32>
    %swap3A_2226 = arith.constant 96 : index
    %swap3A_2227 = tpu.vector_load %arg13[%swap3A_2226] {strides = array<i32>} : memref<128xi32, #tpu.memory_space<vmem>>, vector<16xi32>,
    %swap3A_2228 = vector.shape_cast %swap3A_2227 : vector<16xi32> to vector<16xi32>
    %swap3A_2229 = vector.shape_cast %add3A_2225 : vector<16xi32> to vector<16xi32>
    tpu.vector_store %arg13[%swap3A_2226], %swap3A_2229 {strides = array<i32>} : memref<128xi32, #tpu.memory_space<vmem>>, vector<16xi32>,
    %get3A_2230 = arith.constant 1008 : index
    %get3A_2231 = tpu.vector_load %arg5[%get3A_2230] {strides = array<i32>} : memref<1024xi32, #tpu.memory_space<vmem>>, vector<16xi32>,
    %get3A_2232 = vector.shape_cast %get3A_2231 : vector<16xi32> to vector<16xi32>
    %add3A_2233 = arith.constant 1008 : i32
    %add3A_2234 = arith.addi %mul3A_2, %add3A_2233 : i32
    %add3A_2235 = vector.broadcast %add3A_2234 : i32 to vector<16xi32>
    %add3A_2236 = arith.addi %add3A_2235, %iota3A : vector<16xi32>
    %shift_right_logical3A_2237 = arith.constant 3 : i32
    %shift_right_logical3A_2238 = vector.broadcast %shift_right_logical3A_2237 : i32 to vector<16xi32>
    %shift_right_logical3A_2239 = arith.shrui %add3A_2236, %shift_right_logical3A_2238 : vector<16xi32>
    %shift_left3A_2240 = arith.constant 14 : i32
    %shift_left3A_2241 = vector.broadcast %shift_left3A_2240 : i32 to vector<16xi32>
    %shift_left3A_2242 = arith.shli %shift_right_logical3A_2239, %shift_left3A_2241 : vector<16xi32>
    %shift_right_logical3A_2243 = arith.constant 7 : i32
    %shift_right_logical3A_2244 = vector.broadcast %shift_right_logical3A_2243 : i32 to vector<16xi32>
    %shift_right_logical3A_2245 = arith.shrui %get3A_2232, %shift_right_logical3A_2244 : vector<16xi32>
    %shift_left3A_2246 = arith.constant 10 : i32
    %shift_left3A_2247 = vector.broadcast %shift_left3A_2246 : i32 to vector<16xi32>
    %shift_left3A_2248 = arith.shli %shift_right_logical3A_2245, %shift_left3A_2247 : vector<16xi32>
    %add3A_2249 = arith.addi %shift_left3A_2242, %shift_left3A_2248 : vector<16xi32>
    %and3A_2250 = arith.constant 7 : i32
    %and3A_2251 = vector.broadcast %and3A_2250 : i32 to vector<16xi32>
    %and3A_2252 = arith.andi %add3A_2236, %and3A_2251 : vector<16xi32>
    %shift_left3A_2253 = arith.constant 7 : i32
    %shift_left3A_2254 = vector.broadcast %shift_left3A_2253 : i32 to vector<16xi32>
    %shift_left3A_2255 = arith.shli %and3A_2252, %shift_left3A_2254 : vector<16xi32>
    %add3A_2256 = arith.addi %add3A_2249, %shift_left3A_2255 : vector<16xi32>
    %and3A_2257 = arith.constant 127 : i32
    %and3A_2258 = vector.broadcast %and3A_2257 : i32 to vector<16xi32>
    %and3A_2259 = arith.andi %get3A_2232, %and3A_2258 : vector<16xi32>
    %add3A_2260 = arith.addi %add3A_2256, %and3A_2259 : vector<16xi32>
    %swap3A_2261 = arith.constant 112 : index
    %swap3A_2262 = tpu.vector_load %arg13[%swap3A_2261] {strides = array<i32>} : memref<128xi32, #tpu.memory_space<vmem>>, vector<16xi32>,
    %swap3A_2263 = vector.shape_cast %swap3A_2262 : vector<16xi32> to vector<16xi32>
    %swap3A_2264 = vector.shape_cast %add3A_2260 : vector<16xi32> to vector<16xi32>
    tpu.vector_store %arg13[%swap3A_2261], %swap3A_2264 {strides = array<i32>} : memref<128xi32, #tpu.memory_space<vmem>>, vector<16xi32>,
    %dma_start3A_2265 = arith.constant 896 : i32
    %dma_start3A_2266 = tpu.memref_slice %arg14[%dma_start3A_2265] : memref<1024xf32, #tpu.memory_space<vmem>> -> memref<128xf32, #tpu.memory_space<vmem>>
    %dma_start3A_2267 = arith.constant 0 : i32
    %dma_start3A_2268 = tpu.memref_slice %arg3[%dma_start3A_2267] : memref<33554432xf32, #tpu.memory_space<hbm>> -> memref<33554432xf32, #tpu.memory_space<hbm>>
    tpu.enqueue_indirect_dma source(%dma_start3A_2268 : memref<33554432xf32, #tpu.memory_space<hbm>>) target(%dma_start3A_2266 : memref<128xf32, #tpu.memory_space<vmem>>) offsets(%arg13 : memref<128xi32, #tpu.memory_space<vmem>>) semaphore(%arg15 : memref<!tpu.dma_semaphore, #tpu.memory_space<semaphore_mem>>)
    %dma_wait3A = arith.constant 0 : i32
    %dma_wait3A_2269 = tpu.memref_slice %arg14[%dma_wait3A] : memref<1024xf32, #tpu.memory_space<vmem>> -> memref<128xf32, #tpu.memory_space<vmem>>
    %dma_wait3A_2270 = arith.constant 0 : i32
    %dma_wait3A_2271 = tpu.memref_slice %arg3[%dma_wait3A_2270] : memref<33554432xf32, #tpu.memory_space<hbm>> -> memref<33554432xf32, #tpu.memory_space<hbm>>
    tpu.wait_indirect_dma semaphore(%arg15 : memref<!tpu.dma_semaphore, #tpu.memory_space<semaphore_mem>>) src(%dma_wait3A_2271 : memref<33554432xf32, #tpu.memory_space<hbm>>) dst(%dma_wait3A_2269 : memref<128xf32, #tpu.memory_space<vmem>>)
    %dma_wait3A_2272 = arith.constant 128 : i32
    %dma_wait3A_2273 = tpu.memref_slice %arg14[%dma_wait3A_2272] : memref<1024xf32, #tpu.memory_space<vmem>> -> memref<128xf32, #tpu.memory_space<vmem>>
    %dma_wait3A_2274 = arith.constant 0 : i32
    %dma_wait3A_2275 = tpu.memref_slice %arg3[%dma_wait3A_2274] : memref<33554432xf32, #tpu.memory_space<hbm>> -> memref<33554432xf32, #tpu.memory_space<hbm>>
    tpu.wait_indirect_dma semaphore(%arg15 : memref<!tpu.dma_semaphore, #tpu.memory_space<semaphore_mem>>) src(%dma_wait3A_2275 : memref<33554432xf32, #tpu.memory_space<hbm>>) dst(%dma_wait3A_2273 : memref<128xf32, #tpu.memory_space<vmem>>)
    %dma_wait3A_2276 = arith.constant 256 : i32
    %dma_wait3A_2277 = tpu.memref_slice %arg14[%dma_wait3A_2276] : memref<1024xf32, #tpu.memory_space<vmem>> -> memref<128xf32, #tpu.memory_space<vmem>>
    %dma_wait3A_2278 = arith.constant 0 : i32
    %dma_wait3A_2279 = tpu.memref_slice %arg3[%dma_wait3A_2278] : memref<33554432xf32, #tpu.memory_space<hbm>> -> memref<33554432xf32, #tpu.memory_space<hbm>>
    tpu.wait_indirect_dma semaphore(%arg15 : memref<!tpu.dma_semaphore, #tpu.memory_space<semaphore_mem>>) src(%dma_wait3A_2279 : memref<33554432xf32, #tpu.memory_space<hbm>>) dst(%dma_wait3A_2277 : memref<128xf32, #tpu.memory_space<vmem>>)
    %dma_wait3A_2280 = arith.constant 384 : i32
    %dma_wait3A_2281 = tpu.memref_slice %arg14[%dma_wait3A_2280] : memref<1024xf32, #tpu.memory_space<vmem>> -> memref<128xf32, #tpu.memory_space<vmem>>
    %dma_wait3A_2282 = arith.constant 0 : i32
    %dma_wait3A_2283 = tpu.memref_slice %arg3[%dma_wait3A_2282] : memref<33554432xf32, #tpu.memory_space<hbm>> -> memref<33554432xf32, #tpu.memory_space<hbm>>
    tpu.wait_indirect_dma semaphore(%arg15 : memref<!tpu.dma_semaphore, #tpu.memory_space<semaphore_mem>>) src(%dma_wait3A_2283 : memref<33554432xf32, #tpu.memory_space<hbm>>) dst(%dma_wait3A_2281 : memref<128xf32, #tpu.memory_space<vmem>>)
    %dma_wait3A_2284 = arith.constant 512 : i32
    %dma_wait3A_2285 = tpu.memref_slice %arg14[%dma_wait3A_2284] : memref<1024xf32, #tpu.memory_space<vmem>> -> memref<128xf32, #tpu.memory_space<vmem>>
    %dma_wait3A_2286 = arith.constant 0 : i32
    %dma_wait3A_2287 = tpu.memref_slice %arg3[%dma_wait3A_2286] : memref<33554432xf32, #tpu.memory_space<hbm>> -> memref<33554432xf32, #tpu.memory_space<hbm>>
    tpu.wait_indirect_dma semaphore(%arg15 : memref<!tpu.dma_semaphore, #tpu.memory_space<semaphore_mem>>) src(%dma_wait3A_2287 : memref<33554432xf32, #tpu.memory_space<hbm>>) dst(%dma_wait3A_2285 : memref<128xf32, #tpu.memory_space<vmem>>)
    %dma_wait3A_2288 = arith.constant 640 : i32
    %dma_wait3A_2289 = tpu.memref_slice %arg14[%dma_wait3A_2288] : memref<1024xf32, #tpu.memory_space<vmem>> -> memref<128xf32, #tpu.memory_space<vmem>>
    %dma_wait3A_2290 = arith.constant 0 : i32
    %dma_wait3A_2291 = tpu.memref_slice %arg3[%dma_wait3A_2290] : memref<33554432xf32, #tpu.memory_space<hbm>> -> memref<33554432xf32, #tpu.memory_space<hbm>>
    tpu.wait_indirect_dma semaphore(%arg15 : memref<!tpu.dma_semaphore, #tpu.memory_space<semaphore_mem>>) src(%dma_wait3A_2291 : memref<33554432xf32, #tpu.memory_space<hbm>>) dst(%dma_wait3A_2289 : memref<128xf32, #tpu.memory_space<vmem>>)
    %dma_wait3A_2292 = arith.constant 768 : i32
    %dma_wait3A_2293 = tpu.memref_slice %arg14[%dma_wait3A_2292] : memref<1024xf32, #tpu.memory_space<vmem>> -> memref<128xf32, #tpu.memory_space<vmem>>
    %dma_wait3A_2294 = arith.constant 0 : i32
    %dma_wait3A_2295 = tpu.memref_slice %arg3[%dma_wait3A_2294] : memref<33554432xf32, #tpu.memory_space<hbm>> -> memref<33554432xf32, #tpu.memory_space<hbm>>
    tpu.wait_indirect_dma semaphore(%arg15 : memref<!tpu.dma_semaphore, #tpu.memory_space<semaphore_mem>>) src(%dma_wait3A_2295 : memref<33554432xf32, #tpu.memory_space<hbm>>) dst(%dma_wait3A_2293 : memref<128xf32, #tpu.memory_space<vmem>>)
    %dma_wait3A_2296 = arith.constant 896 : i32
    %dma_wait3A_2297 = tpu.memref_slice %arg14[%dma_wait3A_2296] : memref<1024xf32, #tpu.memory_space<vmem>> -> memref<128xf32, #tpu.memory_space<vmem>>
    %dma_wait3A_2298 = arith.constant 0 : i32
    %dma_wait3A_2299 = tpu.memref_slice %arg3[%dma_wait3A_2298] : memref<33554432xf32, #tpu.memory_space<hbm>> -> memref<33554432xf32, #tpu.memory_space<hbm>>
    tpu.wait_indirect_dma semaphore(%arg15 : memref<!tpu.dma_semaphore, #tpu.memory_space<semaphore_mem>>) src(%dma_wait3A_2299 : memref<33554432xf32, #tpu.memory_space<hbm>>) dst(%dma_wait3A_2297 : memref<128xf32, #tpu.memory_space<vmem>>)
    "tpu.region"() ({
      %run_scoped3A = tpu.sem_alloc : memref<!tpu.dma_semaphore, #tpu.memory_space<semaphore_mem>>
      %dma_start3A_2300 = tpu.memref_slice %arg4[%mul3A_2] : memref<16384xf32, #tpu.memory_space<hbm>> -> memref<1024xf32, #tpu.memory_space<hbm>>
      %dma_start3A_2301 = tpu.memref_slice %arg4[%mul3A_2] : memref<16384xf32, #tpu.memory_space<hbm>> -> memref<1024xf32, #tpu.memory_space<hbm>>
      tpu.enqueue_dma source(%arg14 : memref<1024xf32, #tpu.memory_space<vmem>>) target(%dma_start3A_2301 : memref<1024xf32, #tpu.memory_space<hbm>>) target_semaphore(%run_scoped3A : memref<!tpu.dma_semaphore, #tpu.memory_space<semaphore_mem>>)
      %dma_wait3A_2302 = tpu.memref_slice %arg4[%mul3A_2] : memref<16384xf32, #tpu.memory_space<hbm>> -> memref<1024xf32, #tpu.memory_space<hbm>>
      %dma_wait3A_2303 = tpu.memref_slice %arg4[%mul3A_2] : memref<16384xf32, #tpu.memory_space<hbm>> -> memref<1024xf32, #tpu.memory_space<hbm>>
      tpu.wait_dma2 semaphore(%run_scoped3A : memref<!tpu.dma_semaphore, #tpu.memory_space<semaphore_mem>>) src(%arg14 : memref<1024xf32, #tpu.memory_space<vmem>>) dst(%dma_wait3A_2303 : memref<1024xf32, #tpu.memory_space<hbm>>)
      tpu.yield
    }) : () -> ()
    return
  }
}

</mosaic_0001>

<sc_bundles>
// kernel: kernel.3.cloned.1.call-start
scs
__scs_entry_jumppad:
0x0: {  	(pc) =	sbr.rel $0x88, $3  }
0x1: {  	(tag) =	ssettag $0x0;
	lr =	simm.s32 $0x1  }
0x2: {  	[smem:$0x3F9F] =	sst lr;
	_ =	strace $0xD0000000  }
0x3: {  	_ = 	snop  }
0x4: {  	_ = 	snop  }
0x5: {  	_ = 	snop  }
0x6: {  	_ = 	snop  }
0x7: {  	_ = 	snop  }
__scs_overlays_trampoline_lowered:
0x8: {  	[smem:$0x3FAE] =	sst s0  }
0x9: {  	[smem:$0x3FAF] =	sst s1  }
0xa: {  	[smem:$0x3FB0] =	sst s2  }
0xb: {  	[smem:$0x3FB1] =	sst s3  }
0xc: {  	[smem:$0x3FB2] =	sst s4  }
0xd: {  	[smem:$0x3FB3] =	sst s5  }
0xe: {  	[smem:$0x3FB4] =	sst s6  }
0xf: {  	[smem:$0x3FB5] =	sst s7  }
0x10: {  	[smem:$0x3FB6] =	sst s8  }
0x11: {  	[smem:$0x3FB7] =	sst s9;
	s0 =	simm.s32 @!p0 $0x0  }
0x12: {  	s1 =	sld [smem:$0x3F9D];
	s0 =	simm.s32 @p0 $0x1  }
0x13: {  	[smem:$0x3FB8] =	sst s0;
	s0 =	simm.s32 @!p1 $0x0  }
0x14: {  	s2 =	sld [smem:$0x3F9C];
	s0 =	simm.s32 @p1 $0x1  }
0x15: {  	[smem:$0x3FB9] =	sst s0;
	s0 =	simm.s32 @!p2 $0x0  }
0x16: {  	s3 =	sld [smem:$0x3FDB];
	s0 =	simm.s32 @p2 $0x1  }
0x17: {  	s4 =	simm.s32 $0x1BF5;
	[smem:$0x3FBB] =	sst s0  }
0x18: {  	s0 =	sld [smem:$0x3F9E];
	_ =	swait.ge [sflag:s4], $0x0  }
0x19: {  	s7 =	sld [smem:$0x3F9F]  }
0x1a: {  	s8 =	sadd.s32 $0xFFFFE003, lr  }
0x1b: {  	s9 =	sadd.s32 $0xFFFFFEF7, lr;
	s5 =	simm.s32 $0xFFFFFFFF;
	p2 =	slt.u32 s8, $0xFFFFF086  }
0x1c: {  	p1 =	slt.u32 s9, $0xF7A;
	s5 =	simm.s32 @!p2 $0x0  }
0x1d: {  	s5 =	simm.s32 @p1 $0x1;
	p0 =	seq.s32 s7, s2  }
0x1e: {  	s7 =	smul.u32 @!p0 $0xF7A, s2;
	p2 =	seq.s32 @!p0 s5, $0x0  }
0x1f: {  	s9 =	smul.u32 $0xF7A, s1;
	s8 =	simm.s32 @!p0 $0x1BF5;
	p2 =	por !p2, p0  }
0x20: {  	[sflag:s8] =	ssyncset.s32 @!p0 $0xFFFFF086;
	s6 =	sadd.s32 @!p0 s3, s7;
	s7 =	simm.s32 @!p0 $0x108  }
0x21: {  	s3 =	sadd.s32 s3, s9;
	s6 =	sadd.s32 @!p0 $0x88, s6;
	s7 =	simm.s32 @p2 $0x1082  }
0x22: {  	[simem:s7], [sflag:s8] =	dma.local @!p0 [hbm:s6], $0xF7A  }
0x23: {  	s9 =	sor.u32 $0xD0000000, s2;
	s6 =	simm.s32 $0x108;
	_ =	swait.ge @!p0 [sflag:s8], $0x0  }
0x24: {  	s3 =	sadd.s32 $0x88, s3;
	s6 =	simm.s32 @!p1 $0x1082;
	[sflag:s4] =	ssyncset.s32 $0xFFFFF086  }
0x25: {  	[simem:s6], [sflag:s4] =	dma.local [hbm:s3], $0xF7A  }
0x26: {  	[smem:$0x3F9F] =	sst s1;
	(tag) =	ssettag s2;
	_ =	strace s9  }
0x27: {  	s1 =	sld [smem:$0x3FAF]  }
0x28: {  	s2 =	sld [smem:$0x3FB0]  }
0x29: {  	s4 =	sld [smem:$0x3FB2]  }
0x2a: {  	p0 =	seq.s32 s5, $0x0;
	s5 =	sld [smem:$0x3FB3]  }
0x2b: {  	s6 =	sld [smem:$0x3FB4]  }
0x2c: {  	s7 =	sld [smem:$0x3FB5]  }
0x2d: {  	s3 =	simm.s32 $0x108;
	s8 =	sld [smem:$0x3FB6]  }
0x2e: {  	s3 =	simm.s32 @!p0 $0x1082;
	s9 =	sld [smem:$0x3FB7]  }
0x2f: {  	lr =	sadd.s32 s0, s3;
	s0 =	sld [smem:$0x3FAE]  }
0x30: {  	s3 =	sld [smem:$0x3FB1]  }
0x31: {  	[smem:$0x3FBA] =	sst s10  }
0x32: {  	s10 =	sld [smem:$0x3FB8];
	_ =	sdelay $0x3  }
0x33: {  	p0 =	seq.s32 s10, $0x1;
	s10 =	sld [smem:$0x3FBA];
	_ =	sdelay $0x3  }
0x34: {  	[smem:$0x3FBA] =	sst s10  }
0x35: {  	s10 =	sld [smem:$0x3FB9];
	_ =	sdelay $0x3  }
0x36: {  	p1 =	seq.s32 s10, $0x1;
	s10 =	sld [smem:$0x3FBA];
	_ =	sdelay $0x3  }
0x37: {  	[smem:$0x3FBA] =	sst s10  }
0x38: {  	s10 =	sld [smem:$0x3FBB]  }
0x39: {  	_ = 	snop;
	(pc) =	sbr.ind lr, $3  }
0x3a: {  	_ = 	snop  }
0x3b: {  	_ = 	snop  }
0x3c: {  	p2 =	seq.s32 s10, $0x1;
	s10 =	sld [smem:$0x3FBA]  }
0x3d: {  	_ =	shalt  }
0x3e: {  	_ =	shalt  }
0x3f: {  	_ =	shalt  }
0x40: {  	_ =	shalt  }
0x41: {  	_ =	shalt  }
0x42: {  	_ =	shalt  }
0x43: {  	_ =	shalt  }
0x44: {  	_ =	shalt  }
0x45: {  	_ =	shalt  }
0x46: {  	_ =	shalt  }
0x47: {  	_ =	shalt  }
0x48: {  	_ =	shalt  }
0x49: {  	_ =	shalt  }
0x4a: {  	_ =	shalt  }
0x4b: {  	_ =	shalt  }
0x4c: {  	_ =	shalt  }
0x4d: {  	_ =	shalt  }
0x4e: {  	_ =	shalt  }
0x4f: {  	_ =	shalt  }
0x50: {  	_ =	shalt  }
0x51: {  	_ =	shalt  }
0x52: {  	_ =	shalt  }
0x53: {  	_ =	shalt  }
0x54: {  	_ =	shalt  }
0x55: {  	_ =	shalt  }
0x56: {  	_ =	shalt  }
0x57: {  	_ =	shalt  }
0x58: {  	_ =	shalt  }
0x59: {  	_ =	shalt  }
0x5a: {  	_ =	shalt  }
0x5b: {  	_ =	shalt  }
0x5c: {  	_ =	shalt  }
0x5d: {  	_ =	shalt  }
0x5e: {  	_ =	shalt  }
0x5f: {  	_ =	shalt  }
0x60: {  	_ =	shalt  }
0x61: {  	_ =	shalt  }
0x62: {  	_ =	shalt  }
0x63: {  	_ =	shalt  }
0x64: {  	_ =	shalt  }
0x65: {  	_ =	shalt  }
0x66: {  	_ =	shalt  }
0x67: {  	_ =	shalt  }
0x68: {  	_ =	shalt  }
0x69: {  	_ =	shalt  }
0x6a: {  	_ =	shalt  }
0x6b: {  	_ =	shalt  }
0x6c: {  	_ =	shalt  }
0x6d: {  	_ =	shalt  }
0x6e: {  	_ =	shalt  }
0x6f: {  	_ =	shalt  }
0x70: {  	_ =	shalt  }
0x71: {  	_ =	shalt  }
0x72: {  	_ =	shalt  }
0x73: {  	_ =	shalt  }
0x74: {  	_ =	shalt  }
0x75: {  	_ =	shalt  }
0x76: {  	_ =	shalt  }
0x77: {  	_ =	shalt  }
0x78: {  	_ =	shalt  }
0x79: {  	_ =	shalt  }
0x7a: {  	_ =	shalt  }
0x7b: {  	_ =	shalt  }
0x7c: {  	_ =	shalt  }
0x7d: {  	_ =	shalt  }
0x7e: {  	_ =	shalt  }
0x7f: {  	_ =	shalt  }
0x80: {  	_ =	shalt  }
0x81: {  	_ =	shalt  }
0x82: {  	_ =	shalt  }
0x83: {  	_ =	shalt  }
0x84: {  	_ =	shalt  }
0x85: {  	_ =	shalt  }
0x86: {  	_ =	shalt  }
0x87: {  	_ =	shalt  }
.Lfunc_end0:
.L_simem_size_0:
called_computation_lowered:
.L_overlay_start_0:
0x88: {  	s0 =	sld [smem:$0x3FD9]  }
0x89: {  	s1 =	sld [smem:$0x3FFE];
	_ =	sdelay $0x3  }
0x8a: {  	s0 =	sadd.s32 s1, s0  }
0x8b: {  	[smem:$0x3FC6] =	sst s0  }
0x8c: {  	_ = 	snop  }
0x8d: {  	s0 =	sld [smem:$0x3FC9]  }
0x8e: {  	s17 =	sld [smem:$0x3FC8]  }
0x8f: {  	s2 =	sld [smem:$0x3FD0];
	(tm) =	ssettm $0x1  }
0x90: {  	s3 =	sld [smem:$0x3FFB];
	_ =	sdelay $0x3  }
0x91: {  	_ =	strace s3  }
0x92: {  	s3 =	sld [smem:$0x3FFC];
	_ =	sdelay $0x3  }
0x93: {  	_ =	strace s3  }
0x94: {  	s3 =	sld [smem:$0x3FFD];
	_ =	sdelay $0x3  }
0x95: {  	_ =	strace s3  }
0x96: {  	_ =	strace $0x8FFFFFFF  }
0x97: {  	s18 =	sld [smem:$0x3FDB];
	_ =	sdelay $0x1  }
0x98: {  	s4 =	simm.s32 $_scs_section_size  }
0x99: {  	s5 =	simm.s32 $_size__tile_overlayer_lowered;
	s6 =	simm.s32 $_tile_overlayer_lowered  }
0x9a: {  	s21 =	simm.s32 $0x1BFF;
	s20 =	sshll.u32 s6, $0x1;
	s3 =	sadd.s32 s4, s18  }
0x9b: {  	s7 =	simm.s32 $0x0;
	s19 =	sshll.u32 s5, $0x1;
	s5 =	sadd.s32 s20, s3  }
0x9c: {  	[timem:s7], [sflag:s21] =	dma.local [hbm:s5], s19  }
0x9d: {  	_ =	swait.ge [sflag:s21], s19  }
0x9e: {  	s4 =	ssub.s32 $0x0, s19;
	[sflag:s21] =	ssyncset.done $0x0  }
0x9f: {  	[sflag:s21] =	ssyncadd.s32 s4;
	_ =	sdelay $0x1  }
0xa0: {  	s22 =	simm.s32 $0x1B8B  }
0xa1: {  	_ =	swait.ge [sflag:s22], $0x1  }
0xa2: {  	[sflag:s22] =	ssyncset.done $0x0  }
0xa3: {  	s23 =	simm.s32 $0x1B8E;
	[sflag:s22] =	ssyncadd.s32 $0xFFFFFFFF  }
0xa4: {  	s24 =	simm.s32 $execute0_lowered;
	[smem:$0x3FD2] =	sst s23  }
0xa5: {  	s4 =	sshll.u32 s24, $0x1;
	_ =	strace $0x80000046;
	[dreg:$0x1] =	wrdreg $0xFFFFFFFF  }
0xa6: {  	s25 =	simm.s32 $_size_execute0_lowered;
	s3 =	sadd.s32 s3, s4;
	[dreg:$0x0] =	wrdreg $0x0  }
0xa7: {  	s4 =	sshll.u32 s25, $0x1;
	[dreg:$0x2] =	wrdreg s3  }
0xa8: {  	[dreg:$0x3] =	wrdreg s4  }
0xa9: {  	[dreg:$0x4] =	wrdreg $0xC0  }
0xaa: {  	_ =	task [dreg:s7], $0x5FFFF  }
0xab: {  	[dreg:$0x1] =	wrdreg $0xFFFFFFFF  }
0xac: {  	[dreg:$0x0] =	wrdreg $0x60  }
0xad: {  	[dreg:$0x2] =	wrdreg s17  }
0xae: {  	[dreg:$0x3] =	wrdreg s0  }
0xaf: {  	[dreg:$0x4] =	wrdreg s2  }
0xb0: {  	[dreg:$0x5] =	wrdreg $0x9  }
0xb1: {  	_ =	task.clear_ibuf [dreg:s7], $0x6FFFF;
	_ =	strace $0x90000046  }
0xb2: {  	s26 =	simm.s32 $0x9;
	_ =	strace $0x80000048  }
0xb3: {  	_ =	swait.ge [sflag:s26], $0x1  }
0xb4: {  	[sflag:s26] =	ssyncadd.s32 $0xFFFFFFFF  }
0xb5: {  	_ =	strace $0x90000048  }
0xb6: {  	_ =	sfence  }
0xb7: {  	s28 =	sld [smem:$0x0];
	_ =	sdelay $0x1  }
0xb8: {  	s29 =	srdreg.scid  }
0xb9: {  	s30 =	sshll.u32 s29, $0xD;
	s31 =	sshrl.u32 s29, $0x2  }
0xba: {  	s1 =	sand.u32 $0x1, s29;
	s2 =	sand.u32 $0x4000, s30;
	s0 =	sadd.s32 s31, s28  }
0xbb: {  	s1 =	sor.u32 s2, s1;
	s0 =	sshll.u32 s0, $0x11  }
0xbc: {  	s0 =	sor.u32 s0, s1  }
0xbd: {  	s0 =	sadd.s32 $0x8F2B, s0  }
0xbe: {  	[sflag:s0] =	ssyncadd.remote.s32 $0x1  }
0xbf: {  	_ =	sfence.sel $0xFFFF  }
0xc0: {  	[dreg:$0x0] =	wrdreg $0xFFFFFFFF;
	(pc) =	sbr.abs _section_cstart, $3  }
0xc1: {  	[dreg:$0x1] =	wrdreg $0xFFFFFFFF  }
0xc2: {  	_ =	task.clear_ibuf [dreg:s7], $0x2FFFF;
	_ =	strace $0x9FFFFFFF  }
0xc3: {  	(tm) =	ssettm $0x7FFFFFFF  }
tec
execute0_lowered:
.L_overlay_start_1:
0x0: {  	(tag) =	ssettag $0x1  }
0x1: {  	s6 =	rddreg [dreg:$0x0]  }
0x2: {  	s5 =	rddreg [dreg:$0x1]  }
0x3: {  	s2 =	rddreg [dreg:$0x2]  }
0x4: {  	s0 =	stileid.u32;
	s1 =	rddreg [dreg:$0x3];
	s3 =	simm.s32 $0x0  }
0x5: {  	[smem:$0x7FF] =	sst s3;
	s4 =	sshll.u32 s0, $0x7  }
0x6: {  	s7 =	sshll.u32 s0, $0xA;
	_ =	strace $0x80000047;
	s6 =	sadd.s32 s6, s4  }
0x7: {  	v0 =	vlaneseq.u32;
	[tilespmem:s3], [sflag:$0x2] =	stream.linear.gather [hbm4b:s6+s3], $0x400, $0x38;
	[tilespmem:$0xC00] =	vst v63  }
0x8: {  	v1 =	vmul.u32 $0x800, v0;
	v0 =	vand.u32 $0x7, v0;
	v2 =	vmov s7;
	s8 =	sor.u32 $0x10, s7;
	s9 =	sor.u32 $0x20, s7;
	s6 =	simm.s32 $0x2  }
0x9: {  	v0 =	vmul.u32 $0x80, v0;
	s15 =	sor.u32 $0x30, s7;
	s16 =	sor.u32 $0x40, s7;
	v2 =	vshll.u32 v2, $0xB;
	_ =	swait.ge [sflag:s6], $0x400  }
0xa: {  	s17 =	sor.u32 $0x50, s7;
	s18 =	sor.u32 $0x60, s7;
	v3 =	vmov s8;
	v4 =	vmov s9;
	v5 =	vmov s15;
	[sflag:s6] =	ssyncset.done $0x0  }
0xb: {  	s19 =	sor.u32 $0x70, s7;
	v6 =	vmov s16;
	v7 =	vmov s17;
	v8 =	vmov s18;
	[sflag:s6] =	ssyncadd.s32 $0xFFFFFC00  }
0xc: {  	v10 =	vmov s19;
	v2 =	vor.u32 v1, v2;
	v3 =	vshll.u32 v3, $0xB;
	v9 =	vld [tilespmem:$0x0]  }
0xd: {  	v4 =	vshll.u32 v4, $0xB;
	v5 =	vshll.u32 v5, $0xB;
	v6 =	vshll.u32 v6, $0xB;
	v12 =	vld [tilespmem:$0x10]  }
0xe: {  	v7 =	vshll.u32 v7, $0xB;
	v8 =	vshll.u32 v8, $0xB;
	v10 =	vshll.u32 v10, $0xB;
	v14 =	vld [tilespmem:$0x20]  }
0xf: {  	v2 =	vand.u32 $0x1E04000, v2;
	v3 =	vor.u32 v1, v3;
	v4 =	vor.u32 v1, v4;
	v17 =	vld [tilespmem:$0x30]  }
0x10: {  	v5 =	vor.u32 v1, v5;
	v6 =	vor.u32 v1, v6;
	v7 =	vor.u32 v1, v7;
	v53 =	vld [tilespmem:$0x40]  }
0x11: {  	v8 =	vor.u32 v1, v8;
	v10 =	vor.u32 v1, v10;
	v3 =	vand.u32 $0x7FE0C000, v3;
	v57 =	vld [tilespmem:$0x50]  }
0x12: {  	v4 =	vand.u32 $0x7FE14000, v4;
	v5 =	vand.u32 $0x7FE1C000, v5;
	v6 =	vand.u32 $0x7FE24000, v6;
	v63 =	vld [tilespmem:$0x60]  }
0x13: {  	v7 =	vand.u32 $0x7FE2C000, v7;
	v8 =	vand.u32 $0x7FE34000, v8;
	v10 =	vand.u32 $0x7FE3C000, v10;
	v21 =	vld [tilespmem:$0x70]  }
0x14: {  	v16 =	vshll.u32 v9, $0x3;
	v9 =	vand.u32 $0x7F, v9;
	v51 =	vshll.u32 v12, $0x3  }
0x15: {  	v54 =	vand.u32 $0x7F, v12;
	v55 =	vshll.u32 v14, $0x3;
	v58 =	vand.u32 $0x7F, v14  }
0x16: {  	v59 =	vshll.u32 v17, $0x3;
	v61 =	vand.u32 $0x7F, v17;
	v62 =	vshll.u32 v53, $0x3  }
0x17: {  	v22 =	vshll.u32 v57, $0x3;
	v25 =	vand.u32 $0x7F, v57;
	v27 =	vshll.u32 v63, $0x3  }
0x18: {  	v29 =	vshll.u32 v21, $0x3;
	v30 =	vand.u32 $0x7F, v63;
	v33 =	vand.u32 $0x7F, v21  }
0x19: {  	v16 =	vand.u32 $0xFFFFFC00, v16;
	v52 =	vand.u32 $0xFFFFFC00, v51;
	v56 =	vand.u32 $0xFFFFFC00, v55  }
0x1a: {  	v60 =	vand.u32 $0xFFFFFC00, v59;
	v20 =	vand.u32 $0xFFFFFC00, v62;
	v28 =	vand.u32 $0xFFFFFC00, v27  }
0x1b: {  	v2 =	vadd.s32 v2, v16;
	v3 =	vadd.s32 v3, v52;
	v4 =	vadd.s32 v4, v56  }
0x1c: {  	v5 =	vadd.s32 v5, v60;
	v6 =	vadd.s32 v6, v20;
	v2 =	vor.u32 v9, v2  }
0x1d: {  	v16 =	vand.u32 $0x7F, v53;
	v3 =	vor.u32 v54, v3;
	v2 =	vor.u32 v0, v2  }
0x1e: {  	v4 =	vor.u32 v58, v4;
	v5 =	vor.u32 v61, v5;
	v3 =	vor.u32 v0, v3;
	[tilespmem:$0x400] =	vst v2  }
0x1f: {  	v9 =	vand.u32 $0xFFFFFC00, v22;
	v23 =	vor.u32 v16, v6;
	v4 =	vor.u32 v0, v4;
	[tilespmem:$0x410] =	vst v3  }
0x20: {  	v6 =	vand.u32 $0xFFFFFC00, v29;
	v5 =	vor.u32 v0, v5;
	v24 =	vadd.s32 v7, v9;
	[tilespmem:$0x420] =	vst v4  }
0x21: {  	v32 =	vadd.s32 v10, v6;
	v2 =	vor.u32 v0, v23;
	v26 =	vor.u32 v25, v24;
	[tilespmem:$0x430] =	vst v5  }
0x22: {  	s12 =	simm.s32 $0x400;
	s20 =	sor.u32 $0x80, s7;
	v4 =	vadd.s32 v8, v28;
	v35 =	vor.u32 v33, v32;
	v3 =	vor.u32 v0, v26;
	[tilespmem:$0x440] =	vst v2  }
0x23: {  	s21 =	sor.u32 $0x90, s7;
	s22 =	sor.u32 $0xA0, s7;
	s23 =	sor.u32 $0xB0, s7;
	v11 =	vmov s20;
	v31 =	vor.u32 v30, v4;
	v38 =	vor.u32 v0, v35;
	[tilespmem:$0x450] =	vst v3  }
0x24: {  	s24 =	sor.u32 $0xC0, s7;
	s10 =	sor.u32 $0xD0, s7;
	s11 =	sor.u32 $0xE0, s7;
	v13 =	vmov s21;
	v15 =	vmov s22;
	v2 =	vor.u32 v0, v31;
	[tilespmem:$0x470] =	vst v38  }
0x25: {  	s25 =	sor.u32 $0xF0, s7;
	v18 =	vmov s23;
	v37 =	vmov s24;
	s9 =	simm.s32 $0x80;
	s8 =	simm.s32 $0x800;
	v41 =	vmov s10;
	[tilespmem:$0x460] =	vst v2  }
0x26: {  	v42 =	vmov s11;
	v44 =	vmov s25;
	[tilespmem:s8], [sflag:$0x1] =	stream.indirect.gather [hbm4b:s5+s9], $0x1, s12, s9, $0xb8;
	[tilespmem:$0xC00] =	vst v63  }
0x27: {  	v11 =	vshll.u32 v11, $0xB;
	v13 =	vshll.u32 v13, $0xB;
	v15 =	vshll.u32 v15, $0xB;
	v43 =	vld [tilespmem:$0x80]  }
0x28: {  	v34 =	vshll.u32 v18, $0xB;
	v11 =	vor.u32 v1, v11;
	v13 =	vor.u32 v1, v13;
	v45 =	vld [tilespmem:$0x90]  }
0x29: {  	v15 =	vor.u32 v1, v15;
	v36 =	vor.u32 v1, v34;
	v11 =	vand.u32 $0x7FE44000, v11;
	v48 =	vld [tilespmem:$0xA0]  }
0x2a: {  	v13 =	vand.u32 $0x7FE4C000, v13;
	v39 =	vand.u32 $0x7FE54000, v15;
	v6 =	vshll.u32 v42, $0xB;
	v50 =	vld [tilespmem:$0xB0]  }
0x2b: {  	v5 =	vshll.u32 v37, $0xB;
	v6 =	vor.u32 v1, v6;
	v8 =	vshll.u32 v44, $0xB;
	v54 =	vld [tilespmem:$0xC0]  }
0x2c: {  	v4 =	vand.u32 $0x7FE5C000, v36;
	v40 =	vor.u32 v1, v5;
	v5 =	vshll.u32 v41, $0xB;
	v57 =	vld [tilespmem:$0xD0]  }
0x2d: {  	v6 =	vand.u32 $0x7FE74000, v6;
	v8 =	vor.u32 v1, v8;
	v5 =	vor.u32 v1, v5;
	v63 =	vld [tilespmem:$0xE0]  }
0x2e: {  	v8 =	vand.u32 $0x7FE7C000, v8;
	v2 =	vand.u32 $0x7FE64000, v40;
	v5 =	vand.u32 $0x7FE6C000, v5;
	v21 =	vld [tilespmem:$0xF0]  }
0x2f: {  	v49 =	vshll.u32 v43, $0x3;
	v7 =	vand.u32 $0x7F, v43;
	v51 =	vshll.u32 v45, $0x3  }
0x30: {  	v9 =	vand.u32 $0x7F, v45;
	v55 =	vshll.u32 v48, $0x3;
	v58 =	vand.u32 $0x7F, v48  }
0x31: {  	v59 =	vshll.u32 v50, $0x3;
	v61 =	vand.u32 $0x7F, v50;
	v62 =	vshll.u32 v54, $0x3  }
0x32: {  	v22 =	vshll.u32 v57, $0x3;
	v23 =	vand.u32 $0x7F, v57;
	v24 =	vshll.u32 v63, $0x3  }
0x33: {  	v27 =	vshll.u32 v21, $0x3;
	v29 =	vand.u32 $0x7F, v63;
	v33 =	vand.u32 $0x7F, v21  }
0x34: {  	v15 =	vand.u32 $0xFFFFFC00, v49;
	v53 =	vand.u32 $0xFFFFFC00, v51;
	v56 =	vand.u32 $0xFFFFFC00, v55  }
0x35: {  	v60 =	vand.u32 $0xFFFFFC00, v59;
	v20 =	vand.u32 $0xFFFFFC00, v62;
	v26 =	vand.u32 $0xFFFFFC00, v24  }
0x36: {  	v30 =	vand.u32 $0xFFFFFC00, v27;
	v11 =	vadd.s32 v11, v15;
	v3 =	vadd.s32 v39, v56  }
0x37: {  	v4 =	vadd.s32 v4, v60;
	v2 =	vadd.s32 v2, v20;
	v7 =	vor.u32 v7, v11  }
0x38: {  	v15 =	vand.u32 $0x7F, v54;
	v3 =	vor.u32 v58, v3;
	v7 =	vor.u32 v0, v7  }
0x39: {  	v28 =	vadd.s32 v6, v26;
	v4 =	vor.u32 v61, v4;
	v3 =	vor.u32 v0, v3;
	[tilespmem:$0x480] =	vst v7  }
0x3a: {  	v32 =	vadd.s32 v8, v30;
	v2 =	vor.u32 v15, v2;
	v4 =	vor.u32 v0, v4;
	[tilespmem:$0x4A0] =	vst v3  }
0x3b: {  	v11 =	vadd.s32 v13, v53;
	v35 =	vor.u32 v33, v32;
	v2 =	vor.u32 v0, v2;
	[tilespmem:$0x4B0] =	vst v4  }
0x3c: {  	v9 =	vor.u32 v9, v11;
	v11 =	vand.u32 $0xFFFFFC00, v22;
	v38 =	vor.u32 v0, v35;
	[tilespmem:$0x4C0] =	vst v2  }
0x3d: {  	s28 =	sor.u32 $0x110, s7;
	v31 =	vor.u32 v29, v28;
	v9 =	vor.u32 v0, v9;
	v5 =	vadd.s32 v5, v11;
	[tilespmem:$0x4F0] =	vst v38  }
0x3e: {  	v47 =	vmov s28;
	v2 =	vor.u32 v0, v31;
	[tilespmem:$0x490] =	vst v9;
	v5 =	vor.u32 v23, v5  }
0x3f: {  	s26 =	sor.u32 $0x100, s7;
	s29 =	sor.u32 $0x120, s7;
	v12 =	vshll.u32 v47, $0xB;
	[tilespmem:$0x4E0] =	vst v2;
	v25 =	vor.u32 v0, v5  }
0x40: {  	s13 =	simm.s32 $0x480;
	s14 =	simm.s32 $0x880;
	v46 =	vmov s26;
	s16 =	sor.u32 $0x170, s7;
	v12 =	vor.u32 v1, v12;
	v52 =	vmov s29;
	[tilespmem:$0x4D0] =	vst v25  }
0x41: {  	v12 =	vand.u32 $0x7FE8C000, v12;
	v17 =	vshll.u32 v52, $0xB;
	v10 =	vshll.u32 v46, $0xB;
	[tilespmem:s14], [sflag:$0x1] =	stream.indirect.gather [hbm4b:s5+s9], $0x1, s13, s9, $0xb8;
	[tilespmem:$0xC00] =	vst v63  }
0x42: {  	s31 =	sor.u32 $0x140, s7;
	s15 =	sor.u32 $0x160, s7;
	v34 =	vor.u32 v1, v17;
	v10 =	vor.u32 v1, v10;
	v45 =	vmov s16;
	v43 =	vld [tilespmem:$0x100]  }
0x43: {  	s30 =	sor.u32 $0x130, s7;
	v37 =	vmov s31;
	v44 =	vmov s15;
	v8 =	vshll.u32 v45, $0xB;
	v46 =	vld [tilespmem:$0x110]  }
0x44: {  	v10 =	vand.u32 $0x7FE84000, v10;
	v36 =	vmov s30;
	s12 =	sor.u32 $0x150, s7;
	v8 =	vor.u32 v1, v8;
	v48 =	vld [tilespmem:$0x120]  }
0x45: {  	v42 =	vmov s12;
	v39 =	vand.u32 $0x7FE94000, v34;
	v8 =	vand.u32 $0x7FEBC000, v8;
	v51 =	vld [tilespmem:$0x130]  }
0x46: {  	v4 =	vshll.u32 v36, $0xB;
	v7 =	vshll.u32 v44, $0xB;
	v5 =	vshll.u32 v37, $0xB;
	v54 =	vld [tilespmem:$0x140]  }
0x47: {  	v40 =	vor.u32 v1, v4;
	v41 =	vor.u32 v1, v5;
	v5 =	vshll.u32 v42, $0xB;
	v57 =	vld [tilespmem:$0x150]  }
0x48: {  	v7 =	vor.u32 v1, v7;
	v2 =	vand.u32 $0x7FE9C000, v40;
	v5 =	vor.u32 v1, v5;
	v63 =	vld [tilespmem:$0x160]  }
0x49: {  	v7 =	vand.u32 $0x7FEB4000, v7;
	v4 =	vand.u32 $0x7FEA4000, v41;
	v5 =	vand.u32 $0x7FEAC000, v5;
	v21 =	vld [tilespmem:$0x170]  }
0x4a: {  	v50 =	vshll.u32 v43, $0x3;
	v6 =	vand.u32 $0x7F, v43;
	v52 =	vshll.u32 v46, $0x3  }
0x4b: {  	v9 =	vand.u32 $0x7F, v46;
	v55 =	vshll.u32 v48, $0x3;
	v58 =	vand.u32 $0x7F, v48  }
0x4c: {  	v59 =	vshll.u32 v51, $0x3;
	v61 =	vand.u32 $0x7F, v51;
	v62 =	vshll.u32 v54, $0x3  }
0x4d: {  	v22 =	vshll.u32 v57, $0x3;
	v23 =	vand.u32 $0x7F, v57;
	v24 =	vshll.u32 v63, $0x3  }
0x4e: {  	v27 =	vshll.u32 v21, $0x3;
	v29 =	vand.u32 $0x7F, v63;
	v31 =	vand.u32 $0x7F, v21  }
0x4f: {  	v15 =	vand.u32 $0xFFFFFC00, v50;
	v53 =	vand.u32 $0xFFFFFC00, v52;
	v56 =	vand.u32 $0xFFFFFC00, v55  }
0x50: {  	v60 =	vand.u32 $0xFFFFFC00, v59;
	v20 =	vand.u32 $0xFFFFFC00, v62;
	v26 =	vand.u32 $0xFFFFFC00, v24  }
0x51: {  	v10 =	vadd.s32 v10, v15;
	v3 =	vadd.s32 v39, v56;
	v2 =	vadd.s32 v2, v60  }
0x52: {  	v4 =	vadd.s32 v4, v20;
	v15 =	vand.u32 $0x7F, v54;
	v6 =	vor.u32 v6, v10  }
0x53: {  	v28 =	vadd.s32 v7, v26;
	v3 =	vor.u32 v58, v3;
	v6 =	vor.u32 v0, v6  }
0x54: {  	v10 =	vadd.s32 v12, v53;
	v2 =	vor.u32 v61, v2;
	v3 =	vor.u32 v0, v3;
	[tilespmem:$0x500] =	vst v6  }
0x55: {  	v4 =	vor.u32 v15, v4;
	v9 =	vor.u32 v9, v10;
	v2 =	vor.u32 v0, v2;
	[tilespmem:$0x520] =	vst v3  }
0x56: {  	v10 =	vand.u32 $0xFFFFFC00, v22;
	v4 =	vor.u32 v0, v4;
	v9 =	vor.u32 v0, v9;
	[tilespmem:$0x530] =	vst v2  }
0x57: {  	v5 =	vadd.s32 v5, v10;
	v6 =	vand.u32 $0xFFFFFC00, v27;
	[tilespmem:$0x540] =	vst v4;
	v2 =	vor.u32 v29, v28  }
0x58: {  	s18 =	sor.u32 $0x190, s7;
	[tilespmem:$0x510] =	vst v9;
	v5 =	vor.u32 v23, v5;
	v30 =	vadd.s32 v8, v6;
	v2 =	vor.u32 v0, v2  }
0x59: {  	v49 =	vmov s18;
	v25 =	vor.u32 v0, v5;
	v33 =	vor.u32 v31, v30;
	[tilespmem:$0x560] =	vst v2  }
0x5a: {  	s17 =	sor.u32 $0x180, s7;
	s19 =	sor.u32 $0x1A0, s7;
	v14 =	vshll.u32 v49, $0xB;
	[tilespmem:$0x550] =	vst v25;
	v36 =	vor.u32 v0, v33  }
0x5b: {  	s20 =	sor.u32 $0x1B0, s7;
	s23 =	simm.s32 $0x500;
	s24 =	simm.s32 $0x900;
	v47 =	vmov s17;
	v14 =	vor.u32 v1, v14;
	v32 =	vmov s19;
	[tilespmem:$0x570] =	vst v36  }
0x5c: {  	v14 =	vand.u32 $0x7FECC000, v14;
	v35 =	vmov s20;
	v11 =	vshll.u32 v47, $0xB;
	[tilespmem:s24], [sflag:$0x1] =	stream.indirect.gather [hbm4b:s5+s9], $0x1, s23, s9, $0xb8;
	[tilespmem:$0xC00] =	vst v63  }
0x5d: {  	s25 =	sor.u32 $0x1E0, s7;
	v34 =	vshll.u32 v32, $0xB;
	v38 =	vshll.u32 v35, $0xB;
	v11 =	vor.u32 v1, v11;
	v43 =	vld [tilespmem:$0x180]  }
0x5e: {  	s22 =	sor.u32 $0x1D0, s7;
	v44 =	vmov s25;
	v11 =	vand.u32 $0x7FEC4000, v11;
	v37 =	vor.u32 v1, v34;
	v45 =	vld [tilespmem:$0x190]  }
0x5f: {  	s26 =	sor.u32 $0x1F0, s7;
	v40 =	vand.u32 $0x7FED4000, v37;
	v42 =	vmov s22;
	v7 =	vshll.u32 v44, $0xB;
	v48 =	vld [tilespmem:$0x1A0]  }
0x60: {  	s21 =	sor.u32 $0x1C0, s7;
	v41 =	vor.u32 v1, v38;
	v46 =	vmov s26;
	v7 =	vor.u32 v1, v7;
	v50 =	vld [tilespmem:$0x1B0]  }
0x61: {  	v39 =	vmov s21;
	v7 =	vand.u32 $0x7FEF4000, v7;
	v3 =	vand.u32 $0x7FEDC000, v41;
	v54 =	vld [tilespmem:$0x1C0]  }
0x62: {  	v4 =	vshll.u32 v42, $0xB;
	v9 =	vshll.u32 v46, $0xB;
	v5 =	vshll.u32 v39, $0xB;
	v57 =	vld [tilespmem:$0x1D0]  }
0x63: {  	v4 =	vor.u32 v1, v4;
	v9 =	vor.u32 v1, v9;
	v5 =	vor.u32 v1, v5;
	v63 =	vld [tilespmem:$0x1E0]  }
0x64: {  	v4 =	vand.u32 $0x7FEEC000, v4;
	v9 =	vand.u32 $0x7FEFC000, v9;
	v5 =	vand.u32 $0x7FEE4000, v5;
	v19 =	vld [tilespmem:$0x1F0]  }
0x65: {  	v49 =	vshll.u32 v43, $0x3;
	v6 =	vand.u32 $0x7F, v43;
	v51 =	vshll.u32 v45, $0x3  }
0x66: {  	v8 =	vand.u32 $0x7F, v45;
	v55 =	vshll.u32 v48, $0x3;
	v58 =	vand.u32 $0x7F, v48  }
0x67: {  	v59 =	vshll.u32 v50, $0x3;
	v61 =	vand.u32 $0x7F, v50;
	v62 =	vshll.u32 v54, $0x3  }
0x68: {  	v20 =	vshll.u32 v57, $0x3;
	v21 =	vand.u32 $0x7F, v57;
	v22 =	vshll.u32 v63, $0x3  }
0x69: {  	v25 =	vshll.u32 v19, $0x3;
	v27 =	vand.u32 $0x7F, v63;
	v29 =	vand.u32 $0x7F, v19  }
0x6a: {  	v13 =	vand.u32 $0xFFFFFC00, v49;
	v53 =	vand.u32 $0xFFFFFC00, v51;
	v56 =	vand.u32 $0xFFFFFC00, v55  }
0x6b: {  	v60 =	vand.u32 $0xFFFFFC00, v59;
	v18 =	vand.u32 $0xFFFFFC00, v62;
	v24 =	vand.u32 $0xFFFFFC00, v22  }
0x6c: {  	v11 =	vadd.s32 v11, v13;
	v2 =	vadd.s32 v40, v56;
	v3 =	vadd.s32 v3, v60  }
0x6d: {  	v5 =	vadd.s32 v5, v18;
	v13 =	vand.u32 $0x7F, v54;
	v6 =	vor.u32 v6, v11  }
0x6e: {  	v26 =	vadd.s32 v7, v24;
	v2 =	vor.u32 v58, v2;
	v6 =	vor.u32 v0, v6  }
0x6f: {  	v11 =	vadd.s32 v14, v53;
	v3 =	vor.u32 v61, v3;
	v2 =	vor.u32 v0, v2;
	[tilespmem:$0x580] =	vst v6  }
0x70: {  	v5 =	vor.u32 v13, v5;
	v8 =	vor.u32 v8, v11;
	v3 =	vor.u32 v0, v3;
	[tilespmem:$0x5A0] =	vst v2  }
0x71: {  	v11 =	vand.u32 $0xFFFFFC00, v20;
	v5 =	vor.u32 v0, v5;
	v8 =	vor.u32 v0, v8;
	[tilespmem:$0x5B0] =	vst v3  }
0x72: {  	v4 =	vadd.s32 v4, v11;
	v6 =	vand.u32 $0xFFFFFC00, v25;
	[tilespmem:$0x5C0] =	vst v5;
	v3 =	vor.u32 v27, v26  }
0x73: {  	[tilespmem:$0x590] =	vst v8;
	v4 =	vor.u32 v21, v4;
	v28 =	vadd.s32 v9, v6;
	v31 =	vor.u32 v0, v3  }
0x74: {  	s28 =	sor.u32 $0x200, s7;
	s29 =	sor.u32 $0x210, s7;
	v23 =	vor.u32 v0, v4;
	v32 =	vor.u32 v29, v28;
	[tilespmem:$0x5E0] =	vst v31  }
0x75: {  	s17 =	sor.u32 $0x270, s7;
	s31 =	sor.u32 $0x230, s7;
	s15 =	sor.u32 $0x250, s7;
	v47 =	vmov s28;
	v52 =	vmov s29;
	[tilespmem:$0x5D0] =	vst v23;
	v35 =	vor.u32 v0, v32  }
0x76: {  	s16 =	sor.u32 $0x260, s7;
	v34 =	vmov s31;
	s13 =	simm.s32 $0x580;
	s14 =	simm.s32 $0x980;
	v16 =	vshll.u32 v52, $0xB;
	v10 =	vshll.u32 v47, $0xB;
	[tilespmem:$0x5F0] =	vst v35  }
0x77: {  	v44 =	vmov s17;
	v41 =	vmov s15;
	v10 =	vor.u32 v1, v10;
	[tilespmem:s14], [sflag:$0x1] =	stream.indirect.gather [hbm4b:s5+s9], $0x1, s13, s9, $0xb8;
	[tilespmem:$0xC00] =	vst v63  }
0x78: {  	s30 =	sor.u32 $0x220, s7;
	s12 =	sor.u32 $0x240, s7;
	v42 =	vmov s16;
	v10 =	vand.u32 $0x7FF04000, v10;
	v30 =	vor.u32 v1, v16;
	v40 =	vld [tilespmem:$0x200]  }
0x79: {  	v39 =	vmov s12;
	v33 =	vmov s30;
	v7 =	vshll.u32 v41, $0xB;
	v43 =	vld [tilespmem:$0x210]  }
0x7a: {  	v36 =	vand.u32 $0x7FF0C000, v30;
	v7 =	vor.u32 v1, v7;
	v5 =	vshll.u32 v34, $0xB;
	v45 =	vld [tilespmem:$0x220]  }
0x7b: {  	v7 =	vand.u32 $0x7FF2C000, v7;
	v11 =	vshll.u32 v44, $0xB;
	v38 =	vor.u32 v1, v5;
	v48 =	vld [tilespmem:$0x230]  }
0x7c: {  	v5 =	vshll.u32 v39, $0xB;
	v8 =	vshll.u32 v42, $0xB;
	v11 =	vor.u32 v1, v11;
	v51 =	vld [tilespmem:$0x240]  }
0x7d: {  	v4 =	vshll.u32 v33, $0xB;
	v5 =	vor.u32 v1, v5;
	v8 =	vor.u32 v1, v8;
	v54 =	vld [tilespmem:$0x250]  }
0x7e: {  	v11 =	vand.u32 $0x7FF3C000, v11;
	v37 =	vor.u32 v1, v4;
	v4 =	vand.u32 $0x7FF1C000, v38;
	v60 =	vld [tilespmem:$0x260]  }
0x7f: {  	v5 =	vand.u32 $0x7FF24000, v5;
	v8 =	vand.u32 $0x7FF34000, v8;
	v2 =	vand.u32 $0x7FF14000, v37;
	v62 =	vld [tilespmem:$0x270]  }
0x80: {  	v47 =	vshll.u32 v40, $0x3;
	v6 =	vand.u32 $0x7F, v40;
	v49 =	vshll.u32 v43, $0x3  }
0x81: {  	v9 =	vand.u32 $0x7F, v43;
	v52 =	vshll.u32 v45, $0x3;
	v55 =	vand.u32 $0x7F, v45  }
0x82: {  	v56 =	vshll.u32 v48, $0x3;
	v58 =	vand.u32 $0x7F, v48;
	v59 =	vshll.u32 v51, $0x3  }
0x83: {  	v63 =	vshll.u32 v54, $0x3;
	v16 =	vand.u32 $0x7F, v54;
	v19 =	vshll.u32 v60, $0x3  }
0x84: {  	v22 =	vshll.u32 v62, $0x3;
	v24 =	vand.u32 $0x7F, v60;
	v27 =	vand.u32 $0x7F, v62  }
0x85: {  	v14 =	vand.u32 $0xFFFFFC00, v47;
	v50 =	vand.u32 $0xFFFFFC00, v49;
	v53 =	vand.u32 $0xFFFFFC00, v52  }
0x86: {  	v57 =	vand.u32 $0xFFFFFC00, v56;
	v61 =	vand.u32 $0xFFFFFC00, v59;
	v21 =	vand.u32 $0xFFFFFC00, v19  }
0x87: {  	v10 =	vadd.s32 v10, v14;
	v3 =	vadd.s32 v36, v50;
	v2 =	vadd.s32 v2, v53  }
0x88: {  	v4 =	vadd.s32 v4, v57;
	v5 =	vadd.s32 v5, v61;
	v6 =	vor.u32 v6, v10  }
0x89: {  	v14 =	vand.u32 $0x7F, v51;
	v3 =	vor.u32 v9, v3;
	v6 =	vor.u32 v0, v6  }
0x8a: {  	v23 =	vadd.s32 v8, v21;
	v2 =	vor.u32 v55, v2;
	v3 =	vor.u32 v0, v3;
	[tilespmem:$0x600] =	vst v6  }
0x8b: {  	v4 =	vor.u32 v58, v4;
	v9 =	vand.u32 $0xFFFFFC00, v63;
	v2 =	vor.u32 v0, v2;
	[tilespmem:$0x610] =	vst v3  }
0x8c: {  	v5 =	vor.u32 v14, v5;
	v25 =	vor.u32 v24, v23;
	v4 =	vor.u32 v0, v4;
	[tilespmem:$0x620] =	vst v2  }
0x8d: {  	v14 =	vadd.s32 v7, v9;
	v17 =	vor.u32 v0, v5;
	[tilespmem:$0x630] =	vst v4;
	v6 =	vand.u32 $0xFFFFFC00, v22  }
0x8e: {  	s18 =	sor.u32 $0x280, s7;
	v29 =	vor.u32 v0, v25;
	v18 =	vor.u32 v16, v14;
	[tilespmem:$0x640] =	vst v17;
	v26 =	vadd.s32 v11, v6  }
0x8f: {  	v46 =	vmov s18;
	[tilespmem:$0x660] =	vst v29;
	v20 =	vor.u32 v0, v18;
	v30 =	vor.u32 v27, v26  }
0x90: {  	s19 =	sor.u32 $0x290, s7;
	s20 =	sor.u32 $0x2A0, s7;
	s25 =	sor.u32 $0x2D0, s7;
	v13 =	vshll.u32 v46, $0xB;
	[tilespmem:$0x650] =	vst v20;
	v33 =	vor.u32 v0, v30  }
0x91: {  	s28 =	sor.u32 $0x2F0, s7;
	s23 =	simm.s32 $0x600;
	s24 =	simm.s32 $0xA00;
	v41 =	vmov s25;
	v13 =	vor.u32 v1, v13;
	v28 =	vmov s19;
	[tilespmem:$0x670] =	vst v33  }
0x92: {  	v13 =	vand.u32 $0x7FF44000, v13;
	v31 =	vshll.u32 v28, $0xB;
	v32 =	vmov s20;
	[tilespmem:s24], [sflag:$0x1] =	stream.indirect.gather [hbm4b:s5+s9], $0x1, s23, s9, $0xb8;
	[tilespmem:$0xC00] =	vst v63  }
0x93: {  	s22 =	sor.u32 $0x2C0, s7;
	v44 =	vmov s28;
	v34 =	vor.u32 v1, v31;
	v35 =	vshll.u32 v32, $0xB;
	v40 =	vld [tilespmem:$0x280]  }
0x94: {  	s26 =	sor.u32 $0x2E0, s7;
	s21 =	sor.u32 $0x2B0, s7;
	v39 =	vmov s22;
	v37 =	vand.u32 $0x7FF4C000, v34;
	v38 =	vor.u32 v1, v35;
	v42 =	vld [tilespmem:$0x290]  }
0x95: {  	v43 =	vmov s26;
	v36 =	vmov s21;
	v10 =	vshll.u32 v44, $0xB;
	v45 =	vld [tilespmem:$0x2A0]  }
0x96: {  	v5 =	vshll.u32 v36, $0xB;
	v7 =	vshll.u32 v41, $0xB;
	v9 =	vshll.u32 v43, $0xB;
	v47 =	vld [tilespmem:$0x2B0]  }
0x97: {  	v10 =	vor.u32 v1, v10;
	v3 =	vand.u32 $0x7FF54000, v38;
	v4 =	vshll.u32 v39, $0xB;
	v51 =	vld [tilespmem:$0x2C0]  }
0x98: {  	v5 =	vor.u32 v1, v5;
	v7 =	vor.u32 v1, v7;
	v9 =	vor.u32 v1, v9;
	v54 =	vld [tilespmem:$0x2D0]  }
0x99: {  	v10 =	vand.u32 $0x7FF7C000, v10;
	v4 =	vor.u32 v1, v4;
	v5 =	vand.u32 $0x7FF5C000, v5;
	v60 =	vld [tilespmem:$0x2E0]  }
0x9a: {  	v7 =	vand.u32 $0x7FF6C000, v7;
	v9 =	vand.u32 $0x7FF74000, v9;
	v4 =	vand.u32 $0x7FF64000, v4;
	v62 =	vld [tilespmem:$0x2F0]  }
0x9b: {  	v46 =	vshll.u32 v40, $0x3;
	v6 =	vand.u32 $0x7F, v40;
	v48 =	vshll.u32 v42, $0x3  }
0x9c: {  	v8 =	vand.u32 $0x7F, v42;
	v52 =	vshll.u32 v45, $0x3;
	v55 =	vand.u32 $0x7F, v45  }
0x9d: {  	v56 =	vshll.u32 v47, $0x3;
	v58 =	vand.u32 $0x7F, v47;
	v59 =	vshll.u32 v51, $0x3  }
0x9e: {  	v63 =	vshll.u32 v54, $0x3;
	v17 =	vand.u32 $0x7F, v54;
	v20 =	vshll.u32 v60, $0x3  }
0x9f: {  	v23 =	vshll.u32 v62, $0x3;
	v24 =	vand.u32 $0x7F, v60;
	v27 =	vand.u32 $0x7F, v62  }
0xa0: {  	v12 =	vand.u32 $0xFFFFFC00, v46;
	v50 =	vand.u32 $0xFFFFFC00, v48;
	v53 =	vand.u32 $0xFFFFFC00, v52  }
0xa1: {  	v57 =	vand.u32 $0xFFFFFC00, v56;
	v61 =	vand.u32 $0xFFFFFC00, v59;
	v22 =	vand.u32 $0xFFFFFC00, v20  }
0xa2: {  	v12 =	vadd.s32 v13, v12;
	v2 =	vadd.s32 v37, v50;
	v3 =	vadd.s32 v3, v53  }
0xa3: {  	v5 =	vadd.s32 v5, v57;
	v4 =	vadd.s32 v4, v61;
	v6 =	vor.u32 v6, v12  }
0xa4: {  	v13 =	vand.u32 $0x7F, v51;
	v2 =	vor.u32 v8, v2;
	v6 =	vor.u32 v0, v6  }
0xa5: {  	v3 =	vor.u32 v55, v3;
	v5 =	vor.u32 v58, v5;
	v2 =	vor.u32 v0, v2;
	[tilespmem:$0x680] =	vst v6  }
0xa6: {  	v8 =	vand.u32 $0xFFFFFC00, v63;
	v4 =	vor.u32 v13, v4;
	v3 =	vor.u32 v0, v3;
	[tilespmem:$0x690] =	vst v2  }
0xa7: {  	v5 =	vor.u32 v0, v5;
	v16 =	vadd.s32 v7, v8;
	v18 =	vor.u32 v0, v4;
	[tilespmem:$0x6A0] =	vst v3  }
0xa8: {  	v4 =	vadd.s32 v9, v22;
	v19 =	vor.u32 v17, v16;
	[tilespmem:$0x6B0] =	vst v5;
	v6 =	vand.u32 $0xFFFFFC00, v23  }
0xa9: {  	s31 =	sor.u32 $0x320, s7;
	[tilespmem:$0x6C0] =	vst v18;
	v25 =	vor.u32 v24, v4;
	v21 =	vor.u32 v0, v19;
	v26 =	vadd.s32 v10, v6  }
0xaa: {  	s29 =	sor.u32 $0x300, s7;
	s17 =	sor.u32 $0x360, s7;
	s15 =	sor.u32 $0x340, s7;
	v2 =	vor.u32 v0, v25;
	[tilespmem:$0x6D0] =	vst v21;
	v29 =	vor.u32 v27, v26  }
0xab: {  	s16 =	sor.u32 $0x350, s7;
	s18 =	sor.u32 $0x370, s7;
	s12 =	sor.u32 $0x330, s7;
	v31 =	vmov s31;
	v49 =	vmov s29;
	[tilespmem:$0x6E0] =	vst v2;
	v32 =	vor.u32 v0, v29  }
0xac: {  	s30 =	sor.u32 $0x310, s7;
	s13 =	simm.s32 $0x680;
	s14 =	simm.s32 $0xA80;
	v15 =	vshll.u32 v49, $0xB;
	v36 =	vmov s12;
	v41 =	vmov s17;
	[tilespmem:$0x6F0] =	vst v32  }
0xad: {  	v28 =	vor.u32 v1, v15;
	v43 =	vmov s18;
	v38 =	vmov s15;
	[tilespmem:s14], [sflag:$0x1] =	stream.indirect.gather [hbm4b:s5+s9], $0x1, s13, s9, $0xb8;
	[tilespmem:$0xC00] =	vst v63  }
0xae: {  	v39 =	vmov s16;
	v30 =	vmov s30;
	v33 =	vand.u32 $0x7FF84000, v28;
	v37 =	vld [tilespmem:$0x300]  }
0xaf: {  	v12 =	vshll.u32 v43, $0xB;
	v7 =	vshll.u32 v38, $0xB;
	v8 =	vshll.u32 v39, $0xB;
	v40 =	vld [tilespmem:$0x310]  }
0xb0: {  	v12 =	vor.u32 v1, v12;
	v4 =	vshll.u32 v30, $0xB;
	v5 =	vshll.u32 v31, $0xB;
	v42 =	vld [tilespmem:$0x320]  }
0xb1: {  	v7 =	vor.u32 v1, v7;
	v8 =	vor.u32 v1, v8;
	v12 =	vand.u32 $0x7FFBC000, v12;
	v45 =	vld [tilespmem:$0x330]  }
0xb2: {  	v34 =	vor.u32 v1, v4;
	v35 =	vor.u32 v1, v5;
	v5 =	vshll.u32 v36, $0xB;
	v48 =	vld [tilespmem:$0x340]  }
0xb3: {  	v7 =	vand.u32 $0x7FFA4000, v7;
	v8 =	vand.u32 $0x7FFAC000, v8;
	v10 =	vshll.u32 v41, $0xB;
	v52 =	vld [tilespmem:$0x350]  }
0xb4: {  	v2 =	vand.u32 $0x7FF8C000, v34;
	v5 =	vor.u32 v1, v5;
	v10 =	vor.u32 v1, v10;
	v58 =	vld [tilespmem:$0x360]  }
0xb5: {  	v4 =	vand.u32 $0x7FF94000, v35;
	v5 =	vand.u32 $0x7FF9C000, v5;
	v10 =	vand.u32 $0x7FFB4000, v10;
	v60 =	vld [tilespmem:$0x370]  }
0xb6: {  	v44 =	vshll.u32 v37, $0x3;
	v6 =	vand.u32 $0x7F, v37;
	v46 =	vshll.u32 v40, $0x3  }
0xb7: {  	v49 =	vand.u32 $0x7F, v40;
	v50 =	vshll.u32 v42, $0x3;
	v53 =	vand.u32 $0x7F, v42  }
0xb8: {  	v54 =	vshll.u32 v45, $0x3;
	v56 =	vand.u32 $0x7F, v45;
	v57 =	vshll.u32 v48, $0x3  }
0xb9: {  	v61 =	vshll.u32 v52, $0x3;
	v9 =	vand.u32 $0x7F, v52;
	v16 =	vshll.u32 v58, $0x3  }
0xba: {  	v18 =	vshll.u32 v60, $0x3;
	v19 =	vand.u32 $0x7F, v58;
	v22 =	vand.u32 $0x7F, v60  }
0xbb: {  	v13 =	vand.u32 $0xFFFFFC00, v44;
	v47 =	vand.u32 $0xFFFFFC00, v46;
	v51 =	vand.u32 $0xFFFFFC00, v50  }
0xbc: {  	v55 =	vand.u32 $0xFFFFFC00, v54;
	v59 =	vand.u32 $0xFFFFFC00, v57;
	v17 =	vand.u32 $0xFFFFFC00, v16  }
0xbd: {  	v3 =	vadd.s32 v33, v13;
	v2 =	vadd.s32 v2, v47;
	v4 =	vadd.s32 v4, v51  }
0xbe: {  	v5 =	vadd.s32 v5, v55;
	v13 =	vand.u32 $0x7F, v48;
	v3 =	vor.u32 v6, v3  }
0xbf: {  	v2 =	vor.u32 v49, v2;
	v4 =	vor.u32 v53, v4;
	v3 =	vor.u32 v0, v3  }
0xc0: {  	v5 =	vor.u32 v56, v5;
	v6 =	vadd.s32 v7, v59;
	v2 =	vor.u32 v0, v2;
	[tilespmem:$0x700] =	vst v3  }
0xc1: {  	v7 =	vand.u32 $0xFFFFFC00, v61;
	v4 =	vor.u32 v0, v4;
	v5 =	vor.u32 v0, v5;
	[tilespmem:$0x710] =	vst v2  }
0xc2: {  	v62 =	vor.u32 v13, v6;
	v63 =	vadd.s32 v8, v7;
	v6 =	vand.u32 $0xFFFFFC00, v18;
	[tilespmem:$0x720] =	vst v4  }
0xc3: {  	v13 =	vor.u32 v0, v62;
	v15 =	vor.u32 v9, v63;
	[tilespmem:$0x730] =	vst v5;
	v4 =	vadd.s32 v10, v17  }
0xc4: {  	s25 =	sor.u32 $0x3C0, s7;
	s28 =	sor.u32 $0x3E0, s7;
	v21 =	vadd.s32 v12, v6;
	v3 =	vor.u32 v0, v15;
	[tilespmem:$0x740] =	vst v13;
	v20 =	vor.u32 v19, v4  }
0xc5: {  	s22 =	sor.u32 $0x390, s7;
	s19 =	sor.u32 $0x380, s7;
	s24 =	sor.u32 $0x3B0, s7;
	v23 =	vor.u32 v22, v21;
	[tilespmem:$0x750] =	vst v3;
	v2 =	vor.u32 v0, v20  }
0xc6: {  	s26 =	sor.u32 $0x3D0, s7;
	s23 =	sor.u32 $0x3A0, s7;
	s7 =	sor.u32 $0x3F0, s7;
	v28 =	vmov s24;
	v30 =	vmov s25;
	v24 =	vor.u32 v0, v23;
	[tilespmem:$0x760] =	vst v2  }
0xc7: {  	s20 =	simm.s32 $0x700;
	s21 =	simm.s32 $0xB00;
	v31 =	vmov s26;
	v25 =	vmov s19;
	v34 =	vmov s7;
	[tilespmem:$0x770] =	vst v24  }
0xc8: {  	v26 =	vmov s22;
	v27 =	vmov s23;
	v11 =	vshll.u32 v34, $0xB;
	[tilespmem:s21], [sflag:$0x1] =	stream.indirect.gather [hbm4b:s5+s9], $0x1, s20, s9, $0xb8;
	[tilespmem:$0xC00] =	vst v63  }
0xc9: {  	v33 =	vmov s28;
	v7 =	vshll.u32 v30, $0xB;
	v8 =	vshll.u32 v31, $0xB;
	v29 =	vld [tilespmem:$0x380]  }
0xca: {  	v5 =	vshll.u32 v28, $0xB;
	v7 =	vor.u32 v1, v7;
	v8 =	vor.u32 v1, v8;
	v32 =	vld [tilespmem:$0x390]  }
0xcb: {  	v10 =	vshll.u32 v33, $0xB;
	v4 =	vshll.u32 v27, $0xB;
	v5 =	vor.u32 v1, v5;
	v36 =	vld [tilespmem:$0x3A0]  }
0xcc: {  	v10 =	vor.u32 v1, v10;
	v7 =	vand.u32 $0x7FFE4000, v7;
	v8 =	vand.u32 $0x7FFEC000, v8;
	v38 =	vld [tilespmem:$0x3B0]  }
0xcd: {  	v3 =	vshll.u32 v26, $0xB;
	v4 =	vor.u32 v1, v4;
	v5 =	vand.u32 $0x7FFDC000, v5;
	v39 =	vld [tilespmem:$0x3C0]  }
0xce: {  	v56 =	vand.u32 $0x7FFF4000, v10;
	v2 =	vshll.u32 v25, $0xB;
	v3 =	vor.u32 v1, v3;
	v41 =	vld [tilespmem:$0x3D0]  }
0xcf: {  	v4 =	vand.u32 $0x7FFD4000, v4;
	v2 =	vor.u32 v1, v2;
	v1 =	vor.u32 v1, v11;
	v45 =	vld [tilespmem:$0x3E0]  }
0xd0: {  	v3 =	vand.u32 $0x7FFCC000, v3;
	v2 =	vand.u32 $0x7FFC4000, v2;
	v52 =	vld [tilespmem:$0x3F0];
	v1 =	vand.u32 $0x7FFFC000, v1  }
0xd1: {  	v35 =	vshll.u32 v29, $0x3;
	v37 =	vshll.u32 v32, $0x3;
	v6 =	vand.u32 $0x7F, v29  }
0xd2: {  	v9 =	vand.u32 $0x7F, v32;
	v40 =	vshll.u32 v36, $0x3;
	v42 =	vand.u32 $0x7F, v36  }
0xd3: {  	v43 =	vshll.u32 v38, $0x3;
	v46 =	vand.u32 $0x7F, v38;
	v47 =	vshll.u32 v39, $0x3  }
0xd4: {  	v49 =	vshll.u32 v41, $0x3;
	v50 =	vand.u32 $0x7F, v39;
	v54 =	vand.u32 $0x7F, v41  }
0xd5: {  	v55 =	vshll.u32 v45, $0x3;
	v58 =	vand.u32 $0x7F, v45;
	v60 =	vshll.u32 v52, $0x3  }
0xd6: {  	v63 =	vand.u32 $0x7F, v52;
	v12 =	vand.u32 $0xFFFFFC00, v35;
	v11 =	vand.u32 $0xFFFFFC00, v37  }
0xd7: {  	v44 =	vand.u32 $0xFFFFFC00, v43;
	v48 =	vand.u32 $0xFFFFFC00, v47;
	v51 =	vand.u32 $0xFFFFFC00, v49  }
0xd8: {  	v2 =	vadd.s32 v2, v12;
	v3 =	vadd.s32 v3, v11;
	v5 =	vadd.s32 v5, v44  }
0xd9: {  	v53 =	vadd.s32 v8, v51;
	v8 =	vand.u32 $0xFFFFFC00, v55;
	v2 =	vor.u32 v6, v2  }
0xda: {  	v3 =	vor.u32 v9, v3;
	v6 =	vand.u32 $0xFFFFFC00, v40;
	v2 =	vor.u32 v0, v2  }
0xdb: {  	v5 =	vor.u32 v46, v5;
	v4 =	vadd.s32 v4, v6;
	v3 =	vor.u32 v0, v3;
	[tilespmem:$0x780] =	vst v2  }
0xdc: {  	v6 =	vadd.s32 v7, v48;
	v7 =	vor.u32 v54, v53;
	v59 =	vor.u32 v0, v5;
	[tilespmem:$0x790] =	vst v3  }
0xdd: {  	v4 =	vor.u32 v42, v4;
	v6 =	vor.u32 v50, v6;
	[tilespmem:$0x7B0] =	vst v59;
	v62 =	vor.u32 v0, v7  }
0xde: {  	v2 =	vadd.s32 v56, v8;
	v57 =	vor.u32 v0, v4;
	v4 =	vand.u32 $0xFFFFFC00, v60;
	[tilespmem:$0x7D0] =	vst v62  }
0xdf: {  	v2 =	vor.u32 v58, v2;
	v61 =	vor.u32 v0, v6;
	[tilespmem:$0x7A0] =	vst v57;
	v1 =	vadd.s32 v1, v4  }
0xe0: {  	[tilespmem:$0x7C0] =	vst v61;
	v2 =	vor.u32 v0, v2;
	v1 =	vor.u32 v63, v1  }
0xe1: {  	[tilespmem:$0x7E0] =	vst v2;
	v0 =	vor.u32 v0, v1  }
0xe2: {  	s31 =	simm.s32 $0x1;
	s29 =	simm.s32 $0x780;
	s30 =	simm.s32 $0xB80;
	[tilespmem:$0x7F0] =	vst v0  }
0xe3: {  	[tilespmem:s30], [sflag:$0x1] =	stream.indirect.gather [hbm4b:s5+s9], $0x1, s29, s9, $0xb8;
	[tilespmem:$0xC00] =	vst v63  }
0xe4: {  	_ =	swait.ge [sflag:s31], $0x80  }
0xe5: {  	[sflag:s31] =	ssyncset.done $0x0  }
0xe6: {  	[sflag:s31] =	ssyncadd.s32 $0xFFFFFF80  }
0xe7: {  	_ =	swait.ge [sflag:s31], $0x80  }
0xe8: {  	[sflag:s31] =	ssyncset.done $0x0  }
0xe9: {  	[sflag:s31] =	ssyncadd.s32 $0xFFFFFF80  }
0xea: {  	_ =	swait.ge [sflag:s31], $0x80  }
0xeb: {  	[sflag:s31] =	ssyncset.done $0x0  }
0xec: {  	[sflag:s31] =	ssyncadd.s32 $0xFFFFFF80  }
0xed: {  	_ =	swait.ge [sflag:s31], $0x80  }
0xee: {  	[sflag:s31] =	ssyncset.done $0x0  }
0xef: {  	[sflag:s31] =	ssyncadd.s32 $0xFFFFFF80  }
0xf0: {  	_ =	swait.ge [sflag:s31], $0x80  }
0xf1: {  	[sflag:s31] =	ssyncset.done $0x0  }
0xf2: {  	[sflag:s31] =	ssyncadd.s32 $0xFFFFFF80  }
0xf3: {  	_ =	swait.ge [sflag:s31], $0x80  }
0xf4: {  	[sflag:s31] =	ssyncset.done $0x0  }
0xf5: {  	[sflag:s31] =	ssyncadd.s32 $0xFFFFFF80  }
0xf6: {  	_ =	swait.ge [sflag:s31], $0x80  }
0xf7: {  	[sflag:s31] =	ssyncset.done $0x0  }
0xf8: {  	[sflag:s31] =	ssyncadd.s32 $0xFFFFFF80  }
0xf9: {  	_ =	swait.ge [sflag:s31], $0x80  }
0xfa: {  	[sflag:s31] =	ssyncset.done $0x0  }
0xfb: {  	s2 =	sadd.s32 s2, s4;
	[sflag:s31] =	ssyncadd.s32 $0xFFFFFF80  }
0xfc: {  	[hbm4b:s2+s3] =	stream.linear.scatter [tilespmem:s8], [sflag:$0x2], $0x400, $0x38;
	[tilespmem:$0xC00] =	vst v63  }
0xfd: {  	_ =	swait.ge [sflag:s6], $0x400  }
0xfe: {  	[sflag:s6] =	ssyncset.done $0x0  }
0xff: {  	[sflag:s6] =	ssyncadd.s32 $0xFFFFFC00  }
0x100: {  	_ =	sfence.sel $0x180000  }
0x101: {  	[bflag:$0x0] =	sbarrier.arrive $0xFFFF  }
0x102: {  	p0 =	sne.s32 s0, $0x0;
	_ =	strace $0x90000047  }
0x103: {  	s0 =	sadd.s32 @!p0 $0x100000, s1;
	[bflag:$0x2] =	sbarrier.arrive $0xFFFF  }
0x104: {  	[sflag:s0] =	ssyncadd.tile.s32 @!p0 $0x1;
	_ =	shalt  }
.Lfunc_end2:
_tile_overlayer_lowered:
.L_overlay_start_2:
0x105: {  	(tag) =	ssettag $0x2  }
0x106: {  	s0 =	rddreg [dreg:$0x0];
	s2 =	stileid.u32  }
0x107: {  	s1 =	rddreg [dreg:$0x1];
	p0 =	sne.s32 s2, $0x0  }
0x108: {  	s3 =	rddreg [dreg:$0x2];
	[bflag:$0x3] =	sbarrier.arrive $0xFFFF;
	s2 =	simm.s32 @!p0 $0x1C02  }
0x109: {  	[timem:s3], [sflag:s2] =	dma.local @!p0 [hbm:s0], s1  }
0x10a: {  	s0 =	simm.s32 @!p0 $0x2  }
0x10b: {  	_ =	swait.ge @!p0 [sflag:s0], s1  }
0x10c: {  	s1 =	ssub.s32 @!p0 $0x0, s1;
	[sflag:s0] =	ssyncset.done @!p0 $0x0  }
0x10d: {  	[sflag:s0] =	ssyncadd.s32 @!p0 s1  }
0x10e: {  	[bflag:$0x3] =	sbarrier.arrive $0xFFFF  }
0x10f: {  	_ =	shalt  }

</sc_bundles>
